<compile_context>
chip_gen: v7x
topology: tpu7x:2x2x1
jax: 0.10.2.dev20260603
libtpu: 0.0.44.dev20260713+nightly
codegen_flags: <defaults>
</compile_context>

<pallas_src>
import jax
import jax.numpy as jnp
from jax import lax
from jax.experimental import pallas as pl
from jax.experimental.pallas import tpu as pltpu
from jax.experimental.pallas import tpu_sc as plsc

_N = 10000
_E = 320000
_D = 128
_DE = 16
_H = 256
_EPS = 1e-7
_BN_EPS = 1e-5

_NC = 2
_NS = 16
_LANES = 16
_NW = _NC * _NS
_EPW = _E // _NW
_BLK = 40
_NBLK = _EPW // _BLK
_RPT = 640
_STRIDE = 624
_CPAD = 10240
_CRPT = _CPAD // _NS
_CHUNKS = _D // _LANES

_MESH = dict(core_axis_name="c", subcore_axis_name="s",
             num_cores=_NC, num_subcores=_NS)


def _sc_msg_body(x_hbm, e_hbm, z_hbm, src_hbm, dst3_hbm, out_hbm, agg_sh,
                 srcall_v, dstall_v,
                 xb0, xb1, mb0, mb1,
                 gs0, gs1, es0, es1, ss0, ss1):
    xb = (xb0, xb1)
    mb = (mb0, mb1)
    gs = (gs0, gs1)
    es = (es0, es1)
    ss = (ss0, ss1)
    cid = lax.axis_index("c")
    sid = lax.axis_index("s")
    wid = cid * _NS + sid
    ebase = wid * _EPW

    pltpu.sync_copy(src_hbm.at[pl.ds(ebase, _EPW)], srcall_v)
    pltpu.sync_copy(dst3_hbm.at[wid], dstall_v)

    row0 = jnp.minimum(sid * _STRIDE, _N - _RPT)
    pltpu.sync_copy(z_hbm.at[pl.ds(row0, _RPT)], agg_sh.at[pl.ds(row0, _RPT)])
    plsc.subcore_barrier()

    def _gather(k, b):
        return pltpu.make_async_copy(
            x_hbm.at[srcall_v.at[pl.ds(k * _BLK, _BLK)]], xb[b], gs[b])

    def _eload(k, b):
        return pltpu.make_async_copy(
            e_hbm.at[pl.ds(ebase + k * _BLK, _BLK)], mb[b], es[b])

    def _scat_start(k, b):
        pltpu.async_copy(mb[b], agg_sh.at[dstall_v.at[k]], ss[b], add=True)

    def _scat_wait(b):
        pltpu.make_async_copy(mb[b], agg_sh.at[dstall_v.at[0]], ss[b]).wait()

    _gather(0, 0).start()
    _gather(1, 1).start()
    _eload(0, 0).start()

    def _grp(g, _):
        for b in range(2):
            k = g * 2 + b
            bo = 1 - b

            @pl.when(k >= 1)
            def _():
                _scat_wait(bo)

            @pl.when(k + 1 < _NBLK)
            def _():
                _eload(k + 1, bo).start()

            _gather(k, b).wait()
            _eload(0, b).wait()

            def _row(r, _):
                for c in range(_CHUNKS):
                    sl = pl.ds(c * _LANES, _LANES)
                    v = xb[b][r, sl] + mb[b][r, sl]
                    mb[b][r, sl] = jnp.maximum(v, 0.0) + _EPS
                return 0
            lax.fori_loop(0, _BLK, _row, 0)

            _scat_start(k, b)

            @pl.when(k + 2 < _NBLK)
            def _():
                _gather(k + 2, b).start()
        return 0
    lax.fori_loop(0, _NBLK // 2, _grp, 0)

    _scat_wait(1)

    plsc.subcore_barrier()
    pltpu.sync_copy(agg_sh.at[pl.ds(row0, _RPT)], out_hbm.at[cid, pl.ds(row0, _RPT)])


_sc_msg = pl.kernel(
    _sc_msg_body,
    out_type=jax.ShapeDtypeStruct((_NC, _N, _D), jnp.float32),
    mesh=plsc.VectorSubcoreMesh(**_MESH),
    scratch_types=[
        pltpu.VMEM_SHARED((_N, _D), jnp.float32),
        pltpu.VMEM((_EPW,), jnp.int32),
        pltpu.VMEM((_NBLK, _BLK), jnp.int32),
    ] + [pltpu.VMEM((_BLK, _D), jnp.float32)] * 4
      + [pltpu.SemaphoreType.DMA] * 6,
    compiler_params=pltpu.CompilerParams(use_tc_tiling_on_sc=False),
    name="genconv_sc_msg",
)


def _sc_cnt_body(dst_hbm, cnt_hbm, cnt_sh, zcnt_v, dst_v, ones_v):
    cid = lax.axis_index("c")
    sid = lax.axis_index("s")
    wid = cid * _NS + sid

    def _zcnt(r, _):
        zcnt_v[r, :] = jnp.zeros((_LANES,), jnp.float32)
        return 0
    lax.fori_loop(0, _CRPT, _zcnt, 0)

    def _ones(r, _):
        ones_v[r, :] = jnp.ones((_LANES,), jnp.float32)
        return 0
    lax.fori_loop(0, _BLK, _ones, 0)

    row0 = sid * _CRPT
    pltpu.sync_copy(zcnt_v, cnt_sh.at[pl.ds(row0, _CRPT)])
    plsc.subcore_barrier()

    def _block(blk, _):
        base = wid * _EPW + blk * _BLK
        pltpu.sync_copy(dst_hbm.at[pl.ds(base, _BLK)], dst_v)
        pltpu.sync_copy(ones_v, cnt_sh.at[dst_v], add=True)
        return 0
    lax.fori_loop(0, _NBLK, _block, 0)

    plsc.subcore_barrier()
    pltpu.sync_copy(cnt_sh.at[pl.ds(row0, _CRPT)], cnt_hbm.at[cid, pl.ds(row0, _CRPT)])


_sc_cnt = pl.kernel(
    _sc_cnt_body,
    out_type=jax.ShapeDtypeStruct((_NC, _CPAD, _LANES), jnp.float32),
    mesh=plsc.VectorSubcoreMesh(**_MESH),
    scratch_types=[
        pltpu.VMEM_SHARED((_CPAD, _LANES), jnp.float32),
        pltpu.VMEM((_CRPT, _LANES), jnp.float32),
        pltpu.VMEM((_BLK,), jnp.int32),
        pltpu.VMEM((_BLK, _LANES), jnp.float32),
    ],
    compiler_params=pltpu.CompilerParams(use_tc_tiling_on_sc=False),
    name="genconv_sc_cnt",
)


_EB = 2000


def _edge_proj_body(ea_ref, w0_ref, w1_ref, w2_ref, e0_ref, e1_ref, e2_ref):
    a = ea_ref[...]
    e0_ref[...] = jnp.dot(a, w0_ref[...], preferred_element_type=jnp.float32)
    e1_ref[...] = jnp.dot(a, w1_ref[...], preferred_element_type=jnp.float32)
    e2_ref[...] = jnp.dot(a, w2_ref[...], preferred_element_type=jnp.float32)


def _edge_proj(edge_attr, We0, We1, We2):
    grid = (_E // _EB,)
    w_spec = pl.BlockSpec((_DE, _D), lambda i: (0, 0))
    e_spec = pl.BlockSpec((_EB, _D), lambda i: (i, 0))
    return pl.pallas_call(
        _edge_proj_body,
        grid=grid,
        in_specs=[pl.BlockSpec((_EB, _DE), lambda i: (i, 0)), w_spec, w_spec, w_spec],
        out_specs=[e_spec, e_spec, e_spec],
        out_shape=[jax.ShapeDtypeStruct((_E, _D), jnp.float32)] * 3,
    )(edge_attr, We0, We1, We2)


_NB = 2000


def _mlp_body(final, p0_ref, p1_ref, inv_ref, x_ref, w1_ref, w2_ref, g_ref,
              b_ref, wh_ref, bh_ref, o_ref):
    out = (p0_ref[0] + p1_ref[0]) * inv_ref[...] + x_ref[...]
    h = jnp.dot(out, w1_ref[...], preferred_element_type=jnp.float32)
    scale = g_ref[...] * (1.0 / jnp.sqrt(1.0 + _BN_EPS))
    h = jnp.maximum(h * scale + b_ref[...], 0.0)
    y = jnp.maximum(jnp.dot(h, w2_ref[...], preferred_element_type=jnp.float32), 0.0)
    if final:
        o_ref[...] = jnp.sum(y * wh_ref[...], axis=1, keepdims=True) + bh_ref[...]
    else:
        o_ref[...] = y


def _mlp(p, inv, x, W1, W2, gamma, beta, Wh, bh, final):
    import functools
    grid = (_N // _NB,)
    in_specs = [
        pl.BlockSpec((1, _NB, _D), lambda i: (0, i, 0)),
        pl.BlockSpec((1, _NB, _D), lambda i: (1, i, 0)),
        pl.BlockSpec((_NB, 1), lambda i: (i, 0)),
        pl.BlockSpec((_NB, _D), lambda i: (i, 0)),
        pl.BlockSpec((_D, _H), lambda i: (0, 0)),
        pl.BlockSpec((_H, _D), lambda i: (0, 0)),
        pl.BlockSpec((1, _H), lambda i: (0, 0)),
        pl.BlockSpec((1, _H), lambda i: (0, 0)),
        pl.BlockSpec((1, _D), lambda i: (0, 0)),
        pl.BlockSpec((1, 1), lambda i: (0, 0)),
    ]
    if final:
        out_spec = pl.BlockSpec((_NB, 1), lambda i: (i, 0))
        out_shape = jax.ShapeDtypeStruct((_N, 1), jnp.float32)
    else:
        out_spec = pl.BlockSpec((_NB, _D), lambda i: (i, 0))
        out_shape = jax.ShapeDtypeStruct((_N, _D), jnp.float32)
    return pl.pallas_call(
        functools.partial(_mlp_body, final),
        grid=grid,
        in_specs=in_specs,
        out_specs=out_spec,
        out_shape=out_shape,
    )(p, p, inv, x, W1, W2, gamma.reshape(1, _H), beta.reshape(1, _H),
      Wh.reshape(1, _D), bh.reshape(1, 1))


def kernel(x, edge_index, edge_attr, batch, num_graphs, graph_features,
           We0, W10, W20, gamma0, beta0,
           We1, W11, W21, gamma1, beta1,
           We2, W12, W22, gamma2, beta2,
           Wh, bh):
    src = edge_index[0]
    dst = edge_index[1]
    dst3 = dst.reshape(_NW, _NBLK, _BLK)
    zrows = jnp.zeros((_N, _D), jnp.float32)
    e0, e1, e2 = _edge_proj(edge_attr, We0, We1, We2)

    cnt2 = _sc_cnt(dst)
    cnt = cnt2[0, :_N, 0] + cnt2[1, :_N, 0]
    inv = (1.0 / jnp.maximum(cnt, 1.0)).reshape(_N, 1)

    p = _sc_msg(x, e0, zrows, src, dst3)
    h1 = _mlp(p, inv, x, W10, W20, gamma0, beta0, Wh, bh, final=False)
    p = _sc_msg(h1, e1, zrows, src, dst3)
    h2 = _mlp(p, inv, h1, W11, W21, gamma1, beta1, Wh, bh, final=False)
    p = _sc_msg(h2, e2, zrows, src, dst3)
    return _mlp(p, inv, h2, W12, W22, gamma2, beta2, Wh, bh, final=True)

# --- scband reference (transcript-rebuilt; emitter-appended) ---
"""Pipeline reference for scband-obm-genconv-69947837382706 (READ-ONLY COPY).

The authoritative reference and input builder live on the scoring server;
editing this copy changes nothing except your own understanding.
"""

import jax, jax.numpy as jnp
import numpy as np

N = 10000
E = 320000
D = 128
DE = 16
H = 256
L = 3
EPS = 1e-7
BN_EPS = 1e-5


def setup_inputs(seed: int = 0) -> dict:
    key = jax.random.key(seed)
    ks = jax.random.split(key, 32)
    inp = {}
    inp["x"] = jax.random.normal(ks[0], (N, D), dtype=jnp.float32)
    inp["edge_index"] = jax.random.randint(ks[1], (2, E), 0, N, dtype=jnp.int32)
    inp["edge_attr"] = jax.random.normal(ks[2], (E, DE), dtype=jnp.float32)
    inp["batch"] = jnp.zeros((N,), dtype=jnp.int32)
    inp["num_graphs"] = 1
    inp["graph_features"] = jnp.zeros((0,), dtype=jnp.float32)
    i = 3
    for l in range(L):
        inp["We%d" % l] = jax.random.normal(ks[i], (DE, D), dtype=jnp.float32) / np.sqrt(DE); i += 1
        inp["W1%d" % l] = jax.random.normal(ks[i], (D, H), dtype=jnp.float32) / np.sqrt(D); i += 1
        inp["W2%d" % l] = jax.random.normal(ks[i], (H, D), dtype=jnp.float32) / np.sqrt(H); i += 1
        inp["gamma%d" % l] = jnp.ones((H,), dtype=jnp.float32)
        inp["beta%d" % l] = jnp.zeros((H,), dtype=jnp.float32)
    inp["Wh"] = jax.random.normal(ks[i], (D, 1), dtype=jnp.float32) / np.sqrt(D); i += 1
    inp["bh"] = jnp.zeros((1,), dtype=jnp.float32)
    return inp


def _gen_conv(x, edge_attr, src, dst, We, W1, W2, gamma, beta):
    # GENConv (PyG): lin_src/lin_dst are identity since in_channels == out_channels.
    # lin_edge projects edge features to out_channels (bias=False default).
    e = edge_attr @ We
    # message: relu(x_j + edge_attr) + eps
    msg = jax.nn.relu(x[src] + e) + EPS
    # aggr='mean' over destination nodes
    s = jax.ops.segment_sum(msg, dst, num_segments=N)
    cnt = jax.ops.segment_sum(jnp.ones((E, 1), dtype=x.dtype), dst, num_segments=N)
    agg = s / jnp.maximum(cnt, 1.0)
    # residual with dst features
    out = agg + x
    # MLP: Linear(D,H) -> BatchNorm(eval: mean=0,var=1) -> ReLU -> Linear(H,D); bias=False
    h = out @ W1
    h = h / jnp.sqrt(1.0 + BN_EPS) * gamma + beta
    h = jax.nn.relu(h)
    return h @ W2


def reference(x, edge_index, edge_attr, batch, num_graphs, graph_features,
              We0, W10, W20, gamma0, beta0,
              We1, W11, W21, gamma1, beta1,
              We2, W12, W22, gamma2, beta2,
              Wh, bh):
    src = edge_index[0]
    dst = edge_index[1]
    layer_params = [
        (We0, W10, W20, gamma0, beta0),
        (We1, W11, W21, gamma1, beta1),
        (We2, W12, W22, gamma2, beta2),
    ]
    h = x
    for (We, W1, W2, g, b) in layer_params:
        h = _gen_conv(h, edge_attr, src, dst, We, W1, W2, g, b)
        h = jax.nn.relu(h)
        # dropout p=0.0 (eval mode): no-op
    # graph_feature_dim == 0 -> regression head directly on node embeddings
    return h @ Wh + bh

if __name__ == "__main__":
    import jax
    _d = setup_inputs()
    print(jax.jit(kernel)(*tuple(_d.values())))

</pallas_src>

<mosaic_0001>
#map = affine_map<(d0, d1) -> (0, 0)>
#map1 = affine_map<(d0, d1) -> (0)>
#map2 = affine_map<(d0, d1) -> (0, 0, 0)>
module attributes {stable_mosaic.version = 14 : i64} {
  func.func @genconv_sc_msg(%arg0: i32, %arg1: i32, %arg2: memref<10000x128xf32, #tpu.memory_space<hbm>>, %arg3: memref<320000x128xf32, #tpu.memory_space<hbm>>, %arg4: memref<10000x128xf32, #tpu.memory_space<hbm>>, %arg5: memref<320000xi32, #tpu.memory_space<hbm>>, %arg6: memref<32x250x40xi32, #tpu.memory_space<hbm>>, %arg7: memref<2x10000x128xf32, #tpu.memory_space<hbm>>, %arg8: memref<10000x128xf32, #tpu.memory_space<vmem_shared>>, %arg9: memref<10000xi32, #tpu.memory_space<vmem>>, %arg10: memref<250x40xi32, #tpu.memory_space<vmem>>, %arg11: memref<40x128xf32, #tpu.memory_space<vmem>>, %arg12: memref<40x128xf32, #tpu.memory_space<vmem>>, %arg13: memref<40x128xf32, #tpu.memory_space<vmem>>, %arg14: memref<40x128xf32, #tpu.memory_space<vmem>>, %arg15: memref<!tpu.dma_semaphore, #tpu.memory_space<semaphore_mem>>, %arg16: memref<!tpu.dma_semaphore, #tpu.memory_space<semaphore_mem>>, %arg17: memref<!tpu.dma_semaphore, #tpu.memory_space<semaphore_mem>>, %arg18: memref<!tpu.dma_semaphore, #tpu.memory_space<semaphore_mem>>, %arg19: memref<!tpu.dma_semaphore, #tpu.memory_space<semaphore_mem>>, %arg20: memref<!tpu.dma_semaphore, #tpu.memory_space<semaphore_mem>>) attributes {dimension_semantics = [#tpu.dimension_semantics<core_parallel>, #tpu.dimension_semantics<subcore_parallel>], iteration_bounds = array<i64: 2, 16>, scalar_prefetch = 0 : i64, scratch_operands = 13 : i64, tpu.core_type = #tpu.core_type<sc_vector_subcore>, window_params = [{transform_indices = #map}, {transform_indices = #map}, {transform_indices = #map}, {transform_indices = #map1}, {transform_indices = #map2}, {transform_indices = #map2}]} {
    %mul3A = arith.constant 16 : i32
    %mul3A_0 = arith.muli %arg0, %mul3A : i32
    %add3A = arith.addi %mul3A_0, %arg1 : i32
    %mul3A_1 = arith.constant 10000 : i32
    %mul3A_2 = arith.muli %add3A, %mul3A_1 : i32
    "tpu.region"() ({
      %run_scoped3A = tpu.sem_alloc : memref<!tpu.dma_semaphore, #tpu.memory_space<semaphore_mem>>
      %dma_start3A_34 = tpu.memref_slice %arg5[%mul3A_2] : memref<320000xi32, #tpu.memory_space<hbm>> -> memref<10000xi32, #tpu.memory_space<hbm>>
      %dma_start3A_35 = tpu.memref_slice %arg5[%mul3A_2] : memref<320000xi32, #tpu.memory_space<hbm>> -> memref<10000xi32, #tpu.memory_space<hbm>>
      tpu.enqueue_dma source(%dma_start3A_35 : memref<10000xi32, #tpu.memory_space<hbm>>) target(%arg9 : memref<10000xi32, #tpu.memory_space<vmem>>) target_semaphore(%run_scoped3A : memref<!tpu.dma_semaphore, #tpu.memory_space<semaphore_mem>>)
      %dma_wait3A_36 = tpu.memref_slice %arg5[%mul3A_2] : memref<320000xi32, #tpu.memory_space<hbm>> -> memref<10000xi32, #tpu.memory_space<hbm>>
      %dma_wait3A_37 = tpu.memref_slice %arg5[%mul3A_2] : memref<320000xi32, #tpu.memory_space<hbm>> -> memref<10000xi32, #tpu.memory_space<hbm>>
      tpu.wait_dma2 semaphore(%run_scoped3A : memref<!tpu.dma_semaphore, #tpu.memory_space<semaphore_mem>>) src(%dma_wait3A_37 : memref<10000xi32, #tpu.memory_space<hbm>>) dst(%arg9 : memref<10000xi32, #tpu.memory_space<vmem>>)
      tpu.yield
    }) : () -> ()
    "tpu.region"() ({
      %run_scoped3A = tpu.sem_alloc : memref<!tpu.dma_semaphore, #tpu.memory_space<semaphore_mem>>
      %dma_start3A_34 = arith.constant 0 : i32
      %dma_start3A_35 = arith.constant 0 : i32
      %dma_start3A_36 = tpu.memref_slice %arg6[%add3A, %dma_start3A_34, %dma_start3A_35] : memref<32x250x40xi32, #tpu.memory_space<hbm>> -> memref<1x250x40xi32, #tpu.memory_space<hbm>>
      %dma_start3A_37 = tpu.memref_squeeze %dma_start3A_36 : memref<1x250x40xi32, #tpu.memory_space<hbm>> -> memref<250x40xi32, #tpu.memory_space<hbm>>
      %dma_start3A_38 = arith.constant 0 : i32
      %dma_start3A_39 = arith.constant 0 : i32
      %dma_start3A_40 = tpu.memref_slice %arg6[%add3A, %dma_start3A_38, %dma_start3A_39] : memref<32x250x40xi32, #tpu.memory_space<hbm>> -> memref<1x250x40xi32, #tpu.memory_space<hbm>>
      %dma_start3A_41 = tpu.memref_squeeze %dma_start3A_40 : memref<1x250x40xi32, #tpu.memory_space<hbm>> -> memref<250x40xi32, #tpu.memory_space<hbm>>
      tpu.enqueue_dma source(%dma_start3A_41 : memref<250x40xi32, #tpu.memory_space<hbm>>) target(%arg10 : memref<250x40xi32, #tpu.memory_space<vmem>>) target_semaphore(%run_scoped3A : memref<!tpu.dma_semaphore, #tpu.memory_space<semaphore_mem>>)
      %dma_wait3A_42 = arith.constant 0 : i32
      %dma_wait3A_43 = arith.constant 0 : i32
      %dma_wait3A_44 = tpu.memref_slice %arg6[%add3A, %dma_wait3A_42, %dma_wait3A_43] : memref<32x250x40xi32, #tpu.memory_space<hbm>> -> memref<1x250x40xi32, #tpu.memory_space<hbm>>
      %dma_wait3A_45 = tpu.memref_squeeze %dma_wait3A_44 : memref<1x250x40xi32, #tpu.memory_space<hbm>> -> memref<250x40xi32, #tpu.memory_space<hbm>>
      %dma_wait3A_46 = arith.constant 0 : i32
      %dma_wait3A_47 = arith.constant 0 : i32
      %dma_wait3A_48 = tpu.memref_slice %arg6[%add3A, %dma_wait3A_46, %dma_wait3A_47] : memref<32x250x40xi32, #tpu.memory_space<hbm>> -> memref<1x250x40xi32, #tpu.memory_space<hbm>>
      %dma_wait3A_49 = tpu.memref_squeeze %dma_wait3A_48 : memref<1x250x40xi32, #tpu.memory_space<hbm>> -> memref<250x40xi32, #tpu.memory_space<hbm>>
      tpu.wait_dma2 semaphore(%run_scoped3A : memref<!tpu.dma_semaphore, #tpu.memory_space<semaphore_mem>>) src(%dma_wait3A_49 : memref<250x40xi32, #tpu.memory_space<hbm>>) dst(%arg10 : memref<250x40xi32, #tpu.memory_space<vmem>>)
      tpu.yield
    }) : () -> ()
    %mul3A_3 = arith.constant 624 : i32
    %mul3A_4 = arith.muli %arg1, %mul3A_3 : i32
    %min3A = arith.constant 9360 : i32
    %min3A_5 = arith.minsi %mul3A_4, %min3A : i32
    "tpu.region"() ({
      %run_scoped3A = tpu.sem_alloc : memref<!tpu.dma_semaphore, #tpu.memory_space<semaphore_mem>>
      %dma_start3A_34 = arith.constant 0 : i32
      %dma_start3A_35 = tpu.memref_slice %arg8[%min3A_5, %dma_start3A_34] : memref<10000x128xf32, #tpu.memory_space<vmem_shared>> -> memref<640x128xf32, #tpu.memory_space<vmem_shared>>
      %dma_start3A_36 = arith.constant 0 : i32
      %dma_start3A_37 = tpu.memref_slice %arg4[%min3A_5, %dma_start3A_36] : memref<10000x128xf32, #tpu.memory_space<hbm>> -> memref<640x128xf32, #tpu.memory_space<hbm>>
      tpu.enqueue_dma source(%dma_start3A_37 : memref<640x128xf32, #tpu.memory_space<hbm>>) target(%dma_start3A_35 : memref<640x128xf32, #tpu.memory_space<vmem_shared>>) target_semaphore(%run_scoped3A : memref<!tpu.dma_semaphore, #tpu.memory_space<semaphore_mem>>)
      %dma_wait3A_38 = arith.constant 0 : i32
      %dma_wait3A_39 = tpu.memref_slice %arg8[%min3A_5, %dma_wait3A_38] : memref<10000x128xf32, #tpu.memory_space<vmem_shared>> -> memref<640x128xf32, #tpu.memory_space<vmem_shared>>
      %dma_wait3A_40 = arith.constant 0 : i32
      %dma_wait3A_41 = tpu.memref_slice %arg4[%min3A_5, %dma_wait3A_40] : memref<10000x128xf32, #tpu.memory_space<hbm>> -> memref<640x128xf32, #tpu.memory_space<hbm>>
      tpu.wait_dma2 semaphore(%run_scoped3A : memref<!tpu.dma_semaphore, #tpu.memory_space<semaphore_mem>>) src(%dma_wait3A_41 : memref<640x128xf32, #tpu.memory_space<hbm>>) dst(%dma_wait3A_39 : memref<640x128xf32, #tpu.memory_space<vmem_shared>>)
      tpu.yield
    }) : () -> ()
    %barrier3A = arith.constant 0 : index
    tpu.barrier barrier_id(%barrier3A)
    %dma_start3A = arith.constant 0 : i32
    %dma_start3A_6 = tpu.memref_slice %arg9[%dma_start3A] : memref<10000xi32, #tpu.memory_space<vmem>> -> memref<40xi32, #tpu.memory_space<vmem>>
    %dma_start3A_7 = arith.constant 0 : i32
    %dma_start3A_8 = arith.constant 0 : i32
    %dma_start3A_9 = tpu.memref_slice %arg2[%dma_start3A_7, %dma_start3A_8] : memref<10000x128xf32, #tpu.memory_space<hbm>> -> memref<10000x128xf32, #tpu.memory_space<hbm>>
    tpu.enqueue_indirect_dma source(%dma_start3A_9 : memref<10000x128xf32, #tpu.memory_space<hbm>>) target(%arg11 : memref<40x128xf32, #tpu.memory_space<vmem>>) offsets(%dma_start3A_6 : memref<40xi32, #tpu.memory_space<vmem>>) semaphore(%arg15 : memref<!tpu.dma_semaphore, #tpu.memory_space<semaphore_mem>>)
    %dma_start3A_10 = arith.constant 40 : i32
    %dma_start3A_11 = tpu.memref_slice %arg9[%dma_start3A_10] : memref<10000xi32, #tpu.memory_space<vmem>> -> memref<40xi32, #tpu.memory_space<vmem>>
    %dma_start3A_12 = arith.constant 0 : i32
    %dma_start3A_13 = arith.constant 0 : i32
    %dma_start3A_14 = tpu.memref_slice %arg2[%dma_start3A_12, %dma_start3A_13] : memref<10000x128xf32, #tpu.memory_space<hbm>> -> memref<10000x128xf32, #tpu.memory_space<hbm>>
    tpu.enqueue_indirect_dma source(%dma_start3A_14 : memref<10000x128xf32, #tpu.memory_space<hbm>>) target(%arg12 : memref<40x128xf32, #tpu.memory_space<vmem>>) offsets(%dma_start3A_11 : memref<40xi32, #tpu.memory_space<vmem>>) semaphore(%arg16 : memref<!tpu.dma_semaphore, #tpu.memory_space<semaphore_mem>>)
    %add3A_15 = arith.constant 0 : i32
    %add3A_16 = arith.addi %mul3A_2, %add3A_15 : i32
    %dma_start3A_17 = arith.constant 0 : i32
    %dma_start3A_18 = tpu.memref_slice %arg3[%add3A_16, %dma_start3A_17] : memref<320000x128xf32, #tpu.memory_space<hbm>> -> memref<40x128xf32, #tpu.memory_space<hbm>>
    %dma_start3A_19 = arith.constant 0 : i32
    %dma_start3A_20 = tpu.memref_slice %arg3[%add3A_16, %dma_start3A_19] : memref<320000x128xf32, #tpu.memory_space<hbm>> -> memref<40x128xf32, #tpu.memory_space<hbm>>
    tpu.enqueue_dma source(%dma_start3A_20 : memref<40x128xf32, #tpu.memory_space<hbm>>) target(%arg13 : memref<40x128xf32, #tpu.memory_space<vmem>>) target_semaphore(%arg17 : memref<!tpu.dma_semaphore, #tpu.memory_space<semaphore_mem>>)
    %scan3A = arith.constant 0 : i32
    %scan3A_21 = arith.constant 0 : i32
    %scan3A_22 = arith.constant 125 : i32
    %scan3A_23 = arith.addi %scan3A_21, %scan3A_22 : i32
    %scan3A_24 = arith.constant 1 : i32
    %scan3A_25 = scf.for %scan3A_34 = %scan3A_21 to %scan3A_23 step %scan3A_24 iter_args(%scan3A_35 = %scan3A) -> (i32)  : i32 {
      %mul3A_36 = arith.constant 2 : i32
      %mul3A_37 = arith.muli %scan3A_34, %mul3A_36 : i32
      %add3A_38 = arith.constant 0 : i32
      %add3A_39 = arith.addi %mul3A_37, %add3A_38 : i32
      %ge3A = arith.constant 1 : i32
      %ge3A_40 = arith.cmpi sge, %add3A_39, %ge3A : i32
      %convert_element_type3A = arith.extui %ge3A_40 : i1 to i32
      %cond3A = arith.constant 0 : i32
      %cond3A_41 = arith.cmpi ne, %convert_element_type3A, %cond3A : i32
      scf.if %cond3A_41 {
        %dma_wait3A_129 = arith.constant 0 : i32
        %dma_wait3A_130 = arith.constant 0 : i32
        %dma_wait3A_131 = tpu.memref_slice %arg10[%dma_wait3A_129, %dma_wait3A_130] : memref<250x40xi32, #tpu.memory_space<vmem>> -> memref<1x40xi32, #tpu.memory_space<vmem>>
        %dma_wait3A_132 = tpu.memref_squeeze %dma_wait3A_131 : memref<1x40xi32, #tpu.memory_space<vmem>> -> memref<40xi32, #tpu.memory_space<vmem>>
        %dma_wait3A_133 = arith.constant 0 : i32
        %dma_wait3A_134 = arith.constant 0 : i32
        %dma_wait3A_135 = tpu.memref_slice %arg8[%dma_wait3A_133, %dma_wait3A_134] : memref<10000x128xf32, #tpu.memory_space<vmem_shared>> -> memref<10000x128xf32, #tpu.memory_space<vmem_shared>>
        tpu.wait_indirect_dma semaphore(%arg20 : memref<!tpu.dma_semaphore, #tpu.memory_space<semaphore_mem>>) src(%arg14 : memref<40x128xf32, #tpu.memory_space<vmem>>) dst(%dma_wait3A_135 : memref<10000x128xf32, #tpu.memory_space<vmem_shared>>)
      } else {
      }
      %add3A_42 = arith.constant 1 : i32
      %add3A_43 = arith.addi %add3A_39, %add3A_42 : i32
      %lt3A = arith.constant 250 : i32
      %lt3A_44 = arith.cmpi slt, %add3A_43, %lt3A : i32
      %convert_element_type3A_45 = arith.extui %lt3A_44 : i1 to i32
      %cond3A_46 = arith.constant 0 : i32
      %cond3A_47 = arith.cmpi ne, %convert_element_type3A_45, %cond3A_46 : i32
      scf.if %cond3A_47 {
        %add3A_129 = arith.constant 1 : i32
        %add3A_130 = arith.addi %add3A_39, %add3A_129 : i32
        %mul3A_131 = arith.constant 40 : i32
        %mul3A_132 = arith.muli %add3A_130, %mul3A_131 : i32
        %add3A_133 = arith.addi %mul3A_2, %mul3A_132 : i32
        %dma_start3A_134 = arith.constant 0 : i32
        %dma_start3A_135 = tpu.memref_slice %arg3[%add3A_133, %dma_start3A_134] : memref<320000x128xf32, #tpu.memory_space<hbm>> -> memref<40x128xf32, #tpu.memory_space<hbm>>
        %dma_start3A_136 = arith.constant 0 : i32
        %dma_start3A_137 = tpu.memref_slice %arg3[%add3A_133, %dma_start3A_136] : memref<320000x128xf32, #tpu.memory_space<hbm>> -> memref<40x128xf32, #tpu.memory_space<hbm>>
        tpu.enqueue_dma source(%dma_start3A_137 : memref<40x128xf32, #tpu.memory_space<hbm>>) target(%arg14 : memref<40x128xf32, #tpu.memory_space<vmem>>) target_semaphore(%arg18 : memref<!tpu.dma_semaphore, #tpu.memory_space<semaphore_mem>>)
      } else {
      }
      %mul3A_48 = arith.constant 40 : i32
      %mul3A_49 = arith.muli %add3A_39, %mul3A_48 : i32
      %dma_wait3A_50 = tpu.memref_slice %arg9[%mul3A_49] : memref<10000xi32, #tpu.memory_space<vmem>> -> memref<40xi32, #tpu.memory_space<vmem>>
      %dma_wait3A_51 = arith.constant 0 : i32
      %dma_wait3A_52 = arith.constant 0 : i32
      %dma_wait3A_53 = tpu.memref_slice %arg2[%dma_wait3A_51, %dma_wait3A_52] : memref<10000x128xf32, #tpu.memory_space<hbm>> -> memref<10000x128xf32, #tpu.memory_space<hbm>>
      tpu.wait_indirect_dma semaphore(%arg15 : memref<!tpu.dma_semaphore, #tpu.memory_space<semaphore_mem>>) src(%dma_wait3A_53 : memref<10000x128xf32, #tpu.memory_space<hbm>>) dst(%arg11 : memref<40x128xf32, #tpu.memory_space<vmem>>)
      %add3A_54 = arith.constant 0 : i32
      %add3A_55 = arith.addi %mul3A_2, %add3A_54 : i32
      %dma_wait3A_56 = arith.constant 0 : i32
      %dma_wait3A_57 = tpu.memref_slice %arg3[%add3A_55, %dma_wait3A_56] : memref<320000x128xf32, #tpu.memory_space<hbm>> -> memref<40x128xf32, #tpu.memory_space<hbm>>
      %dma_wait3A_58 = arith.constant 0 : i32
      %dma_wait3A_59 = tpu.memref_slice %arg3[%add3A_55, %dma_wait3A_58] : memref<320000x128xf32, #tpu.memory_space<hbm>> -> memref<40x128xf32, #tpu.memory_space<hbm>>
      tpu.wait_dma2 semaphore(%arg17 : memref<!tpu.dma_semaphore, #tpu.memory_space<semaphore_mem>>) src(%dma_wait3A_59 : memref<40x128xf32, #tpu.memory_space<hbm>>) dst(%arg13 : memref<40x128xf32, #tpu.memory_space<vmem>>)
      %scan3A_60 = arith.constant 0 : i32
      %scan3A_61 = arith.constant 0 : i32
      %scan3A_62 = arith.constant 40 : i32
      %scan3A_63 = arith.addi %scan3A_61, %scan3A_62 : i32
      %scan3A_64 = arith.constant 1 : i32
      %scan3A_65 = scf.for %scan3A_129 = %scan3A_61 to %scan3A_63 step %scan3A_64 iter_args(%scan3A_130 = %scan3A_60) -> (i32)  : i32 {
        %get3A = arith.index_cast %scan3A_129 : i32 to index
        %get3A_131 = arith.constant 0 : index
        %get3A_132 = tpu.vector_load %arg11[%get3A, %get3A_131] {strides = array<i32>} : memref<40x128xf32, #tpu.memory_space<vmem>>, vector<1x16xf32>,
        %get3A_133 = vector.shape_cast %get3A_132 : vector<1x16xf32> to vector<16xf32>
        %get3A_134 = arith.index_cast %scan3A_129 : i32 to index
        %get3A_135 = arith.constant 0 : index
        %get3A_136 = tpu.vector_load %arg13[%get3A_134, %get3A_135] {strides = array<i32>} : memref<40x128xf32, #tpu.memory_space<vmem>>, vector<1x16xf32>,
        %get3A_137 = vector.shape_cast %get3A_136 : vector<1x16xf32> to vector<16xf32>
        %add3A_138 = arith.addf %get3A_133, %get3A_137 : vector<16xf32>
        %max3A = arith.constant 0.000000e+00 : f32
        %max3A_139 = vector.broadcast %max3A : f32 to vector<16xf32>
        %max3A_140 = arith.maximumf %add3A_138, %max3A_139 : vector<16xf32>
        %add3A_141 = arith.constant 1.000000e-07 : f32
        %add3A_142 = vector.broadcast %add3A_141 : f32 to vector<16xf32>
        %add3A_143 = arith.addf %max3A_140, %add3A_142 : vector<16xf32>
        %swap3A = arith.index_cast %scan3A_129 : i32 to index
        %swap3A_144 = arith.constant 0 : index
        %swap3A_145 = tpu.vector_load %arg13[%swap3A, %swap3A_144] {strides = array<i32>} : memref<40x128xf32, #tpu.memory_space<vmem>>, vector<1x16xf32>,
        %swap3A_146 = vector.shape_cast %swap3A_145 : vector<1x16xf32> to vector<16xf32>
        %swap3A_147 = vector.shape_cast %add3A_143 : vector<16xf32> to vector<1x16xf32>
        tpu.vector_store %arg13[%swap3A, %swap3A_144], %swap3A_147 {strides = array<i32>} : memref<40x128xf32, #tpu.memory_space<vmem>>, vector<1x16xf32>,
        %get3A_148 = arith.index_cast %scan3A_129 : i32 to index
        %get3A_149 = arith.constant 16 : index
        %get3A_150 = tpu.vector_load %arg11[%get3A_148, %get3A_149] {strides = array<i32>} : memref<40x128xf32, #tpu.memory_space<vmem>>, vector<1x16xf32>,
        %get3A_151 = vector.shape_cast %get3A_150 : vector<1x16xf32> to vector<16xf32>
        %get3A_152 = arith.index_cast %scan3A_129 : i32 to index
        %get3A_153 = arith.constant 16 : index
        %get3A_154 = tpu.vector_load %arg13[%get3A_152, %get3A_153] {strides = array<i32>} : memref<40x128xf32, #tpu.memory_space<vmem>>, vector<1x16xf32>,
        %get3A_155 = vector.shape_cast %get3A_154 : vector<1x16xf32> to vector<16xf32>
        %add3A_156 = arith.addf %get3A_151, %get3A_155 : vector<16xf32>
        %max3A_157 = arith.constant 0.000000e+00 : f32
        %max3A_158 = vector.broadcast %max3A_157 : f32 to vector<16xf32>
        %max3A_159 = arith.maximumf %add3A_156, %max3A_158 : vector<16xf32>
        %add3A_160 = arith.constant 1.000000e-07 : f32
        %add3A_161 = vector.broadcast %add3A_160 : f32 to vector<16xf32>
        %add3A_162 = arith.addf %max3A_159, %add3A_161 : vector<16xf32>
        %swap3A_163 = arith.index_cast %scan3A_129 : i32 to index
        %swap3A_164 = arith.constant 16 : index
        %swap3A_165 = tpu.vector_load %arg13[%swap3A_163, %swap3A_164] {strides = array<i32>} : memref<40x128xf32, #tpu.memory_space<vmem>>, vector<1x16xf32>,
        %swap3A_166 = vector.shape_cast %swap3A_165 : vector<1x16xf32> to vector<16xf32>
        %swap3A_167 = vector.shape_cast %add3A_162 : vector<16xf32> to vector<1x16xf32>
        tpu.vector_store %arg13[%swap3A_163, %swap3A_164], %swap3A_167 {strides = array<i32>} : memref<40x128xf32, #tpu.memory_space<vmem>>, vector<1x16xf32>,
        %get3A_168 = arith.index_cast %scan3A_129 : i32 to index
        %get3A_169 = arith.constant 32 : index
        %get3A_170 = tpu.vector_load %arg11[%get3A_168, %get3A_169] {strides = array<i32>} : memref<40x128xf32, #tpu.memory_space<vmem>>, vector<1x16xf32>,
        %get3A_171 = vector.shape_cast %get3A_170 : vector<1x16xf32> to vector<16xf32>
        %get3A_172 = arith.index_cast %scan3A_129 : i32 to index
        %get3A_173 = arith.constant 32 : index
        %get3A_174 = tpu.vector_load %arg13[%get3A_172, %get3A_173] {strides = array<i32>} : memref<40x128xf32, #tpu.memory_space<vmem>>, vector<1x16xf32>,
        %get3A_175 = vector.shape_cast %get3A_174 : vector<1x16xf32> to vector<16xf32>
        %add3A_176 = arith.addf %get3A_171, %get3A_175 : vector<16xf32>
        %max3A_177 = arith.constant 0.000000e+00 : f32
        %max3A_178 = vector.broadcast %max3A_177 : f32 to vector<16xf32>
        %max3A_179 = arith.maximumf %add3A_176, %max3A_178 : vector<16xf32>
        %add3A_180 = arith.constant 1.000000e-07 : f32
        %add3A_181 = vector.broadcast %add3A_180 : f32 to vector<16xf32>
        %add3A_182 = arith.addf %max3A_179, %add3A_181 : vector<16xf32>
        %swap3A_183 = arith.index_cast %scan3A_129 : i32 to index
        %swap3A_184 = arith.constant 32 : index
        %swap3A_185 = tpu.vector_load %arg13[%swap3A_183, %swap3A_184] {strides = array<i32>} : memref<40x128xf32, #tpu.memory_space<vmem>>, vector<1x16xf32>,
        %swap3A_186 = vector.shape_cast %swap3A_185 : vector<1x16xf32> to vector<16xf32>
        %swap3A_187 = vector.shape_cast %add3A_182 : vector<16xf32> to vector<1x16xf32>
        tpu.vector_store %arg13[%swap3A_183, %swap3A_184], %swap3A_187 {strides = array<i32>} : memref<40x128xf32, #tpu.memory_space<vmem>>, vector<1x16xf32>,
        %get3A_188 = arith.index_cast %scan3A_129 : i32 to index
        %get3A_189 = arith.constant 48 : index
        %get3A_190 = tpu.vector_load %arg11[%get3A_188, %get3A_189] {strides = array<i32>} : memref<40x128xf32, #tpu.memory_space<vmem>>, vector<1x16xf32>,
        %get3A_191 = vector.shape_cast %get3A_190 : vector<1x16xf32> to vector<16xf32>
        %get3A_192 = arith.index_cast %scan3A_129 : i32 to index
        %get3A_193 = arith.constant 48 : index
        %get3A_194 = tpu.vector_load %arg13[%get3A_192, %get3A_193] {strides = array<i32>} : memref<40x128xf32, #tpu.memory_space<vmem>>, vector<1x16xf32>,
        %get3A_195 = vector.shape_cast %get3A_194 : vector<1x16xf32> to vector<16xf32>
        %add3A_196 = arith.addf %get3A_191, %get3A_195 : vector<16xf32>
        %max3A_197 = arith.constant 0.000000e+00 : f32
        %max3A_198 = vector.broadcast %max3A_197 : f32 to vector<16xf32>
        %max3A_199 = arith.maximumf %add3A_196, %max3A_198 : vector<16xf32>
        %add3A_200 = arith.constant 1.000000e-07 : f32
        %add3A_201 = vector.broadcast %add3A_200 : f32 to vector<16xf32>
        %add3A_202 = arith.addf %max3A_199, %add3A_201 : vector<16xf32>
        %swap3A_203 = arith.index_cast %scan3A_129 : i32 to index
        %swap3A_204 = arith.constant 48 : index
        %swap3A_205 = tpu.vector_load %arg13[%swap3A_203, %swap3A_204] {strides = array<i32>} : memref<40x128xf32, #tpu.memory_space<vmem>>, vector<1x16xf32>,
        %swap3A_206 = vector.shape_cast %swap3A_205 : vector<1x16xf32> to vector<16xf32>
        %swap3A_207 = vector.shape_cast %add3A_202 : vector<16xf32> to vector<1x16xf32>
        tpu.vector_store %arg13[%swap3A_203, %swap3A_204], %swap3A_207 {strides = array<i32>} : memref<40x128xf32, #tpu.memory_space<vmem>>, vector<1x16xf32>,
        %get3A_208 = arith.index_cast %scan3A_129 : i32 to index
        %get3A_209 = arith.constant 64 : index
        %get3A_210 = tpu.vector_load %arg11[%get3A_208, %get3A_209] {strides = array<i32>} : memref<40x128xf32, #tpu.memory_space<vmem>>, vector<1x16xf32>,
        %get3A_211 = vector.shape_cast %get3A_210 : vector<1x16xf32> to vector<16xf32>
        %get3A_212 = arith.index_cast %scan3A_129 : i32 to index
        %get3A_213 = arith.constant 64 : index
        %get3A_214 = tpu.vector_load %arg13[%get3A_212, %get3A_213] {strides = array<i32>} : memref<40x128xf32, #tpu.memory_space<vmem>>, vector<1x16xf32>,
        %get3A_215 = vector.shape_cast %get3A_214 : vector<1x16xf32> to vector<16xf32>
        %add3A_216 = arith.addf %get3A_211, %get3A_215 : vector<16xf32>
        %max3A_217 = arith.constant 0.000000e+00 : f32
        %max3A_218 = vector.broadcast %max3A_217 : f32 to vector<16xf32>
        %max3A_219 = arith.maximumf %add3A_216, %max3A_218 : vector<16xf32>
        %add3A_220 = arith.constant 1.000000e-07 : f32
        %add3A_221 = vector.broadcast %add3A_220 : f32 to vector<16xf32>
        %add3A_222 = arith.addf %max3A_219, %add3A_221 : vector<16xf32>
        %swap3A_223 = arith.index_cast %scan3A_129 : i32 to index
        %swap3A_224 = arith.constant 64 : index
        %swap3A_225 = tpu.vector_load %arg13[%swap3A_223, %swap3A_224] {strides = array<i32>} : memref<40x128xf32, #tpu.memory_space<vmem>>, vector<1x16xf32>,
        %swap3A_226 = vector.shape_cast %swap3A_225 : vector<1x16xf32> to vector<16xf32>
        %swap3A_227 = vector.shape_cast %add3A_222 : vector<16xf32> to vector<1x16xf32>
        tpu.vector_store %arg13[%swap3A_223, %swap3A_224], %swap3A_227 {strides = array<i32>} : memref<40x128xf32, #tpu.memory_space<vmem>>, vector<1x16xf32>,
        %get3A_228 = arith.index_cast %scan3A_129 : i32 to index
        %get3A_229 = arith.constant 80 : index
        %get3A_230 = tpu.vector_load %arg11[%get3A_228, %get3A_229] {strides = array<i32>} : memref<40x128xf32, #tpu.memory_space<vmem>>, vector<1x16xf32>,
        %get3A_231 = vector.shape_cast %get3A_230 : vector<1x16xf32> to vector<16xf32>
        %get3A_232 = arith.index_cast %scan3A_129 : i32 to index
        %get3A_233 = arith.constant 80 : index
        %get3A_234 = tpu.vector_load %arg13[%get3A_232, %get3A_233] {strides = array<i32>} : memref<40x128xf32, #tpu.memory_space<vmem>>, vector<1x16xf32>,
        %get3A_235 = vector.shape_cast %get3A_234 : vector<1x16xf32> to vector<16xf32>
        %add3A_236 = arith.addf %get3A_231, %get3A_235 : vector<16xf32>
        %max3A_237 = arith.constant 0.000000e+00 : f32
        %max3A_238 = vector.broadcast %max3A_237 : f32 to vector<16xf32>
        %max3A_239 = arith.maximumf %add3A_236, %max3A_238 : vector<16xf32>
        %add3A_240 = arith.constant 1.000000e-07 : f32
        %add3A_241 = vector.broadcast %add3A_240 : f32 to vector<16xf32>
        %add3A_242 = arith.addf %max3A_239, %add3A_241 : vector<16xf32>
        %swap3A_243 = arith.index_cast %scan3A_129 : i32 to index
        %swap3A_244 = arith.constant 80 : index
        %swap3A_245 = tpu.vector_load %arg13[%swap3A_243, %swap3A_244] {strides = array<i32>} : memref<40x128xf32, #tpu.memory_space<vmem>>, vector<1x16xf32>,
        %swap3A_246 = vector.shape_cast %swap3A_245 : vector<1x16xf32> to vector<16xf32>
        %swap3A_247 = vector.shape_cast %add3A_242 : vector<16xf32> to vector<1x16xf32>
        tpu.vector_store %arg13[%swap3A_243, %swap3A_244], %swap3A_247 {strides = array<i32>} : memref<40x128xf32, #tpu.memory_space<vmem>>, vector<1x16xf32>,
        %get3A_248 = arith.index_cast %scan3A_129 : i32 to index
        %get3A_249 = arith.constant 96 : index
        %get3A_250 = tpu.vector_load %arg11[%get3A_248, %get3A_249] {strides = array<i32>} : memref<40x128xf32, #tpu.memory_space<vmem>>, vector<1x16xf32>,
        %get3A_251 = vector.shape_cast %get3A_250 : vector<1x16xf32> to vector<16xf32>
        %get3A_252 = arith.index_cast %scan3A_129 : i32 to index
        %get3A_253 = arith.constant 96 : index
        %get3A_254 = tpu.vector_load %arg13[%get3A_252, %get3A_253] {strides = array<i32>} : memref<40x128xf32, #tpu.memory_space<vmem>>, vector<1x16xf32>,
        %get3A_255 = vector.shape_cast %get3A_254 : vector<1x16xf32> to vector<16xf32>
        %add3A_256 = arith.addf %get3A_251, %get3A_255 : vector<16xf32>
        %max3A_257 = arith.constant 0.000000e+00 : f32
        %max3A_258 = vector.broadcast %max3A_257 : f32 to vector<16xf32>
        %max3A_259 = arith.maximumf %add3A_256, %max3A_258 : vector<16xf32>
        %add3A_260 = arith.constant 1.000000e-07 : f32
        %add3A_261 = vector.broadcast %add3A_260 : f32 to vector<16xf32>
        %add3A_262 = arith.addf %max3A_259, %add3A_261 : vector<16xf32>
        %swap3A_263 = arith.index_cast %scan3A_129 : i32 to index
        %swap3A_264 = arith.constant 96 : index
        %swap3A_265 = tpu.vector_load %arg13[%swap3A_263, %swap3A_264] {strides = array<i32>} : memref<40x128xf32, #tpu.memory_space<vmem>>, vector<1x16xf32>,
        %swap3A_266 = vector.shape_cast %swap3A_265 : vector<1x16xf32> to vector<16xf32>
        %swap3A_267 = vector.shape_cast %add3A_262 : vector<16xf32> to vector<1x16xf32>
        tpu.vector_store %arg13[%swap3A_263, %swap3A_264], %swap3A_267 {strides = array<i32>} : memref<40x128xf32, #tpu.memory_space<vmem>>, vector<1x16xf32>,
        %get3A_268 = arith.index_cast %scan3A_129 : i32 to index
        %get3A_269 = arith.constant 112 : index
        %get3A_270 = tpu.vector_load %arg11[%get3A_268, %get3A_269] {strides = array<i32>} : memref<40x128xf32, #tpu.memory_space<vmem>>, vector<1x16xf32>,
        %get3A_271 = vector.shape_cast %get3A_270 : vector<1x16xf32> to vector<16xf32>
        %get3A_272 = arith.index_cast %scan3A_129 : i32 to index
        %get3A_273 = arith.constant 112 : index
        %get3A_274 = tpu.vector_load %arg13[%get3A_272, %get3A_273] {strides = array<i32>} : memref<40x128xf32, #tpu.memory_space<vmem>>, vector<1x16xf32>,
        %get3A_275 = vector.shape_cast %get3A_274 : vector<1x16xf32> to vector<16xf32>
        %add3A_276 = arith.addf %get3A_271, %get3A_275 : vector<16xf32>
        %max3A_277 = arith.constant 0.000000e+00 : f32
        %max3A_278 = vector.broadcast %max3A_277 : f32 to vector<16xf32>
        %max3A_279 = arith.maximumf %add3A_276, %max3A_278 : vector<16xf32>
        %add3A_280 = arith.constant 1.000000e-07 : f32
        %add3A_281 = vector.broadcast %add3A_280 : f32 to vector<16xf32>
        %add3A_282 = arith.addf %max3A_279, %add3A_281 : vector<16xf32>
        %swap3A_283 = arith.index_cast %scan3A_129 : i32 to index
        %swap3A_284 = arith.constant 112 : index
        %swap3A_285 = tpu.vector_load %arg13[%swap3A_283, %swap3A_284] {strides = array<i32>} : memref<40x128xf32, #tpu.memory_space<vmem>>, vector<1x16xf32>,
        %swap3A_286 = vector.shape_cast %swap3A_285 : vector<1x16xf32> to vector<16xf32>
        %swap3A_287 = vector.shape_cast %add3A_282 : vector<16xf32> to vector<1x16xf32>
        tpu.vector_store %arg13[%swap3A_283, %swap3A_284], %swap3A_287 {strides = array<i32>} : memref<40x128xf32, #tpu.memory_space<vmem>>, vector<1x16xf32>,
        %scan3A_288 = arith.constant 0 : i32
        scf.yield %scan3A_288 : i32
      }
      %scan3A_66 = arith.constant 40 : i32
      %dma_start3A_67 = arith.constant 0 : i32
      %dma_start3A_68 = tpu.memref_slice %arg10[%add3A_39, %dma_start3A_67] : memref<250x40xi32, #tpu.memory_space<vmem>> -> memref<1x40xi32, #tpu.memory_space<vmem>>
      %dma_start3A_69 = tpu.memref_squeeze %dma_start3A_68 : memref<1x40xi32, #tpu.memory_space<vmem>> -> memref<40xi32, #tpu.memory_space<vmem>>
      %dma_start3A_70 = arith.constant 0 : i32
      %dma_start3A_71 = arith.constant 0 : i32
      %dma_start3A_72 = tpu.memref_slice %arg8[%dma_start3A_70, %dma_start3A_71] : memref<10000x128xf32, #tpu.memory_space<vmem_shared>> -> memref<10000x128xf32, #tpu.memory_space<vmem_shared>>
      tpu.enqueue_indirect_dma source(%arg13 : memref<40x128xf32, #tpu.memory_space<vmem>>) target(%dma_start3A_72 : memref<10000x128xf32, #tpu.memory_space<vmem_shared>>) offsets(%dma_start3A_69 : memref<40xi32, #tpu.memory_space<vmem>>) semaphore(%arg19 : memref<!tpu.dma_semaphore, #tpu.memory_space<semaphore_mem>>) {add = true}
      %add3A_73 = arith.constant 2 : i32
      %add3A_74 = arith.addi %add3A_39, %add3A_73 : i32
      %lt3A_75 = arith.constant 250 : i32
      %lt3A_76 = arith.cmpi slt, %add3A_74, %lt3A_75 : i32
      %convert_element_type3A_77 = arith.extui %lt3A_76 : i1 to i32
      %cond3A_78 = arith.constant 0 : i32
      %cond3A_79 = arith.cmpi ne, %convert_element_type3A_77, %cond3A_78 : i32
      scf.if %cond3A_79 {
        %add3A_129 = arith.constant 2 : i32
        %add3A_130 = arith.addi %add3A_39, %add3A_129 : i32
        %mul3A_131 = arith.constant 40 : i32
        %mul3A_132 = arith.muli %add3A_130, %mul3A_131 : i32
        %dma_start3A_133 = tpu.memref_slice %arg9[%mul3A_132] : memref<10000xi32, #tpu.memory_space<vmem>> -> memref<40xi32, #tpu.memory_space<vmem>>
        %dma_start3A_134 = arith.constant 0 : i32
        %dma_start3A_135 = arith.constant 0 : i32
        %dma_start3A_136 = tpu.memref_slice %arg2[%dma_start3A_134, %dma_start3A_135] : memref<10000x128xf32, #tpu.memory_space<hbm>> -> memref<10000x128xf32, #tpu.memory_space<hbm>>
        tpu.enqueue_indirect_dma source(%dma_start3A_136 : memref<10000x128xf32, #tpu.memory_space<hbm>>) target(%arg11 : memref<40x128xf32, #tpu.memory_space<vmem>>) offsets(%dma_start3A_133 : memref<40xi32, #tpu.memory_space<vmem>>) semaphore(%arg15 : memref<!tpu.dma_semaphore, #tpu.memory_space<semaphore_mem>>)
      } else {
      }
      %mul3A_80 = arith.constant 2 : i32
      %mul3A_81 = arith.muli %scan3A_34, %mul3A_80 : i32
      %add3A_82 = arith.constant 1 : i32
      %add3A_83 = arith.addi %mul3A_81, %add3A_82 : i32
      %ge3A_84 = arith.constant 1 : i32
      %ge3A_85 = arith.cmpi sge, %add3A_83, %ge3A_84 : i32
      %convert_element_type3A_86 = arith.extui %ge3A_85 : i1 to i32
      %cond3A_87 = arith.constant 0 : i32
      %cond3A_88 = arith.cmpi ne, %convert_element_type3A_86, %cond3A_87 : i32
      scf.if %cond3A_88 {
        %dma_wait3A_129 = arith.constant 0 : i32
        %dma_wait3A_130 = arith.constant 0 : i32
        %dma_wait3A_131 = tpu.memref_slice %arg10[%dma_wait3A_129, %dma_wait3A_130] : memref<250x40xi32, #tpu.memory_space<vmem>> -> memref<1x40xi32, #tpu.memory_space<vmem>>
        %dma_wait3A_132 = tpu.memref_squeeze %dma_wait3A_131 : memref<1x40xi32, #tpu.memory_space<vmem>> -> memref<40xi32, #tpu.memory_space<vmem>>
        %dma_wait3A_133 = arith.constant 0 : i32
        %dma_wait3A_134 = arith.constant 0 : i32
        %dma_wait3A_135 = tpu.memref_slice %arg8[%dma_wait3A_133, %dma_wait3A_134] : memref<10000x128xf32, #tpu.memory_space<vmem_shared>> -> memref<10000x128xf32, #tpu.memory_space<vmem_shared>>
        tpu.wait_indirect_dma semaphore(%arg19 : memref<!tpu.dma_semaphore, #tpu.memory_space<semaphore_mem>>) src(%arg13 : memref<40x128xf32, #tpu.memory_space<vmem>>) dst(%dma_wait3A_135 : memref<10000x128xf32, #tpu.memory_space<vmem_shared>>)
      } else {
      }
      %add3A_89 = arith.constant 1 : i32
      %add3A_90 = arith.addi %add3A_83, %add3A_89 : i32
      %lt3A_91 = arith.constant 250 : i32
      %lt3A_92 = arith.cmpi slt, %add3A_90, %lt3A_91 : i32
      %convert_element_type3A_93 = arith.extui %lt3A_92 : i1 to i32
      %cond3A_94 = arith.constant 0 : i32
      %cond3A_95 = arith.cmpi ne, %convert_element_type3A_93, %cond3A_94 : i32
      scf.if %cond3A_95 {
        %add3A_129 = arith.constant 1 : i32
        %add3A_130 = arith.addi %add3A_83, %add3A_129 : i32
        %mul3A_131 = arith.constant 40 : i32
        %mul3A_132 = arith.muli %add3A_130, %mul3A_131 : i32
        %add3A_133 = arith.addi %mul3A_2, %mul3A_132 : i32
        %dma_start3A_134 = arith.constant 0 : i32
        %dma_start3A_135 = tpu.memref_slice %arg3[%add3A_133, %dma_start3A_134] : memref<320000x128xf32, #tpu.memory_space<hbm>> -> memref<40x128xf32, #tpu.memory_space<hbm>>
        %dma_start3A_136 = arith.constant 0 : i32
        %dma_start3A_137 = tpu.memref_slice %arg3[%add3A_133, %dma_start3A_136] : memref<320000x128xf32, #tpu.memory_space<hbm>> -> memref<40x128xf32, #tpu.memory_space<hbm>>
        tpu.enqueue_dma source(%dma_start3A_137 : memref<40x128xf32, #tpu.memory_space<hbm>>) target(%arg13 : memref<40x128xf32, #tpu.memory_space<vmem>>) target_semaphore(%arg17 : memref<!tpu.dma_semaphore, #tpu.memory_space<semaphore_mem>>)
      } else {
      }
      %mul3A_96 = arith.constant 40 : i32
      %mul3A_97 = arith.muli %add3A_83, %mul3A_96 : i32
      %dma_wait3A_98 = tpu.memref_slice %arg9[%mul3A_97] : memref<10000xi32, #tpu.memory_space<vmem>> -> memref<40xi32, #tpu.memory_space<vmem>>
      %dma_wait3A_99 = arith.constant 0 : i32
      %dma_wait3A_100 = arith.constant 0 : i32
      %dma_wait3A_101 = tpu.memref_slice %arg2[%dma_wait3A_99, %dma_wait3A_100] : memref<10000x128xf32, #tpu.memory_space<hbm>> -> memref<10000x128xf32, #tpu.memory_space<hbm>>
      tpu.wait_indirect_dma semaphore(%arg16 : memref<!tpu.dma_semaphore, #tpu.memory_space<semaphore_mem>>) src(%dma_wait3A_101 : memref<10000x128xf32, #tpu.memory_space<hbm>>) dst(%arg12 : memref<40x128xf32, #tpu.memory_space<vmem>>)
      %add3A_102 = arith.constant 0 : i32
      %add3A_103 = arith.addi %mul3A_2, %add3A_102 : i32
      %dma_wait3A_104 = arith.constant 0 : i32
      %dma_wait3A_105 = tpu.memref_slice %arg3[%add3A_103, %dma_wait3A_104] : memref<320000x128xf32, #tpu.memory_space<hbm>> -> memref<40x128xf32, #tpu.memory_space<hbm>>
      %dma_wait3A_106 = arith.constant 0 : i32
      %dma_wait3A_107 = tpu.memref_slice %arg3[%add3A_103, %dma_wait3A_106] : memref<320000x128xf32, #tpu.memory_space<hbm>> -> memref<40x128xf32, #tpu.memory_space<hbm>>
      tpu.wait_dma2 semaphore(%arg18 : memref<!tpu.dma_semaphore, #tpu.memory_space<semaphore_mem>>) src(%dma_wait3A_107 : memref<40x128xf32, #tpu.memory_space<hbm>>) dst(%arg14 : memref<40x128xf32, #tpu.memory_space<vmem>>)
      %scan3A_108 = arith.constant 0 : i32
      %scan3A_109 = arith.constant 0 : i32
      %scan3A_110 = arith.constant 40 : i32
      %scan3A_111 = arith.addi %scan3A_109, %scan3A_110 : i32
      %scan3A_112 = arith.constant 1 : i32
      %scan3A_113 = scf.for %scan3A_129 = %scan3A_109 to %scan3A_111 step %scan3A_112 iter_args(%scan3A_130 = %scan3A_108) -> (i32)  : i32 {
        %get3A = arith.index_cast %scan3A_129 : i32 to index
        %get3A_131 = arith.constant 0 : index
        %get3A_132 = tpu.vector_load %arg12[%get3A, %get3A_131] {strides = array<i32>} : memref<40x128xf32, #tpu.memory_space<vmem>>, vector<1x16xf32>,
        %get3A_133 = vector.shape_cast %get3A_132 : vector<1x16xf32> to vector<16xf32>
        %get3A_134 = arith.index_cast %scan3A_129 : i32 to index
        %get3A_135 = arith.constant 0 : index
        %get3A_136 = tpu.vector_load %arg14[%get3A_134, %get3A_135] {strides = array<i32>} : memref<40x128xf32, #tpu.memory_space<vmem>>, vector<1x16xf32>,
        %get3A_137 = vector.shape_cast %get3A_136 : vector<1x16xf32> to vector<16xf32>
        %add3A_138 = arith.addf %get3A_133, %get3A_137 : vector<16xf32>
        %max3A = arith.constant 0.000000e+00 : f32
        %max3A_139 = vector.broadcast %max3A : f32 to vector<16xf32>
        %max3A_140 = arith.maximumf %add3A_138, %max3A_139 : vector<16xf32>
        %add3A_141 = arith.constant 1.000000e-07 : f32
        %add3A_142 = vector.broadcast %add3A_141 : f32 to vector<16xf32>
        %add3A_143 = arith.addf %max3A_140, %add3A_142 : vector<16xf32>
        %swap3A = arith.index_cast %scan3A_129 : i32 to index
        %swap3A_144 = arith.constant 0 : index
        %swap3A_145 = tpu.vector_load %arg14[%swap3A, %swap3A_144] {strides = array<i32>} : memref<40x128xf32, #tpu.memory_space<vmem>>, vector<1x16xf32>,
        %swap3A_146 = vector.shape_cast %swap3A_145 : vector<1x16xf32> to vector<16xf32>
        %swap3A_147 = vector.shape_cast %add3A_143 : vector<16xf32> to vector<1x16xf32>
        tpu.vector_store %arg14[%swap3A, %swap3A_144], %swap3A_147 {strides = array<i32>} : memref<40x128xf32, #tpu.memory_space<vmem>>, vector<1x16xf32>,
        %get3A_148 = arith.index_cast %scan3A_129 : i32 to index
        %get3A_149 = arith.constant 16 : index
        %get3A_150 = tpu.vector_load %arg12[%get3A_148, %get3A_149] {strides = array<i32>} : memref<40x128xf32, #tpu.memory_space<vmem>>, vector<1x16xf32>,
        %get3A_151 = vector.shape_cast %get3A_150 : vector<1x16xf32> to vector<16xf32>
        %get3A_152 = arith.index_cast %scan3A_129 : i32 to index
        %get3A_153 = arith.constant 16 : index
        %get3A_154 = tpu.vector_load %arg14[%get3A_152, %get3A_153] {strides = array<i32>} : memref<40x128xf32, #tpu.memory_space<vmem>>, vector<1x16xf32>,
        %get3A_155 = vector.shape_cast %get3A_154 : vector<1x16xf32> to vector<16xf32>
        %add3A_156 = arith.addf %get3A_151, %get3A_155 : vector<16xf32>
        %max3A_157 = arith.constant 0.000000e+00 : f32
        %max3A_158 = vector.broadcast %max3A_157 : f32 to vector<16xf32>
        %max3A_159 = arith.maximumf %add3A_156, %max3A_158 : vector<16xf32>
        %add3A_160 = arith.constant 1.000000e-07 : f32
        %add3A_161 = vector.broadcast %add3A_160 : f32 to vector<16xf32>
        %add3A_162 = arith.addf %max3A_159, %add3A_161 : vector<16xf32>
        %swap3A_163 = arith.index_cast %scan3A_129 : i32 to index
        %swap3A_164 = arith.constant 16 : index
        %swap3A_165 = tpu.vector_load %arg14[%swap3A_163, %swap3A_164] {strides = array<i32>} : memref<40x128xf32, #tpu.memory_space<vmem>>, vector<1x16xf32>,
        %swap3A_166 = vector.shape_cast %swap3A_165 : vector<1x16xf32> to vector<16xf32>
        %swap3A_167 = vector.shape_cast %add3A_162 : vector<16xf32> to vector<1x16xf32>
        tpu.vector_store %arg14[%swap3A_163, %swap3A_164], %swap3A_167 {strides = array<i32>} : memref<40x128xf32, #tpu.memory_space<vmem>>, vector<1x16xf32>,
        %get3A_168 = arith.index_cast %scan3A_129 : i32 to index
        %get3A_169 = arith.constant 32 : index
        %get3A_170 = tpu.vector_load %arg12[%get3A_168, %get3A_169] {strides = array<i32>} : memref<40x128xf32, #tpu.memory_space<vmem>>, vector<1x16xf32>,
        %get3A_171 = vector.shape_cast %get3A_170 : vector<1x16xf32> to vector<16xf32>
        %get3A_172 = arith.index_cast %scan3A_129 : i32 to index
        %get3A_173 = arith.constant 32 : index
        %get3A_174 = tpu.vector_load %arg14[%get3A_172, %get3A_173] {strides = array<i32>} : memref<40x128xf32, #tpu.memory_space<vmem>>, vector<1x16xf32>,
        %get3A_175 = vector.shape_cast %get3A_174 : vector<1x16xf32> to vector<16xf32>
        %add3A_176 = arith.addf %get3A_171, %get3A_175 : vector<16xf32>
        %max3A_177 = arith.constant 0.000000e+00 : f32
        %max3A_178 = vector.broadcast %max3A_177 : f32 to vector<16xf32>
        %max3A_179 = arith.maximumf %add3A_176, %max3A_178 : vector<16xf32>
        %add3A_180 = arith.constant 1.000000e-07 : f32
        %add3A_181 = vector.broadcast %add3A_180 : f32 to vector<16xf32>
        %add3A_182 = arith.addf %max3A_179, %add3A_181 : vector<16xf32>
        %swap3A_183 = arith.index_cast %scan3A_129 : i32 to index
        %swap3A_184 = arith.constant 32 : index
        %swap3A_185 = tpu.vector_load %arg14[%swap3A_183, %swap3A_184] {strides = array<i32>} : memref<40x128xf32, #tpu.memory_space<vmem>>, vector<1x16xf32>,
        %swap3A_186 = vector.shape_cast %swap3A_185 : vector<1x16xf32> to vector<16xf32>
        %swap3A_187 = vector.shape_cast %add3A_182 : vector<16xf32> to vector<1x16xf32>
        tpu.vector_store %arg14[%swap3A_183, %swap3A_184], %swap3A_187 {strides = array<i32>} : memref<40x128xf32, #tpu.memory_space<vmem>>, vector<1x16xf32>,
        %get3A_188 = arith.index_cast %scan3A_129 : i32 to index
        %get3A_189 = arith.constant 48 : index
        %get3A_190 = tpu.vector_load %arg12[%get3A_188, %get3A_189] {strides = array<i32>} : memref<40x128xf32, #tpu.memory_space<vmem>>, vector<1x16xf32>,
        %get3A_191 = vector.shape_cast %get3A_190 : vector<1x16xf32> to vector<16xf32>
        %get3A_192 = arith.index_cast %scan3A_129 : i32 to index
        %get3A_193 = arith.constant 48 : index
        %get3A_194 = tpu.vector_load %arg14[%get3A_192, %get3A_193] {strides = array<i32>} : memref<40x128xf32, #tpu.memory_space<vmem>>, vector<1x16xf32>,
        %get3A_195 = vector.shape_cast %get3A_194 : vector<1x16xf32> to vector<16xf32>
        %add3A_196 = arith.addf %get3A_191, %get3A_195 : vector<16xf32>
        %max3A_197 = arith.constant 0.000000e+00 : f32
        %max3A_198 = vector.broadcast %max3A_197 : f32 to vector<16xf32>
        %max3A_199 = arith.maximumf %add3A_196, %max3A_198 : vector<16xf32>
        %add3A_200 = arith.constant 1.000000e-07 : f32
        %add3A_201 = vector.broadcast %add3A_200 : f32 to vector<16xf32>
        %add3A_202 = arith.addf %max3A_199, %add3A_201 : vector<16xf32>
        %swap3A_203 = arith.index_cast %scan3A_129 : i32 to index
        %swap3A_204 = arith.constant 48 : index
        %swap3A_205 = tpu.vector_load %arg14[%swap3A_203, %swap3A_204] {strides = array<i32>} : memref<40x128xf32, #tpu.memory_space<vmem>>, vector<1x16xf32>,
        %swap3A_206 = vector.shape_cast %swap3A_205 : vector<1x16xf32> to vector<16xf32>
        %swap3A_207 = vector.shape_cast %add3A_202 : vector<16xf32> to vector<1x16xf32>
        tpu.vector_store %arg14[%swap3A_203, %swap3A_204], %swap3A_207 {strides = array<i32>} : memref<40x128xf32, #tpu.memory_space<vmem>>, vector<1x16xf32>,
        %get3A_208 = arith.index_cast %scan3A_129 : i32 to index
        %get3A_209 = arith.constant 64 : index
        %get3A_210 = tpu.vector_load %arg12[%get3A_208, %get3A_209] {strides = array<i32>} : memref<40x128xf32, #tpu.memory_space<vmem>>, vector<1x16xf32>,
        %get3A_211 = vector.shape_cast %get3A_210 : vector<1x16xf32> to vector<16xf32>
        %get3A_212 = arith.index_cast %scan3A_129 : i32 to index
        %get3A_213 = arith.constant 64 : index
        %get3A_214 = tpu.vector_load %arg14[%get3A_212, %get3A_213] {strides = array<i32>} : memref<40x128xf32, #tpu.memory_space<vmem>>, vector<1x16xf32>,
        %get3A_215 = vector.shape_cast %get3A_214 : vector<1x16xf32> to vector<16xf32>
        %add3A_216 = arith.addf %get3A_211, %get3A_215 : vector<16xf32>
        %max3A_217 = arith.constant 0.000000e+00 : f32
        %max3A_218 = vector.broadcast %max3A_217 : f32 to vector<16xf32>
        %max3A_219 = arith.maximumf %add3A_216, %max3A_218 : vector<16xf32>
        %add3A_220 = arith.constant 1.000000e-07 : f32
        %add3A_221 = vector.broadcast %add3A_220 : f32 to vector<16xf32>
        %add3A_222 = arith.addf %max3A_219, %add3A_221 : vector<16xf32>
        %swap3A_223 = arith.index_cast %scan3A_129 : i32 to index
        %swap3A_224 = arith.constant 64 : index
        %swap3A_225 = tpu.vector_load %arg14[%swap3A_223, %swap3A_224] {strides = array<i32>} : memref<40x128xf32, #tpu.memory_space<vmem>>, vector<1x16xf32>,
        %swap3A_226 = vector.shape_cast %swap3A_225 : vector<1x16xf32> to vector<16xf32>
        %swap3A_227 = vector.shape_cast %add3A_222 : vector<16xf32> to vector<1x16xf32>
        tpu.vector_store %arg14[%swap3A_223, %swap3A_224], %swap3A_227 {strides = array<i32>} : memref<40x128xf32, #tpu.memory_space<vmem>>, vector<1x16xf32>,
        %get3A_228 = arith.index_cast %scan3A_129 : i32 to index
        %get3A_229 = arith.constant 80 : index
        %get3A_230 = tpu.vector_load %arg12[%get3A_228, %get3A_229] {strides = array<i32>} : memref<40x128xf32, #tpu.memory_space<vmem>>, vector<1x16xf32>,
        %get3A_231 = vector.shape_cast %get3A_230 : vector<1x16xf32> to vector<16xf32>
        %get3A_232 = arith.index_cast %scan3A_129 : i32 to index
        %get3A_233 = arith.constant 80 : index
        %get3A_234 = tpu.vector_load %arg14[%get3A_232, %get3A_233] {strides = array<i32>} : memref<40x128xf32, #tpu.memory_space<vmem>>, vector<1x16xf32>,
        %get3A_235 = vector.shape_cast %get3A_234 : vector<1x16xf32> to vector<16xf32>
        %add3A_236 = arith.addf %get3A_231, %get3A_235 : vector<16xf32>
        %max3A_237 = arith.constant 0.000000e+00 : f32
        %max3A_238 = vector.broadcast %max3A_237 : f32 to vector<16xf32>
        %max3A_239 = arith.maximumf %add3A_236, %max3A_238 : vector<16xf32>
        %add3A_240 = arith.constant 1.000000e-07 : f32
        %add3A_241 = vector.broadcast %add3A_240 : f32 to vector<16xf32>
        %add3A_242 = arith.addf %max3A_239, %add3A_241 : vector<16xf32>
        %swap3A_243 = arith.index_cast %scan3A_129 : i32 to index
        %swap3A_244 = arith.constant 80 : index
        %swap3A_245 = tpu.vector_load %arg14[%swap3A_243, %swap3A_244] {strides = array<i32>} : memref<40x128xf32, #tpu.memory_space<vmem>>, vector<1x16xf32>,
        %swap3A_246 = vector.shape_cast %swap3A_245 : vector<1x16xf32> to vector<16xf32>
        %swap3A_247 = vector.shape_cast %add3A_242 : vector<16xf32> to vector<1x16xf32>
        tpu.vector_store %arg14[%swap3A_243, %swap3A_244], %swap3A_247 {strides = array<i32>} : memref<40x128xf32, #tpu.memory_space<vmem>>, vector<1x16xf32>,
        %get3A_248 = arith.index_cast %scan3A_129 : i32 to index
        %get3A_249 = arith.constant 96 : index
        %get3A_250 = tpu.vector_load %arg12[%get3A_248, %get3A_249] {strides = array<i32>} : memref<40x128xf32, #tpu.memory_space<vmem>>, vector<1x16xf32>,
        %get3A_251 = vector.shape_cast %get3A_250 : vector<1x16xf32> to vector<16xf32>
        %get3A_252 = arith.index_cast %scan3A_129 : i32 to index
        %get3A_253 = arith.constant 96 : index
        %get3A_254 = tpu.vector_load %arg14[%get3A_252, %get3A_253] {strides = array<i32>} : memref<40x128xf32, #tpu.memory_space<vmem>>, vector<1x16xf32>,
        %get3A_255 = vector.shape_cast %get3A_254 : vector<1x16xf32> to vector<16xf32>
        %add3A_256 = arith.addf %get3A_251, %get3A_255 : vector<16xf32>
        %max3A_257 = arith.constant 0.000000e+00 : f32
        %max3A_258 = vector.broadcast %max3A_257 : f32 to vector<16xf32>
        %max3A_259 = arith.maximumf %add3A_256, %max3A_258 : vector<16xf32>
        %add3A_260 = arith.constant 1.000000e-07 : f32
        %add3A_261 = vector.broadcast %add3A_260 : f32 to vector<16xf32>
        %add3A_262 = arith.addf %max3A_259, %add3A_261 : vector<16xf32>
        %swap3A_263 = arith.index_cast %scan3A_129 : i32 to index
        %swap3A_264 = arith.constant 96 : index
        %swap3A_265 = tpu.vector_load %arg14[%swap3A_263, %swap3A_264] {strides = array<i32>} : memref<40x128xf32, #tpu.memory_space<vmem>>, vector<1x16xf32>,
        %swap3A_266 = vector.shape_cast %swap3A_265 : vector<1x16xf32> to vector<16xf32>
        %swap3A_267 = vector.shape_cast %add3A_262 : vector<16xf32> to vector<1x16xf32>
        tpu.vector_store %arg14[%swap3A_263, %swap3A_264], %swap3A_267 {strides = array<i32>} : memref<40x128xf32, #tpu.memory_space<vmem>>, vector<1x16xf32>,
        %get3A_268 = arith.index_cast %scan3A_129 : i32 to index
        %get3A_269 = arith.constant 112 : index
        %get3A_270 = tpu.vector_load %arg12[%get3A_268, %get3A_269] {strides = array<i32>} : memref<40x128xf32, #tpu.memory_space<vmem>>, vector<1x16xf32>,
        %get3A_271 = vector.shape_cast %get3A_270 : vector<1x16xf32> to vector<16xf32>
        %get3A_272 = arith.index_cast %scan3A_129 : i32 to index
        %get3A_273 = arith.constant 112 : index
        %get3A_274 = tpu.vector_load %arg14[%get3A_272, %get3A_273] {strides = array<i32>} : memref<40x128xf32, #tpu.memory_space<vmem>>, vector<1x16xf32>,
        %get3A_275 = vector.shape_cast %get3A_274 : vector<1x16xf32> to vector<16xf32>
        %add3A_276 = arith.addf %get3A_271, %get3A_275 : vector<16xf32>
        %max3A_277 = arith.constant 0.000000e+00 : f32
        %max3A_278 = vector.broadcast %max3A_277 : f32 to vector<16xf32>
        %max3A_279 = arith.maximumf %add3A_276, %max3A_278 : vector<16xf32>
        %add3A_280 = arith.constant 1.000000e-07 : f32
        %add3A_281 = vector.broadcast %add3A_280 : f32 to vector<16xf32>
        %add3A_282 = arith.addf %max3A_279, %add3A_281 : vector<16xf32>
        %swap3A_283 = arith.index_cast %scan3A_129 : i32 to index
        %swap3A_284 = arith.constant 112 : index
        %swap3A_285 = tpu.vector_load %arg14[%swap3A_283, %swap3A_284] {strides = array<i32>} : memref<40x128xf32, #tpu.memory_space<vmem>>, vector<1x16xf32>,
        %swap3A_286 = vector.shape_cast %swap3A_285 : vector<1x16xf32> to vector<16xf32>
        %swap3A_287 = vector.shape_cast %add3A_282 : vector<16xf32> to vector<1x16xf32>
        tpu.vector_store %arg14[%swap3A_283, %swap3A_284], %swap3A_287 {strides = array<i32>} : memref<40x128xf32, #tpu.memory_space<vmem>>, vector<1x16xf32>,
        %scan3A_288 = arith.constant 0 : i32
        scf.yield %scan3A_288 : i32
      }
      %scan3A_114 = arith.constant 40 : i32
      %dma_start3A_115 = arith.constant 0 : i32
      %dma_start3A_116 = tpu.memref_slice %arg10[%add3A_83, %dma_start3A_115] : memref<250x40xi32, #tpu.memory_space<vmem>> -> memref<1x40xi32, #tpu.memory_space<vmem>>
      %dma_start3A_117 = tpu.memref_squeeze %dma_start3A_116 : memref<1x40xi32, #tpu.memory_space<vmem>> -> memref<40xi32, #tpu.memory_space<vmem>>
      %dma_start3A_118 = arith.constant 0 : i32
      %dma_start3A_119 = arith.constant 0 : i32
      %dma_start3A_120 = tpu.memref_slice %arg8[%dma_start3A_118, %dma_start3A_119] : memref<10000x128xf32, #tpu.memory_space<vmem_shared>> -> memref<10000x128xf32, #tpu.memory_space<vmem_shared>>
      tpu.enqueue_indirect_dma source(%arg14 : memref<40x128xf32, #tpu.memory_space<vmem>>) target(%dma_start3A_120 : memref<10000x128xf32, #tpu.memory_space<vmem_shared>>) offsets(%dma_start3A_117 : memref<40xi32, #tpu.memory_space<vmem>>) semaphore(%arg20 : memref<!tpu.dma_semaphore, #tpu.memory_space<semaphore_mem>>) {add = true}
      %add3A_121 = arith.constant 2 : i32
      %add3A_122 = arith.addi %add3A_83, %add3A_121 : i32
      %lt3A_123 = arith.constant 250 : i32
      %lt3A_124 = arith.cmpi slt, %add3A_122, %lt3A_123 : i32
      %convert_element_type3A_125 = arith.extui %lt3A_124 : i1 to i32
      %cond3A_126 = arith.constant 0 : i32
      %cond3A_127 = arith.cmpi ne, %convert_element_type3A_125, %cond3A_126 : i32
      scf.if %cond3A_127 {
        %add3A_129 = arith.constant 2 : i32
        %add3A_130 = arith.addi %add3A_83, %add3A_129 : i32
        %mul3A_131 = arith.constant 40 : i32
        %mul3A_132 = arith.muli %add3A_130, %mul3A_131 : i32
        %dma_start3A_133 = tpu.memref_slice %arg9[%mul3A_132] : memref<10000xi32, #tpu.memory_space<vmem>> -> memref<40xi32, #tpu.memory_space<vmem>>
        %dma_start3A_134 = arith.constant 0 : i32
        %dma_start3A_135 = arith.constant 0 : i32
        %dma_start3A_136 = tpu.memref_slice %arg2[%dma_start3A_134, %dma_start3A_135] : memref<10000x128xf32, #tpu.memory_space<hbm>> -> memref<10000x128xf32, #tpu.memory_space<hbm>>
        tpu.enqueue_indirect_dma source(%dma_start3A_136 : memref<10000x128xf32, #tpu.memory_space<hbm>>) target(%arg12 : memref<40x128xf32, #tpu.memory_space<vmem>>) offsets(%dma_start3A_133 : memref<40xi32, #tpu.memory_space<vmem>>) semaphore(%arg16 : memref<!tpu.dma_semaphore, #tpu.memory_space<semaphore_mem>>)
      } else {
      }
      %scan3A_128 = arith.constant 0 : i32
      scf.yield %scan3A_128 : i32
    }
    %scan3A_26 = arith.constant 125 : i32
    %dma_wait3A = arith.constant 0 : i32
    %dma_wait3A_27 = arith.constant 0 : i32
    %dma_wait3A_28 = tpu.memref_slice %arg10[%dma_wait3A, %dma_wait3A_27] : memref<250x40xi32, #tpu.memory_space<vmem>> -> memref<1x40xi32, #tpu.memory_space<vmem>>
    %dma_wait3A_29 = tpu.memref_squeeze %dma_wait3A_28 : memref<1x40xi32, #tpu.memory_space<vmem>> -> memref<40xi32, #tpu.memory_space<vmem>>
    %dma_wait3A_30 = arith.constant 0 : i32
    %dma_wait3A_31 = arith.constant 0 : i32
    %dma_wait3A_32 = tpu.memref_slice %arg8[%dma_wait3A_30, %dma_wait3A_31] : memref<10000x128xf32, #tpu.memory_space<vmem_shared>> -> memref<10000x128xf32, #tpu.memory_space<vmem_shared>>
    tpu.wait_indirect_dma semaphore(%arg20 : memref<!tpu.dma_semaphore, #tpu.memory_space<semaphore_mem>>) src(%arg14 : memref<40x128xf32, #tpu.memory_space<vmem>>) dst(%dma_wait3A_32 : memref<10000x128xf32, #tpu.memory_space<vmem_shared>>)
    %barrier3A_33 = arith.constant 0 : index
    tpu.barrier barrier_id(%barrier3A_33)
    "tpu.region"() ({
      %run_scoped3A = tpu.sem_alloc : memref<!tpu.dma_semaphore, #tpu.memory_space<semaphore_mem>>
      %dma_start3A_34 = arith.constant 0 : i32
      %dma_start3A_35 = tpu.memref_slice %arg7[%arg0, %min3A_5, %dma_start3A_34] : memref<2x10000x128xf32, #tpu.memory_space<hbm>> -> memref<1x640x128xf32, #tpu.memory_space<hbm>>
      %dma_start3A_36 = tpu.memref_squeeze %dma_start3A_35 : memref<1x640x128xf32, #tpu.memory_space<hbm>> -> memref<640x128xf32, #tpu.memory_space<hbm>>
      %dma_start3A_37 = arith.constant 0 : i32
      %dma_start3A_38 = tpu.memref_slice %arg8[%min3A_5, %dma_start3A_37] : memref<10000x128xf32, #tpu.memory_space<vmem_shared>> -> memref<640x128xf32, #tpu.memory_space<vmem_shared>>
      tpu.enqueue_dma source(%dma_start3A_38 : memref<640x128xf32, #tpu.memory_space<vmem_shared>>) target(%dma_start3A_36 : memref<640x128xf32, #tpu.memory_space<hbm>>) target_semaphore(%run_scoped3A : memref<!tpu.dma_semaphore, #tpu.memory_space<semaphore_mem>>)
      %dma_wait3A_39 = arith.constant 0 : i32
      %dma_wait3A_40 = tpu.memref_slice %arg7[%arg0, %min3A_5, %dma_wait3A_39] : memref<2x10000x128xf32, #tpu.memory_space<hbm>> -> memref<1x640x128xf32, #tpu.memory_space<hbm>>
      %dma_wait3A_41 = tpu.memref_squeeze %dma_wait3A_40 : memref<1x640x128xf32, #tpu.memory_space<hbm>> -> memref<640x128xf32, #tpu.memory_space<hbm>>
      %dma_wait3A_42 = arith.constant 0 : i32
      %dma_wait3A_43 = tpu.memref_slice %arg8[%min3A_5, %dma_wait3A_42] : memref<10000x128xf32, #tpu.memory_space<vmem_shared>> -> memref<640x128xf32, #tpu.memory_space<vmem_shared>>
      tpu.wait_dma2 semaphore(%run_scoped3A : memref<!tpu.dma_semaphore, #tpu.memory_space<semaphore_mem>>) src(%dma_wait3A_43 : memref<640x128xf32, #tpu.memory_space<vmem_shared>>) dst(%dma_wait3A_41 : memref<640x128xf32, #tpu.memory_space<hbm>>)
      tpu.yield
    }) : () -> ()
    return
  }
}

#map = affine_map<(d0, d1) -> (0)>
#map1 = affine_map<(d0, d1) -> (0, 0, 0)>
module attributes {stable_mosaic.version = 14 : i64} {
  func.func @genconv_sc_cnt(%arg0: i32, %arg1: i32, %arg2: memref<320000xi32, #tpu.memory_space<hbm>>, %arg3: memref<2x10240x16xf32, #tpu.memory_space<hbm>>, %arg4: memref<10240x16xf32, #tpu.memory_space<vmem_shared>>, %arg5: memref<640x16xf32, #tpu.memory_space<vmem>>, %arg6: memref<40xi32, #tpu.memory_space<vmem>>, %arg7: memref<40x16xf32, #tpu.memory_space<vmem>>) attributes {dimension_semantics = [#tpu.dimension_semantics<core_parallel>, #tpu.dimension_semantics<subcore_parallel>], iteration_bounds = array<i64: 2, 16>, scalar_prefetch = 0 : i64, scratch_operands = 4 : i64, tpu.core_type = #tpu.core_type<sc_vector_subcore>, window_params = [{transform_indices = #map}, {transform_indices = #map1}]} {
    %mul3A = arith.constant 16 : i32
    %mul3A_0 = arith.muli %arg0, %mul3A : i32
    %add3A = arith.addi %mul3A_0, %arg1 : i32
    %scan3A = arith.constant 0 : i32
    %scan3A_1 = arith.constant 0 : i32
    %scan3A_2 = arith.constant 640 : i32
    %scan3A_3 = arith.addi %scan3A_1, %scan3A_2 : i32
    %scan3A_4 = arith.constant 1 : i32
    %scan3A_5 = scf.for %scan3A_24 = %scan3A_1 to %scan3A_3 step %scan3A_4 iter_args(%scan3A_25 = %scan3A) -> (i32)  : i32 {
      %broadcast_in_dim3A = arith.constant 0.000000e+00 : f32
      %broadcast_in_dim3A_26 = vector.broadcast %broadcast_in_dim3A : f32 to vector<16xf32>
      %swap3A = arith.index_cast %scan3A_24 : i32 to index
      %swap3A_27 = arith.constant 0 : index
      %swap3A_28 = tpu.vector_load %arg5[%swap3A, %swap3A_27] {strides = array<i32>} : memref<640x16xf32, #tpu.memory_space<vmem>>, vector<1x16xf32>,
      %swap3A_29 = vector.shape_cast %swap3A_28 : vector<1x16xf32> to vector<16xf32>
      %swap3A_30 = vector.shape_cast %broadcast_in_dim3A_26 : vector<16xf32> to vector<1x16xf32>
      tpu.vector_store %arg5[%swap3A, %swap3A_27], %swap3A_30 {strides = array<i32>} : memref<640x16xf32, #tpu.memory_space<vmem>>, vector<1x16xf32>,
      %scan3A_31 = arith.constant 0 : i32
      scf.yield %scan3A_31 : i32
    }
    %scan3A_6 = arith.constant 640 : i32
    %scan3A_7 = arith.constant 0 : i32
    %scan3A_8 = arith.constant 0 : i32
    %scan3A_9 = arith.constant 40 : i32
    %scan3A_10 = arith.addi %scan3A_8, %scan3A_9 : i32
    %scan3A_11 = arith.constant 1 : i32
    %scan3A_12 = scf.for %scan3A_24 = %scan3A_8 to %scan3A_10 step %scan3A_11 iter_args(%scan3A_25 = %scan3A_7) -> (i32)  : i32 {
      %broadcast_in_dim3A = arith.constant 1.000000e+00 : f32
      %broadcast_in_dim3A_26 = vector.broadcast %broadcast_in_dim3A : f32 to vector<16xf32>
      %swap3A = arith.index_cast %scan3A_24 : i32 to index
      %swap3A_27 = arith.constant 0 : index
      %swap3A_28 = tpu.vector_load %arg7[%swap3A, %swap3A_27] {strides = array<i32>} : memref<40x16xf32, #tpu.memory_space<vmem>>, vector<1x16xf32>,
      %swap3A_29 = vector.shape_cast %swap3A_28 : vector<1x16xf32> to vector<16xf32>
      %swap3A_30 = vector.shape_cast %broadcast_in_dim3A_26 : vector<16xf32> to vector<1x16xf32>
      tpu.vector_store %arg7[%swap3A, %swap3A_27], %swap3A_30 {strides = array<i32>} : memref<40x16xf32, #tpu.memory_space<vmem>>, vector<1x16xf32>,
      %scan3A_31 = arith.constant 0 : i32
      scf.yield %scan3A_31 : i32
    }
    %scan3A_13 = arith.constant 40 : i32
    %mul3A_14 = arith.constant 640 : i32
    %mul3A_15 = arith.muli %arg1, %mul3A_14 : i32
    "tpu.region"() ({
      %run_scoped3A = tpu.sem_alloc : memref<!tpu.dma_semaphore, #tpu.memory_space<semaphore_mem>>
      %dma_start3A = arith.constant 0 : i32
      %dma_start3A_24 = tpu.memref_slice %arg4[%mul3A_15, %dma_start3A] : memref<10240x16xf32, #tpu.memory_space<vmem_shared>> -> memref<640x16xf32, #tpu.memory_space<vmem_shared>>
      %dma_start3A_25 = arith.constant 0 : i32
      %dma_start3A_26 = tpu.memref_slice %arg4[%mul3A_15, %dma_start3A_25] : memref<10240x16xf32, #tpu.memory_space<vmem_shared>> -> memref<640x16xf32, #tpu.memory_space<vmem_shared>>
      tpu.enqueue_dma source(%arg5 : memref<640x16xf32, #tpu.memory_space<vmem>>) target(%dma_start3A_26 : memref<640x16xf32, #tpu.memory_space<vmem_shared>>) target_semaphore(%run_scoped3A : memref<!tpu.dma_semaphore, #tpu.memory_space<semaphore_mem>>)
      %dma_wait3A = arith.constant 0 : i32
      %dma_wait3A_27 = tpu.memref_slice %arg4[%mul3A_15, %dma_wait3A] : memref<10240x16xf32, #tpu.memory_space<vmem_shared>> -> memref<640x16xf32, #tpu.memory_space<vmem_shared>>
      %dma_wait3A_28 = arith.constant 0 : i32
      %dma_wait3A_29 = tpu.memref_slice %arg4[%mul3A_15, %dma_wait3A_28] : memref<10240x16xf32, #tpu.memory_space<vmem_shared>> -> memref<640x16xf32, #tpu.memory_space<vmem_shared>>
      tpu.wait_dma2 semaphore(%run_scoped3A : memref<!tpu.dma_semaphore, #tpu.memory_space<semaphore_mem>>) src(%arg5 : memref<640x16xf32, #tpu.memory_space<vmem>>) dst(%dma_wait3A_29 : memref<640x16xf32, #tpu.memory_space<vmem_shared>>)
      tpu.yield
    }) : () -> ()
    %barrier3A = arith.constant 0 : index
    tpu.barrier barrier_id(%barrier3A)
    %scan3A_16 = arith.constant 0 : i32
    %scan3A_17 = arith.constant 0 : i32
    %scan3A_18 = arith.constant 250 : i32
    %scan3A_19 = arith.addi %scan3A_17, %scan3A_18 : i32
    %scan3A_20 = arith.constant 1 : i32
    %scan3A_21 = scf.for %scan3A_24 = %scan3A_17 to %scan3A_19 step %scan3A_20 iter_args(%scan3A_25 = %scan3A_16) -> (i32)  : i32 {
      %mul3A_26 = arith.constant 10000 : i32
      %mul3A_27 = arith.muli %add3A, %mul3A_26 : i32
      %mul3A_28 = arith.constant 40 : i32
      %mul3A_29 = arith.muli %scan3A_24, %mul3A_28 : i32
      %add3A_30 = arith.addi %mul3A_27, %mul3A_29 : i32
      "tpu.region"() ({
        %run_scoped3A = tpu.sem_alloc : memref<!tpu.dma_semaphore, #tpu.memory_space<semaphore_mem>>
        %dma_start3A = tpu.memref_slice %arg2[%add3A_30] : memref<320000xi32, #tpu.memory_space<hbm>> -> memref<40xi32, #tpu.memory_space<hbm>>
        %dma_start3A_32 = tpu.memref_slice %arg2[%add3A_30] : memref<320000xi32, #tpu.memory_space<hbm>> -> memref<40xi32, #tpu.memory_space<hbm>>
        tpu.enqueue_dma source(%dma_start3A_32 : memref<40xi32, #tpu.memory_space<hbm>>) target(%arg6 : memref<40xi32, #tpu.memory_space<vmem>>) target_semaphore(%run_scoped3A : memref<!tpu.dma_semaphore, #tpu.memory_space<semaphore_mem>>)
        %dma_wait3A = tpu.memref_slice %arg2[%add3A_30] : memref<320000xi32, #tpu.memory_space<hbm>> -> memref<40xi32, #tpu.memory_space<hbm>>
        %dma_wait3A_33 = tpu.memref_slice %arg2[%add3A_30] : memref<320000xi32, #tpu.memory_space<hbm>> -> memref<40xi32, #tpu.memory_space<hbm>>
        tpu.wait_dma2 semaphore(%run_scoped3A : memref<!tpu.dma_semaphore, #tpu.memory_space<semaphore_mem>>) src(%dma_wait3A_33 : memref<40xi32, #tpu.memory_space<hbm>>) dst(%arg6 : memref<40xi32, #tpu.memory_space<vmem>>)
        tpu.yield
      }) : () -> ()
      "tpu.region"() ({
        %run_scoped3A = tpu.sem_alloc : memref<!tpu.dma_semaphore, #tpu.memory_space<semaphore_mem>>
        %dma_start3A = arith.constant 0 : i32
        %dma_start3A_32 = arith.constant 0 : i32
        %dma_start3A_33 = tpu.memref_slice %arg4[%dma_start3A, %dma_start3A_32] : memref<10240x16xf32, #tpu.memory_space<vmem_shared>> -> memref<10240x16xf32, #tpu.memory_space<vmem_shared>>
        tpu.enqueue_indirect_dma source(%arg7 : memref<40x16xf32, #tpu.memory_space<vmem>>) target(%dma_start3A_33 : memref<10240x16xf32, #tpu.memory_space<vmem_shared>>) offsets(%arg6 : memref<40xi32, #tpu.memory_space<vmem>>) semaphore(%run_scoped3A : memref<!tpu.dma_semaphore, #tpu.memory_space<semaphore_mem>>) {add = true}
        %dma_wait3A = arith.constant 0 : i32
        %dma_wait3A_34 = arith.constant 0 : i32
        %dma_wait3A_35 = tpu.memref_slice %arg4[%dma_wait3A, %dma_wait3A_34] : memref<10240x16xf32, #tpu.memory_space<vmem_shared>> -> memref<10240x16xf32, #tpu.memory_space<vmem_shared>>
        tpu.wait_indirect_dma semaphore(%run_scoped3A : memref<!tpu.dma_semaphore, #tpu.memory_space<semaphore_mem>>) src(%arg7 : memref<40x16xf32, #tpu.memory_space<vmem>>) dst(%dma_wait3A_35 : memref<10240x16xf32, #tpu.memory_space<vmem_shared>>)
        tpu.yield
      }) : () -> ()
      %scan3A_31 = arith.constant 0 : i32
      scf.yield %scan3A_31 : i32
    }
    %scan3A_22 = arith.constant 250 : i32
    %barrier3A_23 = arith.constant 0 : index
    tpu.barrier barrier_id(%barrier3A_23)
    "tpu.region"() ({
      %run_scoped3A = tpu.sem_alloc : memref<!tpu.dma_semaphore, #tpu.memory_space<semaphore_mem>>
      %dma_start3A = arith.constant 0 : i32
      %dma_start3A_24 = tpu.memref_slice %arg3[%arg0, %mul3A_15, %dma_start3A] : memref<2x10240x16xf32, #tpu.memory_space<hbm>> -> memref<1x640x16xf32, #tpu.memory_space<hbm>>
      %dma_start3A_25 = tpu.memref_squeeze %dma_start3A_24 : memref<1x640x16xf32, #tpu.memory_space<hbm>> -> memref<640x16xf32, #tpu.memory_space<hbm>>
      %dma_start3A_26 = arith.constant 0 : i32
      %dma_start3A_27 = tpu.memref_slice %arg4[%mul3A_15, %dma_start3A_26] : memref<10240x16xf32, #tpu.memory_space<vmem_shared>> -> memref<640x16xf32, #tpu.memory_space<vmem_shared>>
      tpu.enqueue_dma source(%dma_start3A_27 : memref<640x16xf32, #tpu.memory_space<vmem_shared>>) target(%dma_start3A_25 : memref<640x16xf32, #tpu.memory_space<hbm>>) target_semaphore(%run_scoped3A : memref<!tpu.dma_semaphore, #tpu.memory_space<semaphore_mem>>)
      %dma_wait3A = arith.constant 0 : i32
      %dma_wait3A_28 = tpu.memref_slice %arg3[%arg0, %mul3A_15, %dma_wait3A] : memref<2x10240x16xf32, #tpu.memory_space<hbm>> -> memref<1x640x16xf32, #tpu.memory_space<hbm>>
      %dma_wait3A_29 = tpu.memref_squeeze %dma_wait3A_28 : memref<1x640x16xf32, #tpu.memory_space<hbm>> -> memref<640x16xf32, #tpu.memory_space<hbm>>
      %dma_wait3A_30 = arith.constant 0 : i32
      %dma_wait3A_31 = tpu.memref_slice %arg4[%mul3A_15, %dma_wait3A_30] : memref<10240x16xf32, #tpu.memory_space<vmem_shared>> -> memref<640x16xf32, #tpu.memory_space<vmem_shared>>
      tpu.wait_dma2 semaphore(%run_scoped3A : memref<!tpu.dma_semaphore, #tpu.memory_space<semaphore_mem>>) src(%dma_wait3A_31 : memref<640x16xf32, #tpu.memory_space<vmem_shared>>) dst(%dma_wait3A_29 : memref<640x16xf32, #tpu.memory_space<hbm>>)
      tpu.yield
    }) : () -> ()
    return
  }
}

#map = affine_map<(d0, d1) -> (0, 0)>
#map1 = affine_map<(d0, d1) -> (0)>
#map2 = affine_map<(d0, d1) -> (0, 0, 0)>
module attributes {stable_mosaic.version = 14 : i64} {
  func.func @genconv_sc_msg(%arg0: i32, %arg1: i32, %arg2: memref<10000x128xf32, #tpu.memory_space<hbm>>, %arg3: memref<320000x128xf32, #tpu.memory_space<hbm>>, %arg4: memref<10000x128xf32, #tpu.memory_space<hbm>>, %arg5: memref<320000xi32, #tpu.memory_space<hbm>>, %arg6: memref<32x250x40xi32, #tpu.memory_space<hbm>>, %arg7: memref<2x10000x128xf32, #tpu.memory_space<hbm>>, %arg8: memref<10000x128xf32, #tpu.memory_space<vmem_shared>>, %arg9: memref<10000xi32, #tpu.memory_space<vmem>>, %arg10: memref<250x40xi32, #tpu.memory_space<vmem>>, %arg11: memref<40x128xf32, #tpu.memory_space<vmem>>, %arg12: memref<40x128xf32, #tpu.memory_space<vmem>>, %arg13: memref<40x128xf32, #tpu.memory_space<vmem>>, %arg14: memref<40x128xf32, #tpu.memory_space<vmem>>, %arg15: memref<!tpu.dma_semaphore, #tpu.memory_space<semaphore_mem>>, %arg16: memref<!tpu.dma_semaphore, #tpu.memory_space<semaphore_mem>>, %arg17: memref<!tpu.dma_semaphore, #tpu.memory_space<semaphore_mem>>, %arg18: memref<!tpu.dma_semaphore, #tpu.memory_space<semaphore_mem>>, %arg19: memref<!tpu.dma_semaphore, #tpu.memory_space<semaphore_mem>>, %arg20: memref<!tpu.dma_semaphore, #tpu.memory_space<semaphore_mem>>) attributes {dimension_semantics = [#tpu.dimension_semantics<core_parallel>, #tpu.dimension_semantics<subcore_parallel>], iteration_bounds = array<i64: 2, 16>, scalar_prefetch = 0 : i64, scratch_operands = 13 : i64, tpu.core_type = #tpu.core_type<sc_vector_subcore>, window_params = [{transform_indices = #map}, {transform_indices = #map}, {transform_indices = #map}, {transform_indices = #map1}, {transform_indices = #map2}, {transform_indices = #map2}]} {
    %mul3A = arith.constant 16 : i32
    %mul3A_0 = arith.muli %arg0, %mul3A : i32
    %add3A = arith.addi %mul3A_0, %arg1 : i32
    %mul3A_1 = arith.constant 10000 : i32
    %mul3A_2 = arith.muli %add3A, %mul3A_1 : i32
    "tpu.region"() ({
      %run_scoped3A = tpu.sem_alloc : memref<!tpu.dma_semaphore, #tpu.memory_space<semaphore_mem>>
      %dma_start3A_34 = tpu.memref_slice %arg5[%mul3A_2] : memref<320000xi32, #tpu.memory_space<hbm>> -> memref<10000xi32, #tpu.memory_space<hbm>>
      %dma_start3A_35 = tpu.memref_slice %arg5[%mul3A_2] : memref<320000xi32, #tpu.memory_space<hbm>> -> memref<10000xi32, #tpu.memory_space<hbm>>
      tpu.enqueue_dma source(%dma_start3A_35 : memref<10000xi32, #tpu.memory_space<hbm>>) target(%arg9 : memref<10000xi32, #tpu.memory_space<vmem>>) target_semaphore(%run_scoped3A : memref<!tpu.dma_semaphore, #tpu.memory_space<semaphore_mem>>)
      %dma_wait3A_36 = tpu.memref_slice %arg5[%mul3A_2] : memref<320000xi32, #tpu.memory_space<hbm>> -> memref<10000xi32, #tpu.memory_space<hbm>>
      %dma_wait3A_37 = tpu.memref_slice %arg5[%mul3A_2] : memref<320000xi32, #tpu.memory_space<hbm>> -> memref<10000xi32, #tpu.memory_space<hbm>>
      tpu.wait_dma2 semaphore(%run_scoped3A : memref<!tpu.dma_semaphore, #tpu.memory_space<semaphore_mem>>) src(%dma_wait3A_37 : memref<10000xi32, #tpu.memory_space<hbm>>) dst(%arg9 : memref<10000xi32, #tpu.memory_space<vmem>>)
      tpu.yield
    }) : () -> ()
    "tpu.region"() ({
      %run_scoped3A = tpu.sem_alloc : memref<!tpu.dma_semaphore, #tpu.memory_space<semaphore_mem>>
      %dma_start3A_34 = arith.constant 0 : i32
      %dma_start3A_35 = arith.constant 0 : i32
      %dma_start3A_36 = tpu.memref_slice %arg6[%add3A, %dma_start3A_34, %dma_start3A_35] : memref<32x250x40xi32, #tpu.memory_space<hbm>> -> memref<1x250x40xi32, #tpu.memory_space<hbm>>
      %dma_start3A_37 = tpu.memref_squeeze %dma_start3A_36 : memref<1x250x40xi32, #tpu.memory_space<hbm>> -> memref<250x40xi32, #tpu.memory_space<hbm>>
      %dma_start3A_38 = arith.constant 0 : i32
      %dma_start3A_39 = arith.constant 0 : i32
      %dma_start3A_40 = tpu.memref_slice %arg6[%add3A, %dma_start3A_38, %dma_start3A_39] : memref<32x250x40xi32, #tpu.memory_space<hbm>> -> memref<1x250x40xi32, #tpu.memory_space<hbm>>
      %dma_start3A_41 = tpu.memref_squeeze %dma_start3A_40 : memref<1x250x40xi32, #tpu.memory_space<hbm>> -> memref<250x40xi32, #tpu.memory_space<hbm>>
      tpu.enqueue_dma source(%dma_start3A_41 : memref<250x40xi32, #tpu.memory_space<hbm>>) target(%arg10 : memref<250x40xi32, #tpu.memory_space<vmem>>) target_semaphore(%run_scoped3A : memref<!tpu.dma_semaphore, #tpu.memory_space<semaphore_mem>>)
      %dma_wait3A_42 = arith.constant 0 : i32
      %dma_wait3A_43 = arith.constant 0 : i32
      %dma_wait3A_44 = tpu.memref_slice %arg6[%add3A, %dma_wait3A_42, %dma_wait3A_43] : memref<32x250x40xi32, #tpu.memory_space<hbm>> -> memref<1x250x40xi32, #tpu.memory_space<hbm>>
      %dma_wait3A_45 = tpu.memref_squeeze %dma_wait3A_44 : memref<1x250x40xi32, #tpu.memory_space<hbm>> -> memref<250x40xi32, #tpu.memory_space<hbm>>
      %dma_wait3A_46 = arith.constant 0 : i32
      %dma_wait3A_47 = arith.constant 0 : i32
      %dma_wait3A_48 = tpu.memref_slice %arg6[%add3A, %dma_wait3A_46, %dma_wait3A_47] : memref<32x250x40xi32, #tpu.memory_space<hbm>> -> memref<1x250x40xi32, #tpu.memory_space<hbm>>
      %dma_wait3A_49 = tpu.memref_squeeze %dma_wait3A_48 : memref<1x250x40xi32, #tpu.memory_space<hbm>> -> memref<250x40xi32, #tpu.memory_space<hbm>>
      tpu.wait_dma2 semaphore(%run_scoped3A : memref<!tpu.dma_semaphore, #tpu.memory_space<semaphore_mem>>) src(%dma_wait3A_49 : memref<250x40xi32, #tpu.memory_space<hbm>>) dst(%arg10 : memref<250x40xi32, #tpu.memory_space<vmem>>)
      tpu.yield
    }) : () -> ()
    %mul3A_3 = arith.constant 624 : i32
    %mul3A_4 = arith.muli %arg1, %mul3A_3 : i32
    %min3A = arith.constant 9360 : i32
    %min3A_5 = arith.minsi %mul3A_4, %min3A : i32
    "tpu.region"() ({
      %run_scoped3A = tpu.sem_alloc : memref<!tpu.dma_semaphore, #tpu.memory_space<semaphore_mem>>
      %dma_start3A_34 = arith.constant 0 : i32
      %dma_start3A_35 = tpu.memref_slice %arg8[%min3A_5, %dma_start3A_34] : memref<10000x128xf32, #tpu.memory_space<vmem_shared>> -> memref<640x128xf32, #tpu.memory_space<vmem_shared>>
      %dma_start3A_36 = arith.constant 0 : i32
      %dma_start3A_37 = tpu.memref_slice %arg4[%min3A_5, %dma_start3A_36] : memref<10000x128xf32, #tpu.memory_space<hbm>> -> memref<640x128xf32, #tpu.memory_space<hbm>>
      tpu.enqueue_dma source(%dma_start3A_37 : memref<640x128xf32, #tpu.memory_space<hbm>>) target(%dma_start3A_35 : memref<640x128xf32, #tpu.memory_space<vmem_shared>>) target_semaphore(%run_scoped3A : memref<!tpu.dma_semaphore, #tpu.memory_space<semaphore_mem>>)
      %dma_wait3A_38 = arith.constant 0 : i32
      %dma_wait3A_39 = tpu.memref_slice %arg8[%min3A_5, %dma_wait3A_38] : memref<10000x128xf32, #tpu.memory_space<vmem_shared>> -> memref<640x128xf32, #tpu.memory_space<vmem_shared>>
      %dma_wait3A_40 = arith.constant 0 : i32
      %dma_wait3A_41 = tpu.memref_slice %arg4[%min3A_5, %dma_wait3A_40] : memref<10000x128xf32, #tpu.memory_space<hbm>> -> memref<640x128xf32, #tpu.memory_space<hbm>>
      tpu.wait_dma2 semaphore(%run_scoped3A : memref<!tpu.dma_semaphore, #tpu.memory_space<semaphore_mem>>) src(%dma_wait3A_41 : memref<640x128xf32, #tpu.memory_space<hbm>>) dst(%dma_wait3A_39 : memref<640x128xf32, #tpu.memory_space<vmem_shared>>)
      tpu.yield
    }) : () -> ()
    %barrier3A = arith.constant 0 : index
    tpu.barrier barrier_id(%barrier3A)
    %dma_start3A = arith.constant 0 : i32
    %dma_start3A_6 = tpu.memref_slice %arg9[%dma_start3A] : memref<10000xi32, #tpu.memory_space<vmem>> -> memref<40xi32, #tpu.memory_space<vmem>>
    %dma_start3A_7 = arith.constant 0 : i32
    %dma_start3A_8 = arith.constant 0 : i32
    %dma_start3A_9 = tpu.memref_slice %arg2[%dma_start3A_7, %dma_start3A_8] : memref<10000x128xf32, #tpu.memory_space<hbm>> -> memref<10000x128xf32, #tpu.memory_space<hbm>>
    tpu.enqueue_indirect_dma source(%dma_start3A_9 : memref<10000x128xf32, #tpu.memory_space<hbm>>) target(%arg11 : memref<40x128xf32, #tpu.memory_space<vmem>>) offsets(%dma_start3A_6 : memref<40xi32, #tpu.memory_space<vmem>>) semaphore(%arg15 : memref<!tpu.dma_semaphore, #tpu.memory_space<semaphore_mem>>)
    %dma_start3A_10 = arith.constant 40 : i32
    %dma_start3A_11 = tpu.memref_slice %arg9[%dma_start3A_10] : memref<10000xi32, #tpu.memory_space<vmem>> -> memref<40xi32, #tpu.memory_space<vmem>>
    %dma_start3A_12 = arith.constant 0 : i32
    %dma_start3A_13 = arith.constant 0 : i32
    %dma_start3A_14 = tpu.memref_slice %arg2[%dma_start3A_12, %dma_start3A_13] : memref<10000x128xf32, #tpu.memory_space<hbm>> -> memref<10000x128xf32, #tpu.memory_space<hbm>>
    tpu.enqueue_indirect_dma source(%dma_start3A_14 : memref<10000x128xf32, #tpu.memory_space<hbm>>) target(%arg12 : memref<40x128xf32, #tpu.memory_space<vmem>>) offsets(%dma_start3A_11 : memref<40xi32, #tpu.memory_space<vmem>>) semaphore(%arg16 : memref<!tpu.dma_semaphore, #tpu.memory_space<semaphore_mem>>)
    %add3A_15 = arith.constant 0 : i32
    %add3A_16 = arith.addi %mul3A_2, %add3A_15 : i32
    %dma_start3A_17 = arith.constant 0 : i32
    %dma_start3A_18 = tpu.memref_slice %arg3[%add3A_16, %dma_start3A_17] : memref<320000x128xf32, #tpu.memory_space<hbm>> -> memref<40x128xf32, #tpu.memory_space<hbm>>
    %dma_start3A_19 = arith.constant 0 : i32
    %dma_start3A_20 = tpu.memref_slice %arg3[%add3A_16, %dma_start3A_19] : memref<320000x128xf32, #tpu.memory_space<hbm>> -> memref<40x128xf32, #tpu.memory_space<hbm>>
    tpu.enqueue_dma source(%dma_start3A_20 : memref<40x128xf32, #tpu.memory_space<hbm>>) target(%arg13 : memref<40x128xf32, #tpu.memory_space<vmem>>) target_semaphore(%arg17 : memref<!tpu.dma_semaphore, #tpu.memory_space<semaphore_mem>>)
    %scan3A = arith.constant 0 : i32
    %scan3A_21 = arith.constant 0 : i32
    %scan3A_22 = arith.constant 125 : i32
    %scan3A_23 = arith.addi %scan3A_21, %scan3A_22 : i32
    %scan3A_24 = arith.constant 1 : i32
    %scan3A_25 = scf.for %scan3A_34 = %scan3A_21 to %scan3A_23 step %scan3A_24 iter_args(%scan3A_35 = %scan3A) -> (i32)  : i32 {
      %mul3A_36 = arith.constant 2 : i32
      %mul3A_37 = arith.muli %scan3A_34, %mul3A_36 : i32
      %add3A_38 = arith.constant 0 : i32
      %add3A_39 = arith.addi %mul3A_37, %add3A_38 : i32
      %ge3A = arith.constant 1 : i32
      %ge3A_40 = arith.cmpi sge, %add3A_39, %ge3A : i32
      %convert_element_type3A = arith.extui %ge3A_40 : i1 to i32
      %cond3A = arith.constant 0 : i32
      %cond3A_41 = arith.cmpi ne, %convert_element_type3A, %cond3A : i32
      scf.if %cond3A_41 {
        %dma_wait3A_129 = arith.constant 0 : i32
        %dma_wait3A_130 = arith.constant 0 : i32
        %dma_wait3A_131 = tpu.memref_slice %arg10[%dma_wait3A_129, %dma_wait3A_130] : memref<250x40xi32, #tpu.memory_space<vmem>> -> memref<1x40xi32, #tpu.memory_space<vmem>>
        %dma_wait3A_132 = tpu.memref_squeeze %dma_wait3A_131 : memref<1x40xi32, #tpu.memory_space<vmem>> -> memref<40xi32, #tpu.memory_space<vmem>>
        %dma_wait3A_133 = arith.constant 0 : i32
        %dma_wait3A_134 = arith.constant 0 : i32
        %dma_wait3A_135 = tpu.memref_slice %arg8[%dma_wait3A_133, %dma_wait3A_134] : memref<10000x128xf32, #tpu.memory_space<vmem_shared>> -> memref<10000x128xf32, #tpu.memory_space<vmem_shared>>
        tpu.wait_indirect_dma semaphore(%arg20 : memref<!tpu.dma_semaphore, #tpu.memory_space<semaphore_mem>>) src(%arg14 : memref<40x128xf32, #tpu.memory_space<vmem>>) dst(%dma_wait3A_135 : memref<10000x128xf32, #tpu.memory_space<vmem_shared>>)
      } else {
      }
      %add3A_42 = arith.constant 1 : i32
      %add3A_43 = arith.addi %add3A_39, %add3A_42 : i32
      %lt3A = arith.constant 250 : i32
      %lt3A_44 = arith.cmpi slt, %add3A_43, %lt3A : i32
      %convert_element_type3A_45 = arith.extui %lt3A_44 : i1 to i32
      %cond3A_46 = arith.constant 0 : i32
      %cond3A_47 = arith.cmpi ne, %convert_element_type3A_45, %cond3A_46 : i32
      scf.if %cond3A_47 {
        %add3A_129 = arith.constant 1 : i32
        %add3A_130 = arith.addi %add3A_39, %add3A_129 : i32
        %mul3A_131 = arith.constant 40 : i32
        %mul3A_132 = arith.muli %add3A_130, %mul3A_131 : i32
        %add3A_133 = arith.addi %mul3A_2, %mul3A_132 : i32
        %dma_start3A_134 = arith.constant 0 : i32
        %dma_start3A_135 = tpu.memref_slice %arg3[%add3A_133, %dma_start3A_134] : memref<320000x128xf32, #tpu.memory_space<hbm>> -> memref<40x128xf32, #tpu.memory_space<hbm>>
        %dma_start3A_136 = arith.constant 0 : i32
        %dma_start3A_137 = tpu.memref_slice %arg3[%add3A_133, %dma_start3A_136] : memref<320000x128xf32, #tpu.memory_space<hbm>> -> memref<40x128xf32, #tpu.memory_space<hbm>>
        tpu.enqueue_dma source(%dma_start3A_137 : memref<40x128xf32, #tpu.memory_space<hbm>>) target(%arg14 : memref<40x128xf32, #tpu.memory_space<vmem>>) target_semaphore(%arg18 : memref<!tpu.dma_semaphore, #tpu.memory_space<semaphore_mem>>)
      } else {
      }
      %mul3A_48 = arith.constant 40 : i32
      %mul3A_49 = arith.muli %add3A_39, %mul3A_48 : i32
      %dma_wait3A_50 = tpu.memref_slice %arg9[%mul3A_49] : memref<10000xi32, #tpu.memory_space<vmem>> -> memref<40xi32, #tpu.memory_space<vmem>>
      %dma_wait3A_51 = arith.constant 0 : i32
      %dma_wait3A_52 = arith.constant 0 : i32
      %dma_wait3A_53 = tpu.memref_slice %arg2[%dma_wait3A_51, %dma_wait3A_52] : memref<10000x128xf32, #tpu.memory_space<hbm>> -> memref<10000x128xf32, #tpu.memory_space<hbm>>
      tpu.wait_indirect_dma semaphore(%arg15 : memref<!tpu.dma_semaphore, #tpu.memory_space<semaphore_mem>>) src(%dma_wait3A_53 : memref<10000x128xf32, #tpu.memory_space<hbm>>) dst(%arg11 : memref<40x128xf32, #tpu.memory_space<vmem>>)
      %add3A_54 = arith.constant 0 : i32
      %add3A_55 = arith.addi %mul3A_2, %add3A_54 : i32
      %dma_wait3A_56 = arith.constant 0 : i32
      %dma_wait3A_57 = tpu.memref_slice %arg3[%add3A_55, %dma_wait3A_56] : memref<320000x128xf32, #tpu.memory_space<hbm>> -> memref<40x128xf32, #tpu.memory_space<hbm>>
      %dma_wait3A_58 = arith.constant 0 : i32
      %dma_wait3A_59 = tpu.memref_slice %arg3[%add3A_55, %dma_wait3A_58] : memref<320000x128xf32, #tpu.memory_space<hbm>> -> memref<40x128xf32, #tpu.memory_space<hbm>>
      tpu.wait_dma2 semaphore(%arg17 : memref<!tpu.dma_semaphore, #tpu.memory_space<semaphore_mem>>) src(%dma_wait3A_59 : memref<40x128xf32, #tpu.memory_space<hbm>>) dst(%arg13 : memref<40x128xf32, #tpu.memory_space<vmem>>)
      %scan3A_60 = arith.constant 0 : i32
      %scan3A_61 = arith.constant 0 : i32
      %scan3A_62 = arith.constant 40 : i32
      %scan3A_63 = arith.addi %scan3A_61, %scan3A_62 : i32
      %scan3A_64 = arith.constant 1 : i32
      %scan3A_65 = scf.for %scan3A_129 = %scan3A_61 to %scan3A_63 step %scan3A_64 iter_args(%scan3A_130 = %scan3A_60) -> (i32)  : i32 {
        %get3A = arith.index_cast %scan3A_129 : i32 to index
        %get3A_131 = arith.constant 0 : index
        %get3A_132 = tpu.vector_load %arg11[%get3A, %get3A_131] {strides = array<i32>} : memref<40x128xf32, #tpu.memory_space<vmem>>, vector<1x16xf32>,
        %get3A_133 = vector.shape_cast %get3A_132 : vector<1x16xf32> to vector<16xf32>
        %get3A_134 = arith.index_cast %scan3A_129 : i32 to index
        %get3A_135 = arith.constant 0 : index
        %get3A_136 = tpu.vector_load %arg13[%get3A_134, %get3A_135] {strides = array<i32>} : memref<40x128xf32, #tpu.memory_space<vmem>>, vector<1x16xf32>,
        %get3A_137 = vector.shape_cast %get3A_136 : vector<1x16xf32> to vector<16xf32>
        %add3A_138 = arith.addf %get3A_133, %get3A_137 : vector<16xf32>
        %max3A = arith.constant 0.000000e+00 : f32
        %max3A_139 = vector.broadcast %max3A : f32 to vector<16xf32>
        %max3A_140 = arith.maximumf %add3A_138, %max3A_139 : vector<16xf32>
        %add3A_141 = arith.constant 1.000000e-07 : f32
        %add3A_142 = vector.broadcast %add3A_141 : f32 to vector<16xf32>
        %add3A_143 = arith.addf %max3A_140, %add3A_142 : vector<16xf32>
        %swap3A = arith.index_cast %scan3A_129 : i32 to index
        %swap3A_144 = arith.constant 0 : index
        %swap3A_145 = tpu.vector_load %arg13[%swap3A, %swap3A_144] {strides = array<i32>} : memref<40x128xf32, #tpu.memory_space<vmem>>, vector<1x16xf32>,
        %swap3A_146 = vector.shape_cast %swap3A_145 : vector<1x16xf32> to vector<16xf32>
        %swap3A_147 = vector.shape_cast %add3A_143 : vector<16xf32> to vector<1x16xf32>
        tpu.vector_store %arg13[%swap3A, %swap3A_144], %swap3A_147 {strides = array<i32>} : memref<40x128xf32, #tpu.memory_space<vmem>>, vector<1x16xf32>,
        %get3A_148 = arith.index_cast %scan3A_129 : i32 to index
        %get3A_149 = arith.constant 16 : index
        %get3A_150 = tpu.vector_load %arg11[%get3A_148, %get3A_149] {strides = array<i32>} : memref<40x128xf32, #tpu.memory_space<vmem>>, vector<1x16xf32>,
        %get3A_151 = vector.shape_cast %get3A_150 : vector<1x16xf32> to vector<16xf32>
        %get3A_152 = arith.index_cast %scan3A_129 : i32 to index
        %get3A_153 = arith.constant 16 : index
        %get3A_154 = tpu.vector_load %arg13[%get3A_152, %get3A_153] {strides = array<i32>} : memref<40x128xf32, #tpu.memory_space<vmem>>, vector<1x16xf32>,
        %get3A_155 = vector.shape_cast %get3A_154 : vector<1x16xf32> to vector<16xf32>
        %add3A_156 = arith.addf %get3A_151, %get3A_155 : vector<16xf32>
        %max3A_157 = arith.constant 0.000000e+00 : f32
        %max3A_158 = vector.broadcast %max3A_157 : f32 to vector<16xf32>
        %max3A_159 = arith.maximumf %add3A_156, %max3A_158 : vector<16xf32>
        %add3A_160 = arith.constant 1.000000e-07 : f32
        %add3A_161 = vector.broadcast %add3A_160 : f32 to vector<16xf32>
        %add3A_162 = arith.addf %max3A_159, %add3A_161 : vector<16xf32>
        %swap3A_163 = arith.index_cast %scan3A_129 : i32 to index
        %swap3A_164 = arith.constant 16 : index
        %swap3A_165 = tpu.vector_load %arg13[%swap3A_163, %swap3A_164] {strides = array<i32>} : memref<40x128xf32, #tpu.memory_space<vmem>>, vector<1x16xf32>,
        %swap3A_166 = vector.shape_cast %swap3A_165 : vector<1x16xf32> to vector<16xf32>
        %swap3A_167 = vector.shape_cast %add3A_162 : vector<16xf32> to vector<1x16xf32>
        tpu.vector_store %arg13[%swap3A_163, %swap3A_164], %swap3A_167 {strides = array<i32>} : memref<40x128xf32, #tpu.memory_space<vmem>>, vector<1x16xf32>,
        %get3A_168 = arith.index_cast %scan3A_129 : i32 to index
        %get3A_169 = arith.constant 32 : index
        %get3A_170 = tpu.vector_load %arg11[%get3A_168, %get3A_169] {strides = array<i32>} : memref<40x128xf32, #tpu.memory_space<vmem>>, vector<1x16xf32>,
        %get3A_171 = vector.shape_cast %get3A_170 : vector<1x16xf32> to vector<16xf32>
        %get3A_172 = arith.index_cast %scan3A_129 : i32 to index
        %get3A_173 = arith.constant 32 : index
        %get3A_174 = tpu.vector_load %arg13[%get3A_172, %get3A_173] {strides = array<i32>} : memref<40x128xf32, #tpu.memory_space<vmem>>, vector<1x16xf32>,
        %get3A_175 = vector.shape_cast %get3A_174 : vector<1x16xf32> to vector<16xf32>
        %add3A_176 = arith.addf %get3A_171, %get3A_175 : vector<16xf32>
        %max3A_177 = arith.constant 0.000000e+00 : f32
        %max3A_178 = vector.broadcast %max3A_177 : f32 to vector<16xf32>
        %max3A_179 = arith.maximumf %add3A_176, %max3A_178 : vector<16xf32>
        %add3A_180 = arith.constant 1.000000e-07 : f32
        %add3A_181 = vector.broadcast %add3A_180 : f32 to vector<16xf32>
        %add3A_182 = arith.addf %max3A_179, %add3A_181 : vector<16xf32>
        %swap3A_183 = arith.index_cast %scan3A_129 : i32 to index
        %swap3A_184 = arith.constant 32 : index
        %swap3A_185 = tpu.vector_load %arg13[%swap3A_183, %swap3A_184] {strides = array<i32>} : memref<40x128xf32, #tpu.memory_space<vmem>>, vector<1x16xf32>,
        %swap3A_186 = vector.shape_cast %swap3A_185 : vector<1x16xf32> to vector<16xf32>
        %swap3A_187 = vector.shape_cast %add3A_182 : vector<16xf32> to vector<1x16xf32>
        tpu.vector_store %arg13[%swap3A_183, %swap3A_184], %swap3A_187 {strides = array<i32>} : memref<40x128xf32, #tpu.memory_space<vmem>>, vector<1x16xf32>,
        %get3A_188 = arith.index_cast %scan3A_129 : i32 to index
        %get3A_189 = arith.constant 48 : index
        %get3A_190 = tpu.vector_load %arg11[%get3A_188, %get3A_189] {strides = array<i32>} : memref<40x128xf32, #tpu.memory_space<vmem>>, vector<1x16xf32>,
        %get3A_191 = vector.shape_cast %get3A_190 : vector<1x16xf32> to vector<16xf32>
        %get3A_192 = arith.index_cast %scan3A_129 : i32 to index
        %get3A_193 = arith.constant 48 : index
        %get3A_194 = tpu.vector_load %arg13[%get3A_192, %get3A_193] {strides = array<i32>} : memref<40x128xf32, #tpu.memory_space<vmem>>, vector<1x16xf32>,
        %get3A_195 = vector.shape_cast %get3A_194 : vector<1x16xf32> to vector<16xf32>
        %add3A_196 = arith.addf %get3A_191, %get3A_195 : vector<16xf32>
        %max3A_197 = arith.constant 0.000000e+00 : f32
        %max3A_198 = vector.broadcast %max3A_197 : f32 to vector<16xf32>
        %max3A_199 = arith.maximumf %add3A_196, %max3A_198 : vector<16xf32>
        %add3A_200 = arith.constant 1.000000e-07 : f32
        %add3A_201 = vector.broadcast %add3A_200 : f32 to vector<16xf32>
        %add3A_202 = arith.addf %max3A_199, %add3A_201 : vector<16xf32>
        %swap3A_203 = arith.index_cast %scan3A_129 : i32 to index
        %swap3A_204 = arith.constant 48 : index
        %swap3A_205 = tpu.vector_load %arg13[%swap3A_203, %swap3A_204] {strides = array<i32>} : memref<40x128xf32, #tpu.memory_space<vmem>>, vector<1x16xf32>,
        %swap3A_206 = vector.shape_cast %swap3A_205 : vector<1x16xf32> to vector<16xf32>
        %swap3A_207 = vector.shape_cast %add3A_202 : vector<16xf32> to vector<1x16xf32>
        tpu.vector_store %arg13[%swap3A_203, %swap3A_204], %swap3A_207 {strides = array<i32>} : memref<40x128xf32, #tpu.memory_space<vmem>>, vector<1x16xf32>,
        %get3A_208 = arith.index_cast %scan3A_129 : i32 to index
        %get3A_209 = arith.constant 64 : index
        %get3A_210 = tpu.vector_load %arg11[%get3A_208, %get3A_209] {strides = array<i32>} : memref<40x128xf32, #tpu.memory_space<vmem>>, vector<1x16xf32>,
        %get3A_211 = vector.shape_cast %get3A_210 : vector<1x16xf32> to vector<16xf32>
        %get3A_212 = arith.index_cast %scan3A_129 : i32 to index
        %get3A_213 = arith.constant 64 : index
        %get3A_214 = tpu.vector_load %arg13[%get3A_212, %get3A_213] {strides = array<i32>} : memref<40x128xf32, #tpu.memory_space<vmem>>, vector<1x16xf32>,
        %get3A_215 = vector.shape_cast %get3A_214 : vector<1x16xf32> to vector<16xf32>
        %add3A_216 = arith.addf %get3A_211, %get3A_215 : vector<16xf32>
        %max3A_217 = arith.constant 0.000000e+00 : f32
        %max3A_218 = vector.broadcast %max3A_217 : f32 to vector<16xf32>
        %max3A_219 = arith.maximumf %add3A_216, %max3A_218 : vector<16xf32>
        %add3A_220 = arith.constant 1.000000e-07 : f32
        %add3A_221 = vector.broadcast %add3A_220 : f32 to vector<16xf32>
        %add3A_222 = arith.addf %max3A_219, %add3A_221 : vector<16xf32>
        %swap3A_223 = arith.index_cast %scan3A_129 : i32 to index
        %swap3A_224 = arith.constant 64 : index
        %swap3A_225 = tpu.vector_load %arg13[%swap3A_223, %swap3A_224] {strides = array<i32>} : memref<40x128xf32, #tpu.memory_space<vmem>>, vector<1x16xf32>,
        %swap3A_226 = vector.shape_cast %swap3A_225 : vector<1x16xf32> to vector<16xf32>
        %swap3A_227 = vector.shape_cast %add3A_222 : vector<16xf32> to vector<1x16xf32>
        tpu.vector_store %arg13[%swap3A_223, %swap3A_224], %swap3A_227 {strides = array<i32>} : memref<40x128xf32, #tpu.memory_space<vmem>>, vector<1x16xf32>,
        %get3A_228 = arith.index_cast %scan3A_129 : i32 to index
        %get3A_229 = arith.constant 80 : index
        %get3A_230 = tpu.vector_load %arg11[%get3A_228, %get3A_229] {strides = array<i32>} : memref<40x128xf32, #tpu.memory_space<vmem>>, vector<1x16xf32>,
        %get3A_231 = vector.shape_cast %get3A_230 : vector<1x16xf32> to vector<16xf32>
        %get3A_232 = arith.index_cast %scan3A_129 : i32 to index
        %get3A_233 = arith.constant 80 : index
        %get3A_234 = tpu.vector_load %arg13[%get3A_232, %get3A_233] {strides = array<i32>} : memref<40x128xf32, #tpu.memory_space<vmem>>, vector<1x16xf32>,
        %get3A_235 = vector.shape_cast %get3A_234 : vector<1x16xf32> to vector<16xf32>
        %add3A_236 = arith.addf %get3A_231, %get3A_235 : vector<16xf32>
        %max3A_237 = arith.constant 0.000000e+00 : f32
        %max3A_238 = vector.broadcast %max3A_237 : f32 to vector<16xf32>
        %max3A_239 = arith.maximumf %add3A_236, %max3A_238 : vector<16xf32>
        %add3A_240 = arith.constant 1.000000e-07 : f32
        %add3A_241 = vector.broadcast %add3A_240 : f32 to vector<16xf32>
        %add3A_242 = arith.addf %max3A_239, %add3A_241 : vector<16xf32>
        %swap3A_243 = arith.index_cast %scan3A_129 : i32 to index
        %swap3A_244 = arith.constant 80 : index
        %swap3A_245 = tpu.vector_load %arg13[%swap3A_243, %swap3A_244] {strides = array<i32>} : memref<40x128xf32, #tpu.memory_space<vmem>>, vector<1x16xf32>,
        %swap3A_246 = vector.shape_cast %swap3A_245 : vector<1x16xf32> to vector<16xf32>
        %swap3A_247 = vector.shape_cast %add3A_242 : vector<16xf32> to vector<1x16xf32>
        tpu.vector_store %arg13[%swap3A_243, %swap3A_244], %swap3A_247 {strides = array<i32>} : memref<40x128xf32, #tpu.memory_space<vmem>>, vector<1x16xf32>,
        %get3A_248 = arith.index_cast %scan3A_129 : i32 to index
        %get3A_249 = arith.constant 96 : index
        %get3A_250 = tpu.vector_load %arg11[%get3A_248, %get3A_249] {strides = array<i32>} : memref<40x128xf32, #tpu.memory_space<vmem>>, vector<1x16xf32>,
        %get3A_251 = vector.shape_cast %get3A_250 : vector<1x16xf32> to vector<16xf32>
        %get3A_252 = arith.index_cast %scan3A_129 : i32 to index
        %get3A_253 = arith.constant 96 : index
        %get3A_254 = tpu.vector_load %arg13[%get3A_252, %get3A_253] {strides = array<i32>} : memref<40x128xf32, #tpu.memory_space<vmem>>, vector<1x16xf32>,
        %get3A_255 = vector.shape_cast %get3A_254 : vector<1x16xf32> to vector<16xf32>
        %add3A_256 = arith.addf %get3A_251, %get3A_255 : vector<16xf32>
        %max3A_257 = arith.constant 0.000000e+00 : f32
        %max3A_258 = vector.broadcast %max3A_257 : f32 to vector<16xf32>
        %max3A_259 = arith.maximumf %add3A_256, %max3A_258 : vector<16xf32>
        %add3A_260 = arith.constant 1.000000e-07 : f32
        %add3A_261 = vector.broadcast %add3A_260 : f32 to vector<16xf32>
        %add3A_262 = arith.addf %max3A_259, %add3A_261 : vector<16xf32>
        %swap3A_263 = arith.index_cast %scan3A_129 : i32 to index
        %swap3A_264 = arith.constant 96 : index
        %swap3A_265 = tpu.vector_load %arg13[%swap3A_263, %swap3A_264] {strides = array<i32>} : memref<40x128xf32, #tpu.memory_space<vmem>>, vector<1x16xf32>,
        %swap3A_266 = vector.shape_cast %swap3A_265 : vector<1x16xf32> to vector<16xf32>
        %swap3A_267 = vector.shape_cast %add3A_262 : vector<16xf32> to vector<1x16xf32>
        tpu.vector_store %arg13[%swap3A_263, %swap3A_264], %swap3A_267 {strides = array<i32>} : memref<40x128xf32, #tpu.memory_space<vmem>>, vector<1x16xf32>,
        %get3A_268 = arith.index_cast %scan3A_129 : i32 to index
        %get3A_269 = arith.constant 112 : index
        %get3A_270 = tpu.vector_load %arg11[%get3A_268, %get3A_269] {strides = array<i32>} : memref<40x128xf32, #tpu.memory_space<vmem>>, vector<1x16xf32>,
        %get3A_271 = vector.shape_cast %get3A_270 : vector<1x16xf32> to vector<16xf32>
        %get3A_272 = arith.index_cast %scan3A_129 : i32 to index
        %get3A_273 = arith.constant 112 : index
        %get3A_274 = tpu.vector_load %arg13[%get3A_272, %get3A_273] {strides = array<i32>} : memref<40x128xf32, #tpu.memory_space<vmem>>, vector<1x16xf32>,
        %get3A_275 = vector.shape_cast %get3A_274 : vector<1x16xf32> to vector<16xf32>
        %add3A_276 = arith.addf %get3A_271, %get3A_275 : vector<16xf32>
        %max3A_277 = arith.constant 0.000000e+00 : f32
        %max3A_278 = vector.broadcast %max3A_277 : f32 to vector<16xf32>
        %max3A_279 = arith.maximumf %add3A_276, %max3A_278 : vector<16xf32>
        %add3A_280 = arith.constant 1.000000e-07 : f32
        %add3A_281 = vector.broadcast %add3A_280 : f32 to vector<16xf32>
        %add3A_282 = arith.addf %max3A_279, %add3A_281 : vector<16xf32>
        %swap3A_283 = arith.index_cast %scan3A_129 : i32 to index
        %swap3A_284 = arith.constant 112 : index
        %swap3A_285 = tpu.vector_load %arg13[%swap3A_283, %swap3A_284] {strides = array<i32>} : memref<40x128xf32, #tpu.memory_space<vmem>>, vector<1x16xf32>,
        %swap3A_286 = vector.shape_cast %swap3A_285 : vector<1x16xf32> to vector<16xf32>
        %swap3A_287 = vector.shape_cast %add3A_282 : vector<16xf32> to vector<1x16xf32>
        tpu.vector_store %arg13[%swap3A_283, %swap3A_284], %swap3A_287 {strides = array<i32>} : memref<40x128xf32, #tpu.memory_space<vmem>>, vector<1x16xf32>,
        %scan3A_288 = arith.constant 0 : i32
        scf.yield %scan3A_288 : i32
      }
      %scan3A_66 = arith.constant 40 : i32
      %dma_start3A_67 = arith.constant 0 : i32
      %dma_start3A_68 = tpu.memref_slice %arg10[%add3A_39, %dma_start3A_67] : memref<250x40xi32, #tpu.memory_space<vmem>> -> memref<1x40xi32, #tpu.memory_space<vmem>>
      %dma_start3A_69 = tpu.memref_squeeze %dma_start3A_68 : memref<1x40xi32, #tpu.memory_space<vmem>> -> memref<40xi32, #tpu.memory_space<vmem>>
      %dma_start3A_70 = arith.constant 0 : i32
      %dma_start3A_71 = arith.constant 0 : i32
      %dma_start3A_72 = tpu.memref_slice %arg8[%dma_start3A_70, %dma_start3A_71] : memref<10000x128xf32, #tpu.memory_space<vmem_shared>> -> memref<10000x128xf32, #tpu.memory_space<vmem_shared>>
      tpu.enqueue_indirect_dma source(%arg13 : memref<40x128xf32, #tpu.memory_space<vmem>>) target(%dma_start3A_72 : memref<10000x128xf32, #tpu.memory_space<vmem_shared>>) offsets(%dma_start3A_69 : memref<40xi32, #tpu.memory_space<vmem>>) semaphore(%arg19 : memref<!tpu.dma_semaphore, #tpu.memory_space<semaphore_mem>>) {add = true}
      %add3A_73 = arith.constant 2 : i32
      %add3A_74 = arith.addi %add3A_39, %add3A_73 : i32
      %lt3A_75 = arith.constant 250 : i32
      %lt3A_76 = arith.cmpi slt, %add3A_74, %lt3A_75 : i32
      %convert_element_type3A_77 = arith.extui %lt3A_76 : i1 to i32
      %cond3A_78 = arith.constant 0 : i32
      %cond3A_79 = arith.cmpi ne, %convert_element_type3A_77, %cond3A_78 : i32
      scf.if %cond3A_79 {
        %add3A_129 = arith.constant 2 : i32
        %add3A_130 = arith.addi %add3A_39, %add3A_129 : i32
        %mul3A_131 = arith.constant 40 : i32
        %mul3A_132 = arith.muli %add3A_130, %mul3A_131 : i32
        %dma_start3A_133 = tpu.memref_slice %arg9[%mul3A_132] : memref<10000xi32, #tpu.memory_space<vmem>> -> memref<40xi32, #tpu.memory_space<vmem>>
        %dma_start3A_134 = arith.constant 0 : i32
        %dma_start3A_135 = arith.constant 0 : i32
        %dma_start3A_136 = tpu.memref_slice %arg2[%dma_start3A_134, %dma_start3A_135] : memref<10000x128xf32, #tpu.memory_space<hbm>> -> memref<10000x128xf32, #tpu.memory_space<hbm>>
        tpu.enqueue_indirect_dma source(%dma_start3A_136 : memref<10000x128xf32, #tpu.memory_space<hbm>>) target(%arg11 : memref<40x128xf32, #tpu.memory_space<vmem>>) offsets(%dma_start3A_133 : memref<40xi32, #tpu.memory_space<vmem>>) semaphore(%arg15 : memref<!tpu.dma_semaphore, #tpu.memory_space<semaphore_mem>>)
      } else {
      }
      %mul3A_80 = arith.constant 2 : i32
      %mul3A_81 = arith.muli %scan3A_34, %mul3A_80 : i32
      %add3A_82 = arith.constant 1 : i32
      %add3A_83 = arith.addi %mul3A_81, %add3A_82 : i32
      %ge3A_84 = arith.constant 1 : i32
      %ge3A_85 = arith.cmpi sge, %add3A_83, %ge3A_84 : i32
      %convert_element_type3A_86 = arith.extui %ge3A_85 : i1 to i32
      %cond3A_87 = arith.constant 0 : i32
      %cond3A_88 = arith.cmpi ne, %convert_element_type3A_86, %cond3A_87 : i32
      scf.if %cond3A_88 {
        %dma_wait3A_129 = arith.constant 0 : i32
        %dma_wait3A_130 = arith.constant 0 : i32
        %dma_wait3A_131 = tpu.memref_slice %arg10[%dma_wait3A_129, %dma_wait3A_130] : memref<250x40xi32, #tpu.memory_space<vmem>> -> memref<1x40xi32, #tpu.memory_space<vmem>>
        %dma_wait3A_132 = tpu.memref_squeeze %dma_wait3A_131 : memref<1x40xi32, #tpu.memory_space<vmem>> -> memref<40xi32, #tpu.memory_space<vmem>>
        %dma_wait3A_133 = arith.constant 0 : i32
        %dma_wait3A_134 = arith.constant 0 : i32
        %dma_wait3A_135 = tpu.memref_slice %arg8[%dma_wait3A_133, %dma_wait3A_134] : memref<10000x128xf32, #tpu.memory_space<vmem_shared>> -> memref<10000x128xf32, #tpu.memory_space<vmem_shared>>
        tpu.wait_indirect_dma semaphore(%arg19 : memref<!tpu.dma_semaphore, #tpu.memory_space<semaphore_mem>>) src(%arg13 : memref<40x128xf32, #tpu.memory_space<vmem>>) dst(%dma_wait3A_135 : memref<10000x128xf32, #tpu.memory_space<vmem_shared>>)
      } else {
      }
      %add3A_89 = arith.constant 1 : i32
      %add3A_90 = arith.addi %add3A_83, %add3A_89 : i32
      %lt3A_91 = arith.constant 250 : i32
      %lt3A_92 = arith.cmpi slt, %add3A_90, %lt3A_91 : i32
      %convert_element_type3A_93 = arith.extui %lt3A_92 : i1 to i32
      %cond3A_94 = arith.constant 0 : i32
      %cond3A_95 = arith.cmpi ne, %convert_element_type3A_93, %cond3A_94 : i32
      scf.if %cond3A_95 {
        %add3A_129 = arith.constant 1 : i32
        %add3A_130 = arith.addi %add3A_83, %add3A_129 : i32
        %mul3A_131 = arith.constant 40 : i32
        %mul3A_132 = arith.muli %add3A_130, %mul3A_131 : i32
        %add3A_133 = arith.addi %mul3A_2, %mul3A_132 : i32
        %dma_start3A_134 = arith.constant 0 : i32
        %dma_start3A_135 = tpu.memref_slice %arg3[%add3A_133, %dma_start3A_134] : memref<320000x128xf32, #tpu.memory_space<hbm>> -> memref<40x128xf32, #tpu.memory_space<hbm>>
        %dma_start3A_136 = arith.constant 0 : i32
        %dma_start3A_137 = tpu.memref_slice %arg3[%add3A_133, %dma_start3A_136] : memref<320000x128xf32, #tpu.memory_space<hbm>> -> memref<40x128xf32, #tpu.memory_space<hbm>>
        tpu.enqueue_dma source(%dma_start3A_137 : memref<40x128xf32, #tpu.memory_space<hbm>>) target(%arg13 : memref<40x128xf32, #tpu.memory_space<vmem>>) target_semaphore(%arg17 : memref<!tpu.dma_semaphore, #tpu.memory_space<semaphore_mem>>)
      } else {
      }
      %mul3A_96 = arith.constant 40 : i32
      %mul3A_97 = arith.muli %add3A_83, %mul3A_96 : i32
      %dma_wait3A_98 = tpu.memref_slice %arg9[%mul3A_97] : memref<10000xi32, #tpu.memory_space<vmem>> -> memref<40xi32, #tpu.memory_space<vmem>>
      %dma_wait3A_99 = arith.constant 0 : i32
      %dma_wait3A_100 = arith.constant 0 : i32
      %dma_wait3A_101 = tpu.memref_slice %arg2[%dma_wait3A_99, %dma_wait3A_100] : memref<10000x128xf32, #tpu.memory_space<hbm>> -> memref<10000x128xf32, #tpu.memory_space<hbm>>
      tpu.wait_indirect_dma semaphore(%arg16 : memref<!tpu.dma_semaphore, #tpu.memory_space<semaphore_mem>>) src(%dma_wait3A_101 : memref<10000x128xf32, #tpu.memory_space<hbm>>) dst(%arg12 : memref<40x128xf32, #tpu.memory_space<vmem>>)
      %add3A_102 = arith.constant 0 : i32
      %add3A_103 = arith.addi %mul3A_2, %add3A_102 : i32
      %dma_wait3A_104 = arith.constant 0 : i32
      %dma_wait3A_105 = tpu.memref_slice %arg3[%add3A_103, %dma_wait3A_104] : memref<320000x128xf32, #tpu.memory_space<hbm>> -> memref<40x128xf32, #tpu.memory_space<hbm>>
      %dma_wait3A_106 = arith.constant 0 : i32
      %dma_wait3A_107 = tpu.memref_slice %arg3[%add3A_103, %dma_wait3A_106] : memref<320000x128xf32, #tpu.memory_space<hbm>> -> memref<40x128xf32, #tpu.memory_space<hbm>>
      tpu.wait_dma2 semaphore(%arg18 : memref<!tpu.dma_semaphore, #tpu.memory_space<semaphore_mem>>) src(%dma_wait3A_107 : memref<40x128xf32, #tpu.memory_space<hbm>>) dst(%arg14 : memref<40x128xf32, #tpu.memory_space<vmem>>)
      %scan3A_108 = arith.constant 0 : i32
      %scan3A_109 = arith.constant 0 : i32
      %scan3A_110 = arith.constant 40 : i32
      %scan3A_111 = arith.addi %scan3A_109, %scan3A_110 : i32
      %scan3A_112 = arith.constant 1 : i32
      %scan3A_113 = scf.for %scan3A_129 = %scan3A_109 to %scan3A_111 step %scan3A_112 iter_args(%scan3A_130 = %scan3A_108) -> (i32)  : i32 {
        %get3A = arith.index_cast %scan3A_129 : i32 to index
        %get3A_131 = arith.constant 0 : index
        %get3A_132 = tpu.vector_load %arg12[%get3A, %get3A_131] {strides = array<i32>} : memref<40x128xf32, #tpu.memory_space<vmem>>, vector<1x16xf32>,
        %get3A_133 = vector.shape_cast %get3A_132 : vector<1x16xf32> to vector<16xf32>
        %get3A_134 = arith.index_cast %scan3A_129 : i32 to index
        %get3A_135 = arith.constant 0 : index
        %get3A_136 = tpu.vector_load %arg14[%get3A_134, %get3A_135] {strides = array<i32>} : memref<40x128xf32, #tpu.memory_space<vmem>>, vector<1x16xf32>,
        %get3A_137 = vector.shape_cast %get3A_136 : vector<1x16xf32> to vector<16xf32>
        %add3A_138 = arith.addf %get3A_133, %get3A_137 : vector<16xf32>
        %max3A = arith.constant 0.000000e+00 : f32
        %max3A_139 = vector.broadcast %max3A : f32 to vector<16xf32>
        %max3A_140 = arith.maximumf %add3A_138, %max3A_139 : vector<16xf32>
        %add3A_141 = arith.constant 1.000000e-07 : f32
        %add3A_142 = vector.broadcast %add3A_141 : f32 to vector<16xf32>
        %add3A_143 = arith.addf %max3A_140, %add3A_142 : vector<16xf32>
        %swap3A = arith.index_cast %scan3A_129 : i32 to index
        %swap3A_144 = arith.constant 0 : index
        %swap3A_145 = tpu.vector_load %arg14[%swap3A, %swap3A_144] {strides = array<i32>} : memref<40x128xf32, #tpu.memory_space<vmem>>, vector<1x16xf32>,
        %swap3A_146 = vector.shape_cast %swap3A_145 : vector<1x16xf32> to vector<16xf32>
        %swap3A_147 = vector.shape_cast %add3A_143 : vector<16xf32> to vector<1x16xf32>
        tpu.vector_store %arg14[%swap3A, %swap3A_144], %swap3A_147 {strides = array<i32>} : memref<40x128xf32, #tpu.memory_space<vmem>>, vector<1x16xf32>,
        %get3A_148 = arith.index_cast %scan3A_129 : i32 to index
        %get3A_149 = arith.constant 16 : index
        %get3A_150 = tpu.vector_load %arg12[%get3A_148, %get3A_149] {strides = array<i32>} : memref<40x128xf32, #tpu.memory_space<vmem>>, vector<1x16xf32>,
        %get3A_151 = vector.shape_cast %get3A_150 : vector<1x16xf32> to vector<16xf32>
        %get3A_152 = arith.index_cast %scan3A_129 : i32 to index
        %get3A_153 = arith.constant 16 : index
        %get3A_154 = tpu.vector_load %arg14[%get3A_152, %get3A_153] {strides = array<i32>} : memref<40x128xf32, #tpu.memory_space<vmem>>, vector<1x16xf32>,
        %get3A_155 = vector.shape_cast %get3A_154 : vector<1x16xf32> to vector<16xf32>
        %add3A_156 = arith.addf %get3A_151, %get3A_155 : vector<16xf32>
        %max3A_157 = arith.constant 0.000000e+00 : f32
        %max3A_158 = vector.broadcast %max3A_157 : f32 to vector<16xf32>
        %max3A_159 = arith.maximumf %add3A_156, %max3A_158 : vector<16xf32>
        %add3A_160 = arith.constant 1.000000e-07 : f32
        %add3A_161 = vector.broadcast %add3A_160 : f32 to vector<16xf32>
        %add3A_162 = arith.addf %max3A_159, %add3A_161 : vector<16xf32>
        %swap3A_163 = arith.index_cast %scan3A_129 : i32 to index
        %swap3A_164 = arith.constant 16 : index
        %swap3A_165 = tpu.vector_load %arg14[%swap3A_163, %swap3A_164] {strides = array<i32>} : memref<40x128xf32, #tpu.memory_space<vmem>>, vector<1x16xf32>,
        %swap3A_166 = vector.shape_cast %swap3A_165 : vector<1x16xf32> to vector<16xf32>
        %swap3A_167 = vector.shape_cast %add3A_162 : vector<16xf32> to vector<1x16xf32>
        tpu.vector_store %arg14[%swap3A_163, %swap3A_164], %swap3A_167 {strides = array<i32>} : memref<40x128xf32, #tpu.memory_space<vmem>>, vector<1x16xf32>,
        %get3A_168 = arith.index_cast %scan3A_129 : i32 to index
        %get3A_169 = arith.constant 32 : index
        %get3A_170 = tpu.vector_load %arg12[%get3A_168, %get3A_169] {strides = array<i32>} : memref<40x128xf32, #tpu.memory_space<vmem>>, vector<1x16xf32>,
        %get3A_171 = vector.shape_cast %get3A_170 : vector<1x16xf32> to vector<16xf32>
        %get3A_172 = arith.index_cast %scan3A_129 : i32 to index
        %get3A_173 = arith.constant 32 : index
        %get3A_174 = tpu.vector_load %arg14[%get3A_172, %get3A_173] {strides = array<i32>} : memref<40x128xf32, #tpu.memory_space<vmem>>, vector<1x16xf32>,
        %get3A_175 = vector.shape_cast %get3A_174 : vector<1x16xf32> to vector<16xf32>
        %add3A_176 = arith.addf %get3A_171, %get3A_175 : vector<16xf32>
        %max3A_177 = arith.constant 0.000000e+00 : f32
        %max3A_178 = vector.broadcast %max3A_177 : f32 to vector<16xf32>
        %max3A_179 = arith.maximumf %add3A_176, %max3A_178 : vector<16xf32>
        %add3A_180 = arith.constant 1.000000e-07 : f32
        %add3A_181 = vector.broadcast %add3A_180 : f32 to vector<16xf32>
        %add3A_182 = arith.addf %max3A_179, %add3A_181 : vector<16xf32>
        %swap3A_183 = arith.index_cast %scan3A_129 : i32 to index
        %swap3A_184 = arith.constant 32 : index
        %swap3A_185 = tpu.vector_load %arg14[%swap3A_183, %swap3A_184] {strides = array<i32>} : memref<40x128xf32, #tpu.memory_space<vmem>>, vector<1x16xf32>,
        %swap3A_186 = vector.shape_cast %swap3A_185 : vector<1x16xf32> to vector<16xf32>
        %swap3A_187 = vector.shape_cast %add3A_182 : vector<16xf32> to vector<1x16xf32>
        tpu.vector_store %arg14[%swap3A_183, %swap3A_184], %swap3A_187 {strides = array<i32>} : memref<40x128xf32, #tpu.memory_space<vmem>>, vector<1x16xf32>,
        %get3A_188 = arith.index_cast %scan3A_129 : i32 to index
        %get3A_189 = arith.constant 48 : index
        %get3A_190 = tpu.vector_load %arg12[%get3A_188, %get3A_189] {strides = array<i32>} : memref<40x128xf32, #tpu.memory_space<vmem>>, vector<1x16xf32>,
        %get3A_191 = vector.shape_cast %get3A_190 : vector<1x16xf32> to vector<16xf32>
        %get3A_192 = arith.index_cast %scan3A_129 : i32 to index
        %get3A_193 = arith.constant 48 : index
        %get3A_194 = tpu.vector_load %arg14[%get3A_192, %get3A_193] {strides = array<i32>} : memref<40x128xf32, #tpu.memory_space<vmem>>, vector<1x16xf32>,
        %get3A_195 = vector.shape_cast %get3A_194 : vector<1x16xf32> to vector<16xf32>
        %add3A_196 = arith.addf %get3A_191, %get3A_195 : vector<16xf32>
        %max3A_197 = arith.constant 0.000000e+00 : f32
        %max3A_198 = vector.broadcast %max3A_197 : f32 to vector<16xf32>
        %max3A_199 = arith.maximumf %add3A_196, %max3A_198 : vector<16xf32>
        %add3A_200 = arith.constant 1.000000e-07 : f32
        %add3A_201 = vector.broadcast %add3A_200 : f32 to vector<16xf32>
        %add3A_202 = arith.addf %max3A_199, %add3A_201 : vector<16xf32>
        %swap3A_203 = arith.index_cast %scan3A_129 : i32 to index
        %swap3A_204 = arith.constant 48 : index
        %swap3A_205 = tpu.vector_load %arg14[%swap3A_203, %swap3A_204] {strides = array<i32>} : memref<40x128xf32, #tpu.memory_space<vmem>>, vector<1x16xf32>,
        %swap3A_206 = vector.shape_cast %swap3A_205 : vector<1x16xf32> to vector<16xf32>
        %swap3A_207 = vector.shape_cast %add3A_202 : vector<16xf32> to vector<1x16xf32>
        tpu.vector_store %arg14[%swap3A_203, %swap3A_204], %swap3A_207 {strides = array<i32>} : memref<40x128xf32, #tpu.memory_space<vmem>>, vector<1x16xf32>,
        %get3A_208 = arith.index_cast %scan3A_129 : i32 to index
        %get3A_209 = arith.constant 64 : index
        %get3A_210 = tpu.vector_load %arg12[%get3A_208, %get3A_209] {strides = array<i32>} : memref<40x128xf32, #tpu.memory_space<vmem>>, vector<1x16xf32>,
        %get3A_211 = vector.shape_cast %get3A_210 : vector<1x16xf32> to vector<16xf32>
        %get3A_212 = arith.index_cast %scan3A_129 : i32 to index
        %get3A_213 = arith.constant 64 : index
        %get3A_214 = tpu.vector_load %arg14[%get3A_212, %get3A_213] {strides = array<i32>} : memref<40x128xf32, #tpu.memory_space<vmem>>, vector<1x16xf32>,
        %get3A_215 = vector.shape_cast %get3A_214 : vector<1x16xf32> to vector<16xf32>
        %add3A_216 = arith.addf %get3A_211, %get3A_215 : vector<16xf32>
        %max3A_217 = arith.constant 0.000000e+00 : f32
        %max3A_218 = vector.broadcast %max3A_217 : f32 to vector<16xf32>
        %max3A_219 = arith.maximumf %add3A_216, %max3A_218 : vector<16xf32>
        %add3A_220 = arith.constant 1.000000e-07 : f32
        %add3A_221 = vector.broadcast %add3A_220 : f32 to vector<16xf32>
        %add3A_222 = arith.addf %max3A_219, %add3A_221 : vector<16xf32>
        %swap3A_223 = arith.index_cast %scan3A_129 : i32 to index
        %swap3A_224 = arith.constant 64 : index
        %swap3A_225 = tpu.vector_load %arg14[%swap3A_223, %swap3A_224] {strides = array<i32>} : memref<40x128xf32, #tpu.memory_space<vmem>>, vector<1x16xf32>,
        %swap3A_226 = vector.shape_cast %swap3A_225 : vector<1x16xf32> to vector<16xf32>
        %swap3A_227 = vector.shape_cast %add3A_222 : vector<16xf32> to vector<1x16xf32>
        tpu.vector_store %arg14[%swap3A_223, %swap3A_224], %swap3A_227 {strides = array<i32>} : memref<40x128xf32, #tpu.memory_space<vmem>>, vector<1x16xf32>,
        %get3A_228 = arith.index_cast %scan3A_129 : i32 to index
        %get3A_229 = arith.constant 80 : index
        %get3A_230 = tpu.vector_load %arg12[%get3A_228, %get3A_229] {strides = array<i32>} : memref<40x128xf32, #tpu.memory_space<vmem>>, vector<1x16xf32>,
        %get3A_231 = vector.shape_cast %get3A_230 : vector<1x16xf32> to vector<16xf32>
        %get3A_232 = arith.index_cast %scan3A_129 : i32 to index
        %get3A_233 = arith.constant 80 : index
        %get3A_234 = tpu.vector_load %arg14[%get3A_232, %get3A_233] {strides = array<i32>} : memref<40x128xf32, #tpu.memory_space<vmem>>, vector<1x16xf32>,
        %get3A_235 = vector.shape_cast %get3A_234 : vector<1x16xf32> to vector<16xf32>
        %add3A_236 = arith.addf %get3A_231, %get3A_235 : vector<16xf32>
        %max3A_237 = arith.constant 0.000000e+00 : f32
        %max3A_238 = vector.broadcast %max3A_237 : f32 to vector<16xf32>
        %max3A_239 = arith.maximumf %add3A_236, %max3A_238 : vector<16xf32>
        %add3A_240 = arith.constant 1.000000e-07 : f32
        %add3A_241 = vector.broadcast %add3A_240 : f32 to vector<16xf32>
        %add3A_242 = arith.addf %max3A_239, %add3A_241 : vector<16xf32>
        %swap3A_243 = arith.index_cast %scan3A_129 : i32 to index
        %swap3A_244 = arith.constant 80 : index
        %swap3A_245 = tpu.vector_load %arg14[%swap3A_243, %swap3A_244] {strides = array<i32>} : memref<40x128xf32, #tpu.memory_space<vmem>>, vector<1x16xf32>,
        %swap3A_246 = vector.shape_cast %swap3A_245 : vector<1x16xf32> to vector<16xf32>
        %swap3A_247 = vector.shape_cast %add3A_242 : vector<16xf32> to vector<1x16xf32>
        tpu.vector_store %arg14[%swap3A_243, %swap3A_244], %swap3A_247 {strides = array<i32>} : memref<40x128xf32, #tpu.memory_space<vmem>>, vector<1x16xf32>,
        %get3A_248 = arith.index_cast %scan3A_129 : i32 to index
        %get3A_249 = arith.constant 96 : index
        %get3A_250 = tpu.vector_load %arg12[%get3A_248, %get3A_249] {strides = array<i32>} : memref<40x128xf32, #tpu.memory_space<vmem>>, vector<1x16xf32>,
        %get3A_251 = vector.shape_cast %get3A_250 : vector<1x16xf32> to vector<16xf32>
        %get3A_252 = arith.index_cast %scan3A_129 : i32 to index
        %get3A_253 = arith.constant 96 : index
        %get3A_254 = tpu.vector_load %arg14[%get3A_252, %get3A_253] {strides = array<i32>} : memref<40x128xf32, #tpu.memory_space<vmem>>, vector<1x16xf32>,
        %get3A_255 = vector.shape_cast %get3A_254 : vector<1x16xf32> to vector<16xf32>
        %add3A_256 = arith.addf %get3A_251, %get3A_255 : vector<16xf32>
        %max3A_257 = arith.constant 0.000000e+00 : f32
        %max3A_258 = vector.broadcast %max3A_257 : f32 to vector<16xf32>
        %max3A_259 = arith.maximumf %add3A_256, %max3A_258 : vector<16xf32>
        %add3A_260 = arith.constant 1.000000e-07 : f32
        %add3A_261 = vector.broadcast %add3A_260 : f32 to vector<16xf32>
        %add3A_262 = arith.addf %max3A_259, %add3A_261 : vector<16xf32>
        %swap3A_263 = arith.index_cast %scan3A_129 : i32 to index
        %swap3A_264 = arith.constant 96 : index
        %swap3A_265 = tpu.vector_load %arg14[%swap3A_263, %swap3A_264] {strides = array<i32>} : memref<40x128xf32, #tpu.memory_space<vmem>>, vector<1x16xf32>,
        %swap3A_266 = vector.shape_cast %swap3A_265 : vector<1x16xf32> to vector<16xf32>
        %swap3A_267 = vector.shape_cast %add3A_262 : vector<16xf32> to vector<1x16xf32>
        tpu.vector_store %arg14[%swap3A_263, %swap3A_264], %swap3A_267 {strides = array<i32>} : memref<40x128xf32, #tpu.memory_space<vmem>>, vector<1x16xf32>,
        %get3A_268 = arith.index_cast %scan3A_129 : i32 to index
        %get3A_269 = arith.constant 112 : index
        %get3A_270 = tpu.vector_load %arg12[%get3A_268, %get3A_269] {strides = array<i32>} : memref<40x128xf32, #tpu.memory_space<vmem>>, vector<1x16xf32>,
        %get3A_271 = vector.shape_cast %get3A_270 : vector<1x16xf32> to vector<16xf32>
        %get3A_272 = arith.index_cast %scan3A_129 : i32 to index
        %get3A_273 = arith.constant 112 : index
        %get3A_274 = tpu.vector_load %arg14[%get3A_272, %get3A_273] {strides = array<i32>} : memref<40x128xf32, #tpu.memory_space<vmem>>, vector<1x16xf32>,
        %get3A_275 = vector.shape_cast %get3A_274 : vector<1x16xf32> to vector<16xf32>
        %add3A_276 = arith.addf %get3A_271, %get3A_275 : vector<16xf32>
        %max3A_277 = arith.constant 0.000000e+00 : f32
        %max3A_278 = vector.broadcast %max3A_277 : f32 to vector<16xf32>
        %max3A_279 = arith.maximumf %add3A_276, %max3A_278 : vector<16xf32>
        %add3A_280 = arith.constant 1.000000e-07 : f32
        %add3A_281 = vector.broadcast %add3A_280 : f32 to vector<16xf32>
        %add3A_282 = arith.addf %max3A_279, %add3A_281 : vector<16xf32>
        %swap3A_283 = arith.index_cast %scan3A_129 : i32 to index
        %swap3A_284 = arith.constant 112 : index
        %swap3A_285 = tpu.vector_load %arg14[%swap3A_283, %swap3A_284] {strides = array<i32>} : memref<40x128xf32, #tpu.memory_space<vmem>>, vector<1x16xf32>,
        %swap3A_286 = vector.shape_cast %swap3A_285 : vector<1x16xf32> to vector<16xf32>
        %swap3A_287 = vector.shape_cast %add3A_282 : vector<16xf32> to vector<1x16xf32>
        tpu.vector_store %arg14[%swap3A_283, %swap3A_284], %swap3A_287 {strides = array<i32>} : memref<40x128xf32, #tpu.memory_space<vmem>>, vector<1x16xf32>,
        %scan3A_288 = arith.constant 0 : i32
        scf.yield %scan3A_288 : i32
      }
      %scan3A_114 = arith.constant 40 : i32
      %dma_start3A_115 = arith.constant 0 : i32
      %dma_start3A_116 = tpu.memref_slice %arg10[%add3A_83, %dma_start3A_115] : memref<250x40xi32, #tpu.memory_space<vmem>> -> memref<1x40xi32, #tpu.memory_space<vmem>>
      %dma_start3A_117 = tpu.memref_squeeze %dma_start3A_116 : memref<1x40xi32, #tpu.memory_space<vmem>> -> memref<40xi32, #tpu.memory_space<vmem>>
      %dma_start3A_118 = arith.constant 0 : i32
      %dma_start3A_119 = arith.constant 0 : i32
      %dma_start3A_120 = tpu.memref_slice %arg8[%dma_start3A_118, %dma_start3A_119] : memref<10000x128xf32, #tpu.memory_space<vmem_shared>> -> memref<10000x128xf32, #tpu.memory_space<vmem_shared>>
      tpu.enqueue_indirect_dma source(%arg14 : memref<40x128xf32, #tpu.memory_space<vmem>>) target(%dma_start3A_120 : memref<10000x128xf32, #tpu.memory_space<vmem_shared>>) offsets(%dma_start3A_117 : memref<40xi32, #tpu.memory_space<vmem>>) semaphore(%arg20 : memref<!tpu.dma_semaphore, #tpu.memory_space<semaphore_mem>>) {add = true}
      %add3A_121 = arith.constant 2 : i32
      %add3A_122 = arith.addi %add3A_83, %add3A_121 : i32
      %lt3A_123 = arith.constant 250 : i32
      %lt3A_124 = arith.cmpi slt, %add3A_122, %lt3A_123 : i32
      %convert_element_type3A_125 = arith.extui %lt3A_124 : i1 to i32
      %cond3A_126 = arith.constant 0 : i32
      %cond3A_127 = arith.cmpi ne, %convert_element_type3A_125, %cond3A_126 : i32
      scf.if %cond3A_127 {
        %add3A_129 = arith.constant 2 : i32
        %add3A_130 = arith.addi %add3A_83, %add3A_129 : i32
        %mul3A_131 = arith.constant 40 : i32
        %mul3A_132 = arith.muli %add3A_130, %mul3A_131 : i32
        %dma_start3A_133 = tpu.memref_slice %arg9[%mul3A_132] : memref<10000xi32, #tpu.memory_space<vmem>> -> memref<40xi32, #tpu.memory_space<vmem>>
        %dma_start3A_134 = arith.constant 0 : i32
        %dma_start3A_135 = arith.constant 0 : i32
        %dma_start3A_136 = tpu.memref_slice %arg2[%dma_start3A_134, %dma_start3A_135] : memref<10000x128xf32, #tpu.memory_space<hbm>> -> memref<10000x128xf32, #tpu.memory_space<hbm>>
        tpu.enqueue_indirect_dma source(%dma_start3A_136 : memref<10000x128xf32, #tpu.memory_space<hbm>>) target(%arg12 : memref<40x128xf32, #tpu.memory_space<vmem>>) offsets(%dma_start3A_133 : memref<40xi32, #tpu.memory_space<vmem>>) semaphore(%arg16 : memref<!tpu.dma_semaphore, #tpu.memory_space<semaphore_mem>>)
      } else {
      }
      %scan3A_128 = arith.constant 0 : i32
      scf.yield %scan3A_128 : i32
    }
    %scan3A_26 = arith.constant 125 : i32
    %dma_wait3A = arith.constant 0 : i32
    %dma_wait3A_27 = arith.constant 0 : i32
    %dma_wait3A_28 = tpu.memref_slice %arg10[%dma_wait3A, %dma_wait3A_27] : memref<250x40xi32, #tpu.memory_space<vmem>> -> memref<1x40xi32, #tpu.memory_space<vmem>>
    %dma_wait3A_29 = tpu.memref_squeeze %dma_wait3A_28 : memref<1x40xi32, #tpu.memory_space<vmem>> -> memref<40xi32, #tpu.memory_space<vmem>>
    %dma_wait3A_30 = arith.constant 0 : i32
    %dma_wait3A_31 = arith.constant 0 : i32
    %dma_wait3A_32 = tpu.memref_slice %arg8[%dma_wait3A_30, %dma_wait3A_31] : memref<10000x128xf32, #tpu.memory_space<vmem_shared>> -> memref<10000x128xf32, #tpu.memory_space<vmem_shared>>
    tpu.wait_indirect_dma semaphore(%arg20 : memref<!tpu.dma_semaphore, #tpu.memory_space<semaphore_mem>>) src(%arg14 : memref<40x128xf32, #tpu.memory_space<vmem>>) dst(%dma_wait3A_32 : memref<10000x128xf32, #tpu.memory_space<vmem_shared>>)
    %barrier3A_33 = arith.constant 0 : index
    tpu.barrier barrier_id(%barrier3A_33)
    "tpu.region"() ({
      %run_scoped3A = tpu.sem_alloc : memref<!tpu.dma_semaphore, #tpu.memory_space<semaphore_mem>>
      %dma_start3A_34 = arith.constant 0 : i32
      %dma_start3A_35 = tpu.memref_slice %arg7[%arg0, %min3A_5, %dma_start3A_34] : memref<2x10000x128xf32, #tpu.memory_space<hbm>> -> memref<1x640x128xf32, #tpu.memory_space<hbm>>
      %dma_start3A_36 = tpu.memref_squeeze %dma_start3A_35 : memref<1x640x128xf32, #tpu.memory_space<hbm>> -> memref<640x128xf32, #tpu.memory_space<hbm>>
      %dma_start3A_37 = arith.constant 0 : i32
      %dma_start3A_38 = tpu.memref_slice %arg8[%min3A_5, %dma_start3A_37] : memref<10000x128xf32, #tpu.memory_space<vmem_shared>> -> memref<640x128xf32, #tpu.memory_space<vmem_shared>>
      tpu.enqueue_dma source(%dma_start3A_38 : memref<640x128xf32, #tpu.memory_space<vmem_shared>>) target(%dma_start3A_36 : memref<640x128xf32, #tpu.memory_space<hbm>>) target_semaphore(%run_scoped3A : memref<!tpu.dma_semaphore, #tpu.memory_space<semaphore_mem>>)
      %dma_wait3A_39 = arith.constant 0 : i32
      %dma_wait3A_40 = tpu.memref_slice %arg7[%arg0, %min3A_5, %dma_wait3A_39] : memref<2x10000x128xf32, #tpu.memory_space<hbm>> -> memref<1x640x128xf32, #tpu.memory_space<hbm>>
      %dma_wait3A_41 = tpu.memref_squeeze %dma_wait3A_40 : memref<1x640x128xf32, #tpu.memory_space<hbm>> -> memref<640x128xf32, #tpu.memory_space<hbm>>
      %dma_wait3A_42 = arith.constant 0 : i32
      %dma_wait3A_43 = tpu.memref_slice %arg8[%min3A_5, %dma_wait3A_42] : memref<10000x128xf32, #tpu.memory_space<vmem_shared>> -> memref<640x128xf32, #tpu.memory_space<vmem_shared>>
      tpu.wait_dma2 semaphore(%run_scoped3A : memref<!tpu.dma_semaphore, #tpu.memory_space<semaphore_mem>>) src(%dma_wait3A_43 : memref<640x128xf32, #tpu.memory_space<vmem_shared>>) dst(%dma_wait3A_41 : memref<640x128xf32, #tpu.memory_space<hbm>>)
      tpu.yield
    }) : () -> ()
    return
  }
}

#map = affine_map<(d0, d1) -> (0, 0)>
#map1 = affine_map<(d0, d1) -> (0)>
#map2 = affine_map<(d0, d1) -> (0, 0, 0)>
module attributes {stable_mosaic.version = 14 : i64} {
  func.func @genconv_sc_msg(%arg0: i32, %arg1: i32, %arg2: memref<10000x128xf32, #tpu.memory_space<hbm>>, %arg3: memref<320000x128xf32, #tpu.memory_space<hbm>>, %arg4: memref<10000x128xf32, #tpu.memory_space<hbm>>, %arg5: memref<320000xi32, #tpu.memory_space<hbm>>, %arg6: memref<32x250x40xi32, #tpu.memory_space<hbm>>, %arg7: memref<2x10000x128xf32, #tpu.memory_space<hbm>>, %arg8: memref<10000x128xf32, #tpu.memory_space<vmem_shared>>, %arg9: memref<10000xi32, #tpu.memory_space<vmem>>, %arg10: memref<250x40xi32, #tpu.memory_space<vmem>>, %arg11: memref<40x128xf32, #tpu.memory_space<vmem>>, %arg12: memref<40x128xf32, #tpu.memory_space<vmem>>, %arg13: memref<40x128xf32, #tpu.memory_space<vmem>>, %arg14: memref<40x128xf32, #tpu.memory_space<vmem>>, %arg15: memref<!tpu.dma_semaphore, #tpu.memory_space<semaphore_mem>>, %arg16: memref<!tpu.dma_semaphore, #tpu.memory_space<semaphore_mem>>, %arg17: memref<!tpu.dma_semaphore, #tpu.memory_space<semaphore_mem>>, %arg18: memref<!tpu.dma_semaphore, #tpu.memory_space<semaphore_mem>>, %arg19: memref<!tpu.dma_semaphore, #tpu.memory_space<semaphore_mem>>, %arg20: memref<!tpu.dma_semaphore, #tpu.memory_space<semaphore_mem>>) attributes {dimension_semantics = [#tpu.dimension_semantics<core_parallel>, #tpu.dimension_semantics<subcore_parallel>], iteration_bounds = array<i64: 2, 16>, scalar_prefetch = 0 : i64, scratch_operands = 13 : i64, tpu.core_type = #tpu.core_type<sc_vector_subcore>, window_params = [{transform_indices = #map}, {transform_indices = #map}, {transform_indices = #map}, {transform_indices = #map1}, {transform_indices = #map2}, {transform_indices = #map2}]} {
    %mul3A = arith.constant 16 : i32
    %mul3A_0 = arith.muli %arg0, %mul3A : i32
    %add3A = arith.addi %mul3A_0, %arg1 : i32
    %mul3A_1 = arith.constant 10000 : i32
    %mul3A_2 = arith.muli %add3A, %mul3A_1 : i32
    "tpu.region"() ({
      %run_scoped3A = tpu.sem_alloc : memref<!tpu.dma_semaphore, #tpu.memory_space<semaphore_mem>>
      %dma_start3A_34 = tpu.memref_slice %arg5[%mul3A_2] : memref<320000xi32, #tpu.memory_space<hbm>> -> memref<10000xi32, #tpu.memory_space<hbm>>
      %dma_start3A_35 = tpu.memref_slice %arg5[%mul3A_2] : memref<320000xi32, #tpu.memory_space<hbm>> -> memref<10000xi32, #tpu.memory_space<hbm>>
      tpu.enqueue_dma source(%dma_start3A_35 : memref<10000xi32, #tpu.memory_space<hbm>>) target(%arg9 : memref<10000xi32, #tpu.memory_space<vmem>>) target_semaphore(%run_scoped3A : memref<!tpu.dma_semaphore, #tpu.memory_space<semaphore_mem>>)
      %dma_wait3A_36 = tpu.memref_slice %arg5[%mul3A_2] : memref<320000xi32, #tpu.memory_space<hbm>> -> memref<10000xi32, #tpu.memory_space<hbm>>
      %dma_wait3A_37 = tpu.memref_slice %arg5[%mul3A_2] : memref<320000xi32, #tpu.memory_space<hbm>> -> memref<10000xi32, #tpu.memory_space<hbm>>
      tpu.wait_dma2 semaphore(%run_scoped3A : memref<!tpu.dma_semaphore, #tpu.memory_space<semaphore_mem>>) src(%dma_wait3A_37 : memref<10000xi32, #tpu.memory_space<hbm>>) dst(%arg9 : memref<10000xi32, #tpu.memory_space<vmem>>)
      tpu.yield
    }) : () -> ()
    "tpu.region"() ({
      %run_scoped3A = tpu.sem_alloc : memref<!tpu.dma_semaphore, #tpu.memory_space<semaphore_mem>>
      %dma_start3A_34 = arith.constant 0 : i32
      %dma_start3A_35 = arith.constant 0 : i32
      %dma_start3A_36 = tpu.memref_slice %arg6[%add3A, %dma_start3A_34, %dma_start3A_35] : memref<32x250x40xi32, #tpu.memory_space<hbm>> -> memref<1x250x40xi32, #tpu.memory_space<hbm>>
      %dma_start3A_37 = tpu.memref_squeeze %dma_start3A_36 : memref<1x250x40xi32, #tpu.memory_space<hbm>> -> memref<250x40xi32, #tpu.memory_space<hbm>>
      %dma_start3A_38 = arith.constant 0 : i32
      %dma_start3A_39 = arith.constant 0 : i32
      %dma_start3A_40 = tpu.memref_slice %arg6[%add3A, %dma_start3A_38, %dma_start3A_39] : memref<32x250x40xi32, #tpu.memory_space<hbm>> -> memref<1x250x40xi32, #tpu.memory_space<hbm>>
      %dma_start3A_41 = tpu.memref_squeeze %dma_start3A_40 : memref<1x250x40xi32, #tpu.memory_space<hbm>> -> memref<250x40xi32, #tpu.memory_space<hbm>>
      tpu.enqueue_dma source(%dma_start3A_41 : memref<250x40xi32, #tpu.memory_space<hbm>>) target(%arg10 : memref<250x40xi32, #tpu.memory_space<vmem>>) target_semaphore(%run_scoped3A : memref<!tpu.dma_semaphore, #tpu.memory_space<semaphore_mem>>)
      %dma_wait3A_42 = arith.constant 0 : i32
      %dma_wait3A_43 = arith.constant 0 : i32
      %dma_wait3A_44 = tpu.memref_slice %arg6[%add3A, %dma_wait3A_42, %dma_wait3A_43] : memref<32x250x40xi32, #tpu.memory_space<hbm>> -> memref<1x250x40xi32, #tpu.memory_space<hbm>>
      %dma_wait3A_45 = tpu.memref_squeeze %dma_wait3A_44 : memref<1x250x40xi32, #tpu.memory_space<hbm>> -> memref<250x40xi32, #tpu.memory_space<hbm>>
      %dma_wait3A_46 = arith.constant 0 : i32
      %dma_wait3A_47 = arith.constant 0 : i32
      %dma_wait3A_48 = tpu.memref_slice %arg6[%add3A, %dma_wait3A_46, %dma_wait3A_47] : memref<32x250x40xi32, #tpu.memory_space<hbm>> -> memref<1x250x40xi32, #tpu.memory_space<hbm>>
      %dma_wait3A_49 = tpu.memref_squeeze %dma_wait3A_48 : memref<1x250x40xi32, #tpu.memory_space<hbm>> -> memref<250x40xi32, #tpu.memory_space<hbm>>
      tpu.wait_dma2 semaphore(%run_scoped3A : memref<!tpu.dma_semaphore, #tpu.memory_space<semaphore_mem>>) src(%dma_wait3A_49 : memref<250x40xi32, #tpu.memory_space<hbm>>) dst(%arg10 : memref<250x40xi32, #tpu.memory_space<vmem>>)
      tpu.yield
    }) : () -> ()
    %mul3A_3 = arith.constant 624 : i32
    %mul3A_4 = arith.muli %arg1, %mul3A_3 : i32
    %min3A = arith.constant 9360 : i32
    %min3A_5 = arith.minsi %mul3A_4, %min3A : i32
    "tpu.region"() ({
      %run_scoped3A = tpu.sem_alloc : memref<!tpu.dma_semaphore, #tpu.memory_space<semaphore_mem>>
      %dma_start3A_34 = arith.constant 0 : i32
      %dma_start3A_35 = tpu.memref_slice %arg8[%min3A_5, %dma_start3A_34] : memref<10000x128xf32, #tpu.memory_space<vmem_shared>> -> memref<640x128xf32, #tpu.memory_space<vmem_shared>>
      %dma_start3A_36 = arith.constant 0 : i32
      %dma_start3A_37 = tpu.memref_slice %arg4[%min3A_5, %dma_start3A_36] : memref<10000x128xf32, #tpu.memory_space<hbm>> -> memref<640x128xf32, #tpu.memory_space<hbm>>
      tpu.enqueue_dma source(%dma_start3A_37 : memref<640x128xf32, #tpu.memory_space<hbm>>) target(%dma_start3A_35 : memref<640x128xf32, #tpu.memory_space<vmem_shared>>) target_semaphore(%run_scoped3A : memref<!tpu.dma_semaphore, #tpu.memory_space<semaphore_mem>>)
      %dma_wait3A_38 = arith.constant 0 : i32
      %dma_wait3A_39 = tpu.memref_slice %arg8[%min3A_5, %dma_wait3A_38] : memref<10000x128xf32, #tpu.memory_space<vmem_shared>> -> memref<640x128xf32, #tpu.memory_space<vmem_shared>>
      %dma_wait3A_40 = arith.constant 0 : i32
      %dma_wait3A_41 = tpu.memref_slice %arg4[%min3A_5, %dma_wait3A_40] : memref<10000x128xf32, #tpu.memory_space<hbm>> -> memref<640x128xf32, #tpu.memory_space<hbm>>
      tpu.wait_dma2 semaphore(%run_scoped3A : memref<!tpu.dma_semaphore, #tpu.memory_space<semaphore_mem>>) src(%dma_wait3A_41 : memref<640x128xf32, #tpu.memory_space<hbm>>) dst(%dma_wait3A_39 : memref<640x128xf32, #tpu.memory_space<vmem_shared>>)
      tpu.yield
    }) : () -> ()
    %barrier3A = arith.constant 0 : index
    tpu.barrier barrier_id(%barrier3A)
    %dma_start3A = arith.constant 0 : i32
    %dma_start3A_6 = tpu.memref_slice %arg9[%dma_start3A] : memref<10000xi32, #tpu.memory_space<vmem>> -> memref<40xi32, #tpu.memory_space<vmem>>
    %dma_start3A_7 = arith.constant 0 : i32
    %dma_start3A_8 = arith.constant 0 : i32
    %dma_start3A_9 = tpu.memref_slice %arg2[%dma_start3A_7, %dma_start3A_8] : memref<10000x128xf32, #tpu.memory_space<hbm>> -> memref<10000x128xf32, #tpu.memory_space<hbm>>
    tpu.enqueue_indirect_dma source(%dma_start3A_9 : memref<10000x128xf32, #tpu.memory_space<hbm>>) target(%arg11 : memref<40x128xf32, #tpu.memory_space<vmem>>) offsets(%dma_start3A_6 : memref<40xi32, #tpu.memory_space<vmem>>) semaphore(%arg15 : memref<!tpu.dma_semaphore, #tpu.memory_space<semaphore_mem>>)
    %dma_start3A_10 = arith.constant 40 : i32
    %dma_start3A_11 = tpu.memref_slice %arg9[%dma_start3A_10] : memref<10000xi32, #tpu.memory_space<vmem>> -> memref<40xi32, #tpu.memory_space<vmem>>
    %dma_start3A_12 = arith.constant 0 : i32
    %dma_start3A_13 = arith.constant 0 : i32
    %dma_start3A_14 = tpu.memref_slice %arg2[%dma_start3A_12, %dma_start3A_13] : memref<10000x128xf32, #tpu.memory_space<hbm>> -> memref<10000x128xf32, #tpu.memory_space<hbm>>
    tpu.enqueue_indirect_dma source(%dma_start3A_14 : memref<10000x128xf32, #tpu.memory_space<hbm>>) target(%arg12 : memref<40x128xf32, #tpu.memory_space<vmem>>) offsets(%dma_start3A_11 : memref<40xi32, #tpu.memory_space<vmem>>) semaphore(%arg16 : memref<!tpu.dma_semaphore, #tpu.memory_space<semaphore_mem>>)
    %add3A_15 = arith.constant 0 : i32
    %add3A_16 = arith.addi %mul3A_2, %add3A_15 : i32
    %dma_start3A_17 = arith.constant 0 : i32
    %dma_start3A_18 = tpu.memref_slice %arg3[%add3A_16, %dma_start3A_17] : memref<320000x128xf32, #tpu.memory_space<hbm>> -> memref<40x128xf32, #tpu.memory_space<hbm>>
    %dma_start3A_19 = arith.constant 0 : i32
    %dma_start3A_20 = tpu.memref_slice %arg3[%add3A_16, %dma_start3A_19] : memref<320000x128xf32, #tpu.memory_space<hbm>> -> memref<40x128xf32, #tpu.memory_space<hbm>>
    tpu.enqueue_dma source(%dma_start3A_20 : memref<40x128xf32, #tpu.memory_space<hbm>>) target(%arg13 : memref<40x128xf32, #tpu.memory_space<vmem>>) target_semaphore(%arg17 : memref<!tpu.dma_semaphore, #tpu.memory_space<semaphore_mem>>)
    %scan3A = arith.constant 0 : i32
    %scan3A_21 = arith.constant 0 : i32
    %scan3A_22 = arith.constant 125 : i32
    %scan3A_23 = arith.addi %scan3A_21, %scan3A_22 : i32
    %scan3A_24 = arith.constant 1 : i32
    %scan3A_25 = scf.for %scan3A_34 = %scan3A_21 to %scan3A_23 step %scan3A_24 iter_args(%scan3A_35 = %scan3A) -> (i32)  : i32 {
      %mul3A_36 = arith.constant 2 : i32
      %mul3A_37 = arith.muli %scan3A_34, %mul3A_36 : i32
      %add3A_38 = arith.constant 0 : i32
      %add3A_39 = arith.addi %mul3A_37, %add3A_38 : i32
      %ge3A = arith.constant 1 : i32
      %ge3A_40 = arith.cmpi sge, %add3A_39, %ge3A : i32
      %convert_element_type3A = arith.extui %ge3A_40 : i1 to i32
      %cond3A = arith.constant 0 : i32
      %cond3A_41 = arith.cmpi ne, %convert_element_type3A, %cond3A : i32
      scf.if %cond3A_41 {
        %dma_wait3A_129 = arith.constant 0 : i32
        %dma_wait3A_130 = arith.constant 0 : i32
        %dma_wait3A_131 = tpu.memref_slice %arg10[%dma_wait3A_129, %dma_wait3A_130] : memref<250x40xi32, #tpu.memory_space<vmem>> -> memref<1x40xi32, #tpu.memory_space<vmem>>
        %dma_wait3A_132 = tpu.memref_squeeze %dma_wait3A_131 : memref<1x40xi32, #tpu.memory_space<vmem>> -> memref<40xi32, #tpu.memory_space<vmem>>
        %dma_wait3A_133 = arith.constant 0 : i32
        %dma_wait3A_134 = arith.constant 0 : i32
        %dma_wait3A_135 = tpu.memref_slice %arg8[%dma_wait3A_133, %dma_wait3A_134] : memref<10000x128xf32, #tpu.memory_space<vmem_shared>> -> memref<10000x128xf32, #tpu.memory_space<vmem_shared>>
        tpu.wait_indirect_dma semaphore(%arg20 : memref<!tpu.dma_semaphore, #tpu.memory_space<semaphore_mem>>) src(%arg14 : memref<40x128xf32, #tpu.memory_space<vmem>>) dst(%dma_wait3A_135 : memref<10000x128xf32, #tpu.memory_space<vmem_shared>>)
      } else {
      }
      %add3A_42 = arith.constant 1 : i32
      %add3A_43 = arith.addi %add3A_39, %add3A_42 : i32
      %lt3A = arith.constant 250 : i32
      %lt3A_44 = arith.cmpi slt, %add3A_43, %lt3A : i32
      %convert_element_type3A_45 = arith.extui %lt3A_44 : i1 to i32
      %cond3A_46 = arith.constant 0 : i32
      %cond3A_47 = arith.cmpi ne, %convert_element_type3A_45, %cond3A_46 : i32
      scf.if %cond3A_47 {
        %add3A_129 = arith.constant 1 : i32
        %add3A_130 = arith.addi %add3A_39, %add3A_129 : i32
        %mul3A_131 = arith.constant 40 : i32
        %mul3A_132 = arith.muli %add3A_130, %mul3A_131 : i32
        %add3A_133 = arith.addi %mul3A_2, %mul3A_132 : i32
        %dma_start3A_134 = arith.constant 0 : i32
        %dma_start3A_135 = tpu.memref_slice %arg3[%add3A_133, %dma_start3A_134] : memref<320000x128xf32, #tpu.memory_space<hbm>> -> memref<40x128xf32, #tpu.memory_space<hbm>>
        %dma_start3A_136 = arith.constant 0 : i32
        %dma_start3A_137 = tpu.memref_slice %arg3[%add3A_133, %dma_start3A_136] : memref<320000x128xf32, #tpu.memory_space<hbm>> -> memref<40x128xf32, #tpu.memory_space<hbm>>
        tpu.enqueue_dma source(%dma_start3A_137 : memref<40x128xf32, #tpu.memory_space<hbm>>) target(%arg14 : memref<40x128xf32, #tpu.memory_space<vmem>>) target_semaphore(%arg18 : memref<!tpu.dma_semaphore, #tpu.memory_space<semaphore_mem>>)
      } else {
      }
      %mul3A_48 = arith.constant 40 : i32
      %mul3A_49 = arith.muli %add3A_39, %mul3A_48 : i32
      %dma_wait3A_50 = tpu.memref_slice %arg9[%mul3A_49] : memref<10000xi32, #tpu.memory_space<vmem>> -> memref<40xi32, #tpu.memory_space<vmem>>
      %dma_wait3A_51 = arith.constant 0 : i32
      %dma_wait3A_52 = arith.constant 0 : i32
      %dma_wait3A_53 = tpu.memref_slice %arg2[%dma_wait3A_51, %dma_wait3A_52] : memref<10000x128xf32, #tpu.memory_space<hbm>> -> memref<10000x128xf32, #tpu.memory_space<hbm>>
      tpu.wait_indirect_dma semaphore(%arg15 : memref<!tpu.dma_semaphore, #tpu.memory_space<semaphore_mem>>) src(%dma_wait3A_53 : memref<10000x128xf32, #tpu.memory_space<hbm>>) dst(%arg11 : memref<40x128xf32, #tpu.memory_space<vmem>>)
      %add3A_54 = arith.constant 0 : i32
      %add3A_55 = arith.addi %mul3A_2, %add3A_54 : i32
      %dma_wait3A_56 = arith.constant 0 : i32
      %dma_wait3A_57 = tpu.memref_slice %arg3[%add3A_55, %dma_wait3A_56] : memref<320000x128xf32, #tpu.memory_space<hbm>> -> memref<40x128xf32, #tpu.memory_space<hbm>>
      %dma_wait3A_58 = arith.constant 0 : i32
      %dma_wait3A_59 = tpu.memref_slice %arg3[%add3A_55, %dma_wait3A_58] : memref<320000x128xf32, #tpu.memory_space<hbm>> -> memref<40x128xf32, #tpu.memory_space<hbm>>
      tpu.wait_dma2 semaphore(%arg17 : memref<!tpu.dma_semaphore, #tpu.memory_space<semaphore_mem>>) src(%dma_wait3A_59 : memref<40x128xf32, #tpu.memory_space<hbm>>) dst(%arg13 : memref<40x128xf32, #tpu.memory_space<vmem>>)
      %scan3A_60 = arith.constant 0 : i32
      %scan3A_61 = arith.constant 0 : i32
      %scan3A_62 = arith.constant 40 : i32
      %scan3A_63 = arith.addi %scan3A_61, %scan3A_62 : i32
      %scan3A_64 = arith.constant 1 : i32
      %scan3A_65 = scf.for %scan3A_129 = %scan3A_61 to %scan3A_63 step %scan3A_64 iter_args(%scan3A_130 = %scan3A_60) -> (i32)  : i32 {
        %get3A = arith.index_cast %scan3A_129 : i32 to index
        %get3A_131 = arith.constant 0 : index
        %get3A_132 = tpu.vector_load %arg11[%get3A, %get3A_131] {strides = array<i32>} : memref<40x128xf32, #tpu.memory_space<vmem>>, vector<1x16xf32>,
        %get3A_133 = vector.shape_cast %get3A_132 : vector<1x16xf32> to vector<16xf32>
        %get3A_134 = arith.index_cast %scan3A_129 : i32 to index
        %get3A_135 = arith.constant 0 : index
        %get3A_136 = tpu.vector_load %arg13[%get3A_134, %get3A_135] {strides = array<i32>} : memref<40x128xf32, #tpu.memory_space<vmem>>, vector<1x16xf32>,
        %get3A_137 = vector.shape_cast %get3A_136 : vector<1x16xf32> to vector<16xf32>
        %add3A_138 = arith.addf %get3A_133, %get3A_137 : vector<16xf32>
        %max3A = arith.constant 0.000000e+00 : f32
        %max3A_139 = vector.broadcast %max3A : f32 to vector<16xf32>
        %max3A_140 = arith.maximumf %add3A_138, %max3A_139 : vector<16xf32>
        %add3A_141 = arith.constant 1.000000e-07 : f32
        %add3A_142 = vector.broadcast %add3A_141 : f32 to vector<16xf32>
        %add3A_143 = arith.addf %max3A_140, %add3A_142 : vector<16xf32>
        %swap3A = arith.index_cast %scan3A_129 : i32 to index
        %swap3A_144 = arith.constant 0 : index
        %swap3A_145 = tpu.vector_load %arg13[%swap3A, %swap3A_144] {strides = array<i32>} : memref<40x128xf32, #tpu.memory_space<vmem>>, vector<1x16xf32>,
        %swap3A_146 = vector.shape_cast %swap3A_145 : vector<1x16xf32> to vector<16xf32>
        %swap3A_147 = vector.shape_cast %add3A_143 : vector<16xf32> to vector<1x16xf32>
        tpu.vector_store %arg13[%swap3A, %swap3A_144], %swap3A_147 {strides = array<i32>} : memref<40x128xf32, #tpu.memory_space<vmem>>, vector<1x16xf32>,
        %get3A_148 = arith.index_cast %scan3A_129 : i32 to index
        %get3A_149 = arith.constant 16 : index
        %get3A_150 = tpu.vector_load %arg11[%get3A_148, %get3A_149] {strides = array<i32>} : memref<40x128xf32, #tpu.memory_space<vmem>>, vector<1x16xf32>,
        %get3A_151 = vector.shape_cast %get3A_150 : vector<1x16xf32> to vector<16xf32>
        %get3A_152 = arith.index_cast %scan3A_129 : i32 to index
        %get3A_153 = arith.constant 16 : index
        %get3A_154 = tpu.vector_load %arg13[%get3A_152, %get3A_153] {strides = array<i32>} : memref<40x128xf32, #tpu.memory_space<vmem>>, vector<1x16xf32>,
        %get3A_155 = vector.shape_cast %get3A_154 : vector<1x16xf32> to vector<16xf32>
        %add3A_156 = arith.addf %get3A_151, %get3A_155 : vector<16xf32>
        %max3A_157 = arith.constant 0.000000e+00 : f32
        %max3A_158 = vector.broadcast %max3A_157 : f32 to vector<16xf32>
        %max3A_159 = arith.maximumf %add3A_156, %max3A_158 : vector<16xf32>
        %add3A_160 = arith.constant 1.000000e-07 : f32
        %add3A_161 = vector.broadcast %add3A_160 : f32 to vector<16xf32>
        %add3A_162 = arith.addf %max3A_159, %add3A_161 : vector<16xf32>
        %swap3A_163 = arith.index_cast %scan3A_129 : i32 to index
        %swap3A_164 = arith.constant 16 : index
        %swap3A_165 = tpu.vector_load %arg13[%swap3A_163, %swap3A_164] {strides = array<i32>} : memref<40x128xf32, #tpu.memory_space<vmem>>, vector<1x16xf32>,
        %swap3A_166 = vector.shape_cast %swap3A_165 : vector<1x16xf32> to vector<16xf32>
        %swap3A_167 = vector.shape_cast %add3A_162 : vector<16xf32> to vector<1x16xf32>
        tpu.vector_store %arg13[%swap3A_163, %swap3A_164], %swap3A_167 {strides = array<i32>} : memref<40x128xf32, #tpu.memory_space<vmem>>, vector<1x16xf32>,
        %get3A_168 = arith.index_cast %scan3A_129 : i32 to index
        %get3A_169 = arith.constant 32 : index
        %get3A_170 = tpu.vector_load %arg11[%get3A_168, %get3A_169] {strides = array<i32>} : memref<40x128xf32, #tpu.memory_space<vmem>>, vector<1x16xf32>,
        %get3A_171 = vector.shape_cast %get3A_170 : vector<1x16xf32> to vector<16xf32>
        %get3A_172 = arith.index_cast %scan3A_129 : i32 to index
        %get3A_173 = arith.constant 32 : index
        %get3A_174 = tpu.vector_load %arg13[%get3A_172, %get3A_173] {strides = array<i32>} : memref<40x128xf32, #tpu.memory_space<vmem>>, vector<1x16xf32>,
        %get3A_175 = vector.shape_cast %get3A_174 : vector<1x16xf32> to vector<16xf32>
        %add3A_176 = arith.addf %get3A_171, %get3A_175 : vector<16xf32>
        %max3A_177 = arith.constant 0.000000e+00 : f32
        %max3A_178 = vector.broadcast %max3A_177 : f32 to vector<16xf32>
        %max3A_179 = arith.maximumf %add3A_176, %max3A_178 : vector<16xf32>
        %add3A_180 = arith.constant 1.000000e-07 : f32
        %add3A_181 = vector.broadcast %add3A_180 : f32 to vector<16xf32>
        %add3A_182 = arith.addf %max3A_179, %add3A_181 : vector<16xf32>
        %swap3A_183 = arith.index_cast %scan3A_129 : i32 to index
        %swap3A_184 = arith.constant 32 : index
        %swap3A_185 = tpu.vector_load %arg13[%swap3A_183, %swap3A_184] {strides = array<i32>} : memref<40x128xf32, #tpu.memory_space<vmem>>, vector<1x16xf32>,
        %swap3A_186 = vector.shape_cast %swap3A_185 : vector<1x16xf32> to vector<16xf32>
        %swap3A_187 = vector.shape_cast %add3A_182 : vector<16xf32> to vector<1x16xf32>
        tpu.vector_store %arg13[%swap3A_183, %swap3A_184], %swap3A_187 {strides = array<i32>} : memref<40x128xf32, #tpu.memory_space<vmem>>, vector<1x16xf32>,
        %get3A_188 = arith.index_cast %scan3A_129 : i32 to index
        %get3A_189 = arith.constant 48 : index
        %get3A_190 = tpu.vector_load %arg11[%get3A_188, %get3A_189] {strides = array<i32>} : memref<40x128xf32, #tpu.memory_space<vmem>>, vector<1x16xf32>,
        %get3A_191 = vector.shape_cast %get3A_190 : vector<1x16xf32> to vector<16xf32>
        %get3A_192 = arith.index_cast %scan3A_129 : i32 to index
        %get3A_193 = arith.constant 48 : index
        %get3A_194 = tpu.vector_load %arg13[%get3A_192, %get3A_193] {strides = array<i32>} : memref<40x128xf32, #tpu.memory_space<vmem>>, vector<1x16xf32>,
        %get3A_195 = vector.shape_cast %get3A_194 : vector<1x16xf32> to vector<16xf32>
        %add3A_196 = arith.addf %get3A_191, %get3A_195 : vector<16xf32>
        %max3A_197 = arith.constant 0.000000e+00 : f32
        %max3A_198 = vector.broadcast %max3A_197 : f32 to vector<16xf32>
        %max3A_199 = arith.maximumf %add3A_196, %max3A_198 : vector<16xf32>
        %add3A_200 = arith.constant 1.000000e-07 : f32
        %add3A_201 = vector.broadcast %add3A_200 : f32 to vector<16xf32>
        %add3A_202 = arith.addf %max3A_199, %add3A_201 : vector<16xf32>
        %swap3A_203 = arith.index_cast %scan3A_129 : i32 to index
        %swap3A_204 = arith.constant 48 : index
        %swap3A_205 = tpu.vector_load %arg13[%swap3A_203, %swap3A_204] {strides = array<i32>} : memref<40x128xf32, #tpu.memory_space<vmem>>, vector<1x16xf32>,
        %swap3A_206 = vector.shape_cast %swap3A_205 : vector<1x16xf32> to vector<16xf32>
        %swap3A_207 = vector.shape_cast %add3A_202 : vector<16xf32> to vector<1x16xf32>
        tpu.vector_store %arg13[%swap3A_203, %swap3A_204], %swap3A_207 {strides = array<i32>} : memref<40x128xf32, #tpu.memory_space<vmem>>, vector<1x16xf32>,
        %get3A_208 = arith.index_cast %scan3A_129 : i32 to index
        %get3A_209 = arith.constant 64 : index
        %get3A_210 = tpu.vector_load %arg11[%get3A_208, %get3A_209] {strides = array<i32>} : memref<40x128xf32, #tpu.memory_space<vmem>>, vector<1x16xf32>,
        %get3A_211 = vector.shape_cast %get3A_210 : vector<1x16xf32> to vector<16xf32>
        %get3A_212 = arith.index_cast %scan3A_129 : i32 to index
        %get3A_213 = arith.constant 64 : index
        %get3A_214 = tpu.vector_load %arg13[%get3A_212, %get3A_213] {strides = array<i32>} : memref<40x128xf32, #tpu.memory_space<vmem>>, vector<1x16xf32>,
        %get3A_215 = vector.shape_cast %get3A_214 : vector<1x16xf32> to vector<16xf32>
        %add3A_216 = arith.addf %get3A_211, %get3A_215 : vector<16xf32>
        %max3A_217 = arith.constant 0.000000e+00 : f32
        %max3A_218 = vector.broadcast %max3A_217 : f32 to vector<16xf32>
        %max3A_219 = arith.maximumf %add3A_216, %max3A_218 : vector<16xf32>
        %add3A_220 = arith.constant 1.000000e-07 : f32
        %add3A_221 = vector.broadcast %add3A_220 : f32 to vector<16xf32>
        %add3A_222 = arith.addf %max3A_219, %add3A_221 : vector<16xf32>
        %swap3A_223 = arith.index_cast %scan3A_129 : i32 to index
        %swap3A_224 = arith.constant 64 : index
        %swap3A_225 = tpu.vector_load %arg13[%swap3A_223, %swap3A_224] {strides = array<i32>} : memref<40x128xf32, #tpu.memory_space<vmem>>, vector<1x16xf32>,
        %swap3A_226 = vector.shape_cast %swap3A_225 : vector<1x16xf32> to vector<16xf32>
        %swap3A_227 = vector.shape_cast %add3A_222 : vector<16xf32> to vector<1x16xf32>
        tpu.vector_store %arg13[%swap3A_223, %swap3A_224], %swap3A_227 {strides = array<i32>} : memref<40x128xf32, #tpu.memory_space<vmem>>, vector<1x16xf32>,
        %get3A_228 = arith.index_cast %scan3A_129 : i32 to index
        %get3A_229 = arith.constant 80 : index
        %get3A_230 = tpu.vector_load %arg11[%get3A_228, %get3A_229] {strides = array<i32>} : memref<40x128xf32, #tpu.memory_space<vmem>>, vector<1x16xf32>,
        %get3A_231 = vector.shape_cast %get3A_230 : vector<1x16xf32> to vector<16xf32>
        %get3A_232 = arith.index_cast %scan3A_129 : i32 to index
        %get3A_233 = arith.constant 80 : index
        %get3A_234 = tpu.vector_load %arg13[%get3A_232, %get3A_233] {strides = array<i32>} : memref<40x128xf32, #tpu.memory_space<vmem>>, vector<1x16xf32>,
        %get3A_235 = vector.shape_cast %get3A_234 : vector<1x16xf32> to vector<16xf32>
        %add3A_236 = arith.addf %get3A_231, %get3A_235 : vector<16xf32>
        %max3A_237 = arith.constant 0.000000e+00 : f32
        %max3A_238 = vector.broadcast %max3A_237 : f32 to vector<16xf32>
        %max3A_239 = arith.maximumf %add3A_236, %max3A_238 : vector<16xf32>
        %add3A_240 = arith.constant 1.000000e-07 : f32
        %add3A_241 = vector.broadcast %add3A_240 : f32 to vector<16xf32>
        %add3A_242 = arith.addf %max3A_239, %add3A_241 : vector<16xf32>
        %swap3A_243 = arith.index_cast %scan3A_129 : i32 to index
        %swap3A_244 = arith.constant 80 : index
        %swap3A_245 = tpu.vector_load %arg13[%swap3A_243, %swap3A_244] {strides = array<i32>} : memref<40x128xf32, #tpu.memory_space<vmem>>, vector<1x16xf32>,
        %swap3A_246 = vector.shape_cast %swap3A_245 : vector<1x16xf32> to vector<16xf32>
        %swap3A_247 = vector.shape_cast %add3A_242 : vector<16xf32> to vector<1x16xf32>
        tpu.vector_store %arg13[%swap3A_243, %swap3A_244], %swap3A_247 {strides = array<i32>} : memref<40x128xf32, #tpu.memory_space<vmem>>, vector<1x16xf32>,
        %get3A_248 = arith.index_cast %scan3A_129 : i32 to index
        %get3A_249 = arith.constant 96 : index
        %get3A_250 = tpu.vector_load %arg11[%get3A_248, %get3A_249] {strides = array<i32>} : memref<40x128xf32, #tpu.memory_space<vmem>>, vector<1x16xf32>,
        %get3A_251 = vector.shape_cast %get3A_250 : vector<1x16xf32> to vector<16xf32>
        %get3A_252 = arith.index_cast %scan3A_129 : i32 to index
        %get3A_253 = arith.constant 96 : index
        %get3A_254 = tpu.vector_load %arg13[%get3A_252, %get3A_253] {strides = array<i32>} : memref<40x128xf32, #tpu.memory_space<vmem>>, vector<1x16xf32>,
        %get3A_255 = vector.shape_cast %get3A_254 : vector<1x16xf32> to vector<16xf32>
        %add3A_256 = arith.addf %get3A_251, %get3A_255 : vector<16xf32>
        %max3A_257 = arith.constant 0.000000e+00 : f32
        %max3A_258 = vector.broadcast %max3A_257 : f32 to vector<16xf32>
        %max3A_259 = arith.maximumf %add3A_256, %max3A_258 : vector<16xf32>
        %add3A_260 = arith.constant 1.000000e-07 : f32
        %add3A_261 = vector.broadcast %add3A_260 : f32 to vector<16xf32>
        %add3A_262 = arith.addf %max3A_259, %add3A_261 : vector<16xf32>
        %swap3A_263 = arith.index_cast %scan3A_129 : i32 to index
        %swap3A_264 = arith.constant 96 : index
        %swap3A_265 = tpu.vector_load %arg13[%swap3A_263, %swap3A_264] {strides = array<i32>} : memref<40x128xf32, #tpu.memory_space<vmem>>, vector<1x16xf32>,
        %swap3A_266 = vector.shape_cast %swap3A_265 : vector<1x16xf32> to vector<16xf32>
        %swap3A_267 = vector.shape_cast %add3A_262 : vector<16xf32> to vector<1x16xf32>
        tpu.vector_store %arg13[%swap3A_263, %swap3A_264], %swap3A_267 {strides = array<i32>} : memref<40x128xf32, #tpu.memory_space<vmem>>, vector<1x16xf32>,
        %get3A_268 = arith.index_cast %scan3A_129 : i32 to index
        %get3A_269 = arith.constant 112 : index
        %get3A_270 = tpu.vector_load %arg11[%get3A_268, %get3A_269] {strides = array<i32>} : memref<40x128xf32, #tpu.memory_space<vmem>>, vector<1x16xf32>,
        %get3A_271 = vector.shape_cast %get3A_270 : vector<1x16xf32> to vector<16xf32>
        %get3A_272 = arith.index_cast %scan3A_129 : i32 to index
        %get3A_273 = arith.constant 112 : index
        %get3A_274 = tpu.vector_load %arg13[%get3A_272, %get3A_273] {strides = array<i32>} : memref<40x128xf32, #tpu.memory_space<vmem>>, vector<1x16xf32>,
        %get3A_275 = vector.shape_cast %get3A_274 : vector<1x16xf32> to vector<16xf32>
        %add3A_276 = arith.addf %get3A_271, %get3A_275 : vector<16xf32>
        %max3A_277 = arith.constant 0.000000e+00 : f32
        %max3A_278 = vector.broadcast %max3A_277 : f32 to vector<16xf32>
        %max3A_279 = arith.maximumf %add3A_276, %max3A_278 : vector<16xf32>
        %add3A_280 = arith.constant 1.000000e-07 : f32
        %add3A_281 = vector.broadcast %add3A_280 : f32 to vector<16xf32>
        %add3A_282 = arith.addf %max3A_279, %add3A_281 : vector<16xf32>
        %swap3A_283 = arith.index_cast %scan3A_129 : i32 to index
        %swap3A_284 = arith.constant 112 : index
        %swap3A_285 = tpu.vector_load %arg13[%swap3A_283, %swap3A_284] {strides = array<i32>} : memref<40x128xf32, #tpu.memory_space<vmem>>, vector<1x16xf32>,
        %swap3A_286 = vector.shape_cast %swap3A_285 : vector<1x16xf32> to vector<16xf32>
        %swap3A_287 = vector.shape_cast %add3A_282 : vector<16xf32> to vector<1x16xf32>
        tpu.vector_store %arg13[%swap3A_283, %swap3A_284], %swap3A_287 {strides = array<i32>} : memref<40x128xf32, #tpu.memory_space<vmem>>, vector<1x16xf32>,
        %scan3A_288 = arith.constant 0 : i32
        scf.yield %scan3A_288 : i32
      }
      %scan3A_66 = arith.constant 40 : i32
      %dma_start3A_67 = arith.constant 0 : i32
      %dma_start3A_68 = tpu.memref_slice %arg10[%add3A_39, %dma_start3A_67] : memref<250x40xi32, #tpu.memory_space<vmem>> -> memref<1x40xi32, #tpu.memory_space<vmem>>
      %dma_start3A_69 = tpu.memref_squeeze %dma_start3A_68 : memref<1x40xi32, #tpu.memory_space<vmem>> -> memref<40xi32, #tpu.memory_space<vmem>>
      %dma_start3A_70 = arith.constant 0 : i32
      %dma_start3A_71 = arith.constant 0 : i32
      %dma_start3A_72 = tpu.memref_slice %arg8[%dma_start3A_70, %dma_start3A_71] : memref<10000x128xf32, #tpu.memory_space<vmem_shared>> -> memref<10000x128xf32, #tpu.memory_space<vmem_shared>>
      tpu.enqueue_indirect_dma source(%arg13 : memref<40x128xf32, #tpu.memory_space<vmem>>) target(%dma_start3A_72 : memref<10000x128xf32, #tpu.memory_space<vmem_shared>>) offsets(%dma_start3A_69 : memref<40xi32, #tpu.memory_space<vmem>>) semaphore(%arg19 : memref<!tpu.dma_semaphore, #tpu.memory_space<semaphore_mem>>) {add = true}
      %add3A_73 = arith.constant 2 : i32
      %add3A_74 = arith.addi %add3A_39, %add3A_73 : i32
      %lt3A_75 = arith.constant 250 : i32
      %lt3A_76 = arith.cmpi slt, %add3A_74, %lt3A_75 : i32
      %convert_element_type3A_77 = arith.extui %lt3A_76 : i1 to i32
      %cond3A_78 = arith.constant 0 : i32
      %cond3A_79 = arith.cmpi ne, %convert_element_type3A_77, %cond3A_78 : i32
      scf.if %cond3A_79 {
        %add3A_129 = arith.constant 2 : i32
        %add3A_130 = arith.addi %add3A_39, %add3A_129 : i32
        %mul3A_131 = arith.constant 40 : i32
        %mul3A_132 = arith.muli %add3A_130, %mul3A_131 : i32
        %dma_start3A_133 = tpu.memref_slice %arg9[%mul3A_132] : memref<10000xi32, #tpu.memory_space<vmem>> -> memref<40xi32, #tpu.memory_space<vmem>>
        %dma_start3A_134 = arith.constant 0 : i32
        %dma_start3A_135 = arith.constant 0 : i32
        %dma_start3A_136 = tpu.memref_slice %arg2[%dma_start3A_134, %dma_start3A_135] : memref<10000x128xf32, #tpu.memory_space<hbm>> -> memref<10000x128xf32, #tpu.memory_space<hbm>>
        tpu.enqueue_indirect_dma source(%dma_start3A_136 : memref<10000x128xf32, #tpu.memory_space<hbm>>) target(%arg11 : memref<40x128xf32, #tpu.memory_space<vmem>>) offsets(%dma_start3A_133 : memref<40xi32, #tpu.memory_space<vmem>>) semaphore(%arg15 : memref<!tpu.dma_semaphore, #tpu.memory_space<semaphore_mem>>)
      } else {
      }
      %mul3A_80 = arith.constant 2 : i32
      %mul3A_81 = arith.muli %scan3A_34, %mul3A_80 : i32
      %add3A_82 = arith.constant 1 : i32
      %add3A_83 = arith.addi %mul3A_81, %add3A_82 : i32
      %ge3A_84 = arith.constant 1 : i32
      %ge3A_85 = arith.cmpi sge, %add3A_83, %ge3A_84 : i32
      %convert_element_type3A_86 = arith.extui %ge3A_85 : i1 to i32
      %cond3A_87 = arith.constant 0 : i32
      %cond3A_88 = arith.cmpi ne, %convert_element_type3A_86, %cond3A_87 : i32
      scf.if %cond3A_88 {
        %dma_wait3A_129 = arith.constant 0 : i32
        %dma_wait3A_130 = arith.constant 0 : i32
        %dma_wait3A_131 = tpu.memref_slice %arg10[%dma_wait3A_129, %dma_wait3A_130] : memref<250x40xi32, #tpu.memory_space<vmem>> -> memref<1x40xi32, #tpu.memory_space<vmem>>
        %dma_wait3A_132 = tpu.memref_squeeze %dma_wait3A_131 : memref<1x40xi32, #tpu.memory_space<vmem>> -> memref<40xi32, #tpu.memory_space<vmem>>
        %dma_wait3A_133 = arith.constant 0 : i32
        %dma_wait3A_134 = arith.constant 0 : i32
        %dma_wait3A_135 = tpu.memref_slice %arg8[%dma_wait3A_133, %dma_wait3A_134] : memref<10000x128xf32, #tpu.memory_space<vmem_shared>> -> memref<10000x128xf32, #tpu.memory_space<vmem_shared>>
        tpu.wait_indirect_dma semaphore(%arg19 : memref<!tpu.dma_semaphore, #tpu.memory_space<semaphore_mem>>) src(%arg13 : memref<40x128xf32, #tpu.memory_space<vmem>>) dst(%dma_wait3A_135 : memref<10000x128xf32, #tpu.memory_space<vmem_shared>>)
      } else {
      }
      %add3A_89 = arith.constant 1 : i32
      %add3A_90 = arith.addi %add3A_83, %add3A_89 : i32
      %lt3A_91 = arith.constant 250 : i32
      %lt3A_92 = arith.cmpi slt, %add3A_90, %lt3A_91 : i32
      %convert_element_type3A_93 = arith.extui %lt3A_92 : i1 to i32
      %cond3A_94 = arith.constant 0 : i32
      %cond3A_95 = arith.cmpi ne, %convert_element_type3A_93, %cond3A_94 : i32
      scf.if %cond3A_95 {
        %add3A_129 = arith.constant 1 : i32
        %add3A_130 = arith.addi %add3A_83, %add3A_129 : i32
        %mul3A_131 = arith.constant 40 : i32
        %mul3A_132 = arith.muli %add3A_130, %mul3A_131 : i32
        %add3A_133 = arith.addi %mul3A_2, %mul3A_132 : i32
        %dma_start3A_134 = arith.constant 0 : i32
        %dma_start3A_135 = tpu.memref_slice %arg3[%add3A_133, %dma_start3A_134] : memref<320000x128xf32, #tpu.memory_space<hbm>> -> memref<40x128xf32, #tpu.memory_space<hbm>>
        %dma_start3A_136 = arith.constant 0 : i32
        %dma_start3A_137 = tpu.memref_slice %arg3[%add3A_133, %dma_start3A_136] : memref<320000x128xf32, #tpu.memory_space<hbm>> -> memref<40x128xf32, #tpu.memory_space<hbm>>
        tpu.enqueue_dma source(%dma_start3A_137 : memref<40x128xf32, #tpu.memory_space<hbm>>) target(%arg13 : memref<40x128xf32, #tpu.memory_space<vmem>>) target_semaphore(%arg17 : memref<!tpu.dma_semaphore, #tpu.memory_space<semaphore_mem>>)
      } else {
      }
      %mul3A_96 = arith.constant 40 : i32
      %mul3A_97 = arith.muli %add3A_83, %mul3A_96 : i32
      %dma_wait3A_98 = tpu.memref_slice %arg9[%mul3A_97] : memref<10000xi32, #tpu.memory_space<vmem>> -> memref<40xi32, #tpu.memory_space<vmem>>
      %dma_wait3A_99 = arith.constant 0 : i32
      %dma_wait3A_100 = arith.constant 0 : i32
      %dma_wait3A_101 = tpu.memref_slice %arg2[%dma_wait3A_99, %dma_wait3A_100] : memref<10000x128xf32, #tpu.memory_space<hbm>> -> memref<10000x128xf32, #tpu.memory_space<hbm>>
      tpu.wait_indirect_dma semaphore(%arg16 : memref<!tpu.dma_semaphore, #tpu.memory_space<semaphore_mem>>) src(%dma_wait3A_101 : memref<10000x128xf32, #tpu.memory_space<hbm>>) dst(%arg12 : memref<40x128xf32, #tpu.memory_space<vmem>>)
      %add3A_102 = arith.constant 0 : i32
      %add3A_103 = arith.addi %mul3A_2, %add3A_102 : i32
      %dma_wait3A_104 = arith.constant 0 : i32
      %dma_wait3A_105 = tpu.memref_slice %arg3[%add3A_103, %dma_wait3A_104] : memref<320000x128xf32, #tpu.memory_space<hbm>> -> memref<40x128xf32, #tpu.memory_space<hbm>>
      %dma_wait3A_106 = arith.constant 0 : i32
      %dma_wait3A_107 = tpu.memref_slice %arg3[%add3A_103, %dma_wait3A_106] : memref<320000x128xf32, #tpu.memory_space<hbm>> -> memref<40x128xf32, #tpu.memory_space<hbm>>
      tpu.wait_dma2 semaphore(%arg18 : memref<!tpu.dma_semaphore, #tpu.memory_space<semaphore_mem>>) src(%dma_wait3A_107 : memref<40x128xf32, #tpu.memory_space<hbm>>) dst(%arg14 : memref<40x128xf32, #tpu.memory_space<vmem>>)
      %scan3A_108 = arith.constant 0 : i32
      %scan3A_109 = arith.constant 0 : i32
      %scan3A_110 = arith.constant 40 : i32
      %scan3A_111 = arith.addi %scan3A_109, %scan3A_110 : i32
      %scan3A_112 = arith.constant 1 : i32
      %scan3A_113 = scf.for %scan3A_129 = %scan3A_109 to %scan3A_111 step %scan3A_112 iter_args(%scan3A_130 = %scan3A_108) -> (i32)  : i32 {
        %get3A = arith.index_cast %scan3A_129 : i32 to index
        %get3A_131 = arith.constant 0 : index
        %get3A_132 = tpu.vector_load %arg12[%get3A, %get3A_131] {strides = array<i32>} : memref<40x128xf32, #tpu.memory_space<vmem>>, vector<1x16xf32>,
        %get3A_133 = vector.shape_cast %get3A_132 : vector<1x16xf32> to vector<16xf32>
        %get3A_134 = arith.index_cast %scan3A_129 : i32 to index
        %get3A_135 = arith.constant 0 : index
        %get3A_136 = tpu.vector_load %arg14[%get3A_134, %get3A_135] {strides = array<i32>} : memref<40x128xf32, #tpu.memory_space<vmem>>, vector<1x16xf32>,
        %get3A_137 = vector.shape_cast %get3A_136 : vector<1x16xf32> to vector<16xf32>
        %add3A_138 = arith.addf %get3A_133, %get3A_137 : vector<16xf32>
        %max3A = arith.constant 0.000000e+00 : f32
        %max3A_139 = vector.broadcast %max3A : f32 to vector<16xf32>
        %max3A_140 = arith.maximumf %add3A_138, %max3A_139 : vector<16xf32>
        %add3A_141 = arith.constant 1.000000e-07 : f32
        %add3A_142 = vector.broadcast %add3A_141 : f32 to vector<16xf32>
        %add3A_143 = arith.addf %max3A_140, %add3A_142 : vector<16xf32>
        %swap3A = arith.index_cast %scan3A_129 : i32 to index
        %swap3A_144 = arith.constant 0 : index
        %swap3A_145 = tpu.vector_load %arg14[%swap3A, %swap3A_144] {strides = array<i32>} : memref<40x128xf32, #tpu.memory_space<vmem>>, vector<1x16xf32>,
        %swap3A_146 = vector.shape_cast %swap3A_145 : vector<1x16xf32> to vector<16xf32>
        %swap3A_147 = vector.shape_cast %add3A_143 : vector<16xf32> to vector<1x16xf32>
        tpu.vector_store %arg14[%swap3A, %swap3A_144], %swap3A_147 {strides = array<i32>} : memref<40x128xf32, #tpu.memory_space<vmem>>, vector<1x16xf32>,
        %get3A_148 = arith.index_cast %scan3A_129 : i32 to index
        %get3A_149 = arith.constant 16 : index
        %get3A_150 = tpu.vector_load %arg12[%get3A_148, %get3A_149] {strides = array<i32>} : memref<40x128xf32, #tpu.memory_space<vmem>>, vector<1x16xf32>,
        %get3A_151 = vector.shape_cast %get3A_150 : vector<1x16xf32> to vector<16xf32>
        %get3A_152 = arith.index_cast %scan3A_129 : i32 to index
        %get3A_153 = arith.constant 16 : index
        %get3A_154 = tpu.vector_load %arg14[%get3A_152, %get3A_153] {strides = array<i32>} : memref<40x128xf32, #tpu.memory_space<vmem>>, vector<1x16xf32>,
        %get3A_155 = vector.shape_cast %get3A_154 : vector<1x16xf32> to vector<16xf32>
        %add3A_156 = arith.addf %get3A_151, %get3A_155 : vector<16xf32>
        %max3A_157 = arith.constant 0.000000e+00 : f32
        %max3A_158 = vector.broadcast %max3A_157 : f32 to vector<16xf32>
        %max3A_159 = arith.maximumf %add3A_156, %max3A_158 : vector<16xf32>
        %add3A_160 = arith.constant 1.000000e-07 : f32
        %add3A_161 = vector.broadcast %add3A_160 : f32 to vector<16xf32>
        %add3A_162 = arith.addf %max3A_159, %add3A_161 : vector<16xf32>
        %swap3A_163 = arith.index_cast %scan3A_129 : i32 to index
        %swap3A_164 = arith.constant 16 : index
        %swap3A_165 = tpu.vector_load %arg14[%swap3A_163, %swap3A_164] {strides = array<i32>} : memref<40x128xf32, #tpu.memory_space<vmem>>, vector<1x16xf32>,
        %swap3A_166 = vector.shape_cast %swap3A_165 : vector<1x16xf32> to vector<16xf32>
        %swap3A_167 = vector.shape_cast %add3A_162 : vector<16xf32> to vector<1x16xf32>
        tpu.vector_store %arg14[%swap3A_163, %swap3A_164], %swap3A_167 {strides = array<i32>} : memref<40x128xf32, #tpu.memory_space<vmem>>, vector<1x16xf32>,
        %get3A_168 = arith.index_cast %scan3A_129 : i32 to index
        %get3A_169 = arith.constant 32 : index
        %get3A_170 = tpu.vector_load %arg12[%get3A_168, %get3A_169] {strides = array<i32>} : memref<40x128xf32, #tpu.memory_space<vmem>>, vector<1x16xf32>,
        %get3A_171 = vector.shape_cast %get3A_170 : vector<1x16xf32> to vector<16xf32>
        %get3A_172 = arith.index_cast %scan3A_129 : i32 to index
        %get3A_173 = arith.constant 32 : index
        %get3A_174 = tpu.vector_load %arg14[%get3A_172, %get3A_173] {strides = array<i32>} : memref<40x128xf32, #tpu.memory_space<vmem>>, vector<1x16xf32>,
        %get3A_175 = vector.shape_cast %get3A_174 : vector<1x16xf32> to vector<16xf32>
        %add3A_176 = arith.addf %get3A_171, %get3A_175 : vector<16xf32>
        %max3A_177 = arith.constant 0.000000e+00 : f32
        %max3A_178 = vector.broadcast %max3A_177 : f32 to vector<16xf32>
        %max3A_179 = arith.maximumf %add3A_176, %max3A_178 : vector<16xf32>
        %add3A_180 = arith.constant 1.000000e-07 : f32
        %add3A_181 = vector.broadcast %add3A_180 : f32 to vector<16xf32>
        %add3A_182 = arith.addf %max3A_179, %add3A_181 : vector<16xf32>
        %swap3A_183 = arith.index_cast %scan3A_129 : i32 to index
        %swap3A_184 = arith.constant 32 : index
        %swap3A_185 = tpu.vector_load %arg14[%swap3A_183, %swap3A_184] {strides = array<i32>} : memref<40x128xf32, #tpu.memory_space<vmem>>, vector<1x16xf32>,
        %swap3A_186 = vector.shape_cast %swap3A_185 : vector<1x16xf32> to vector<16xf32>
        %swap3A_187 = vector.shape_cast %add3A_182 : vector<16xf32> to vector<1x16xf32>
        tpu.vector_store %arg14[%swap3A_183, %swap3A_184], %swap3A_187 {strides = array<i32>} : memref<40x128xf32, #tpu.memory_space<vmem>>, vector<1x16xf32>,
        %get3A_188 = arith.index_cast %scan3A_129 : i32 to index
        %get3A_189 = arith.constant 48 : index
        %get3A_190 = tpu.vector_load %arg12[%get3A_188, %get3A_189] {strides = array<i32>} : memref<40x128xf32, #tpu.memory_space<vmem>>, vector<1x16xf32>,
        %get3A_191 = vector.shape_cast %get3A_190 : vector<1x16xf32> to vector<16xf32>
        %get3A_192 = arith.index_cast %scan3A_129 : i32 to index
        %get3A_193 = arith.constant 48 : index
        %get3A_194 = tpu.vector_load %arg14[%get3A_192, %get3A_193] {strides = array<i32>} : memref<40x128xf32, #tpu.memory_space<vmem>>, vector<1x16xf32>,
        %get3A_195 = vector.shape_cast %get3A_194 : vector<1x16xf32> to vector<16xf32>
        %add3A_196 = arith.addf %get3A_191, %get3A_195 : vector<16xf32>
        %max3A_197 = arith.constant 0.000000e+00 : f32
        %max3A_198 = vector.broadcast %max3A_197 : f32 to vector<16xf32>
        %max3A_199 = arith.maximumf %add3A_196, %max3A_198 : vector<16xf32>
        %add3A_200 = arith.constant 1.000000e-07 : f32
        %add3A_201 = vector.broadcast %add3A_200 : f32 to vector<16xf32>
        %add3A_202 = arith.addf %max3A_199, %add3A_201 : vector<16xf32>
        %swap3A_203 = arith.index_cast %scan3A_129 : i32 to index
        %swap3A_204 = arith.constant 48 : index
        %swap3A_205 = tpu.vector_load %arg14[%swap3A_203, %swap3A_204] {strides = array<i32>} : memref<40x128xf32, #tpu.memory_space<vmem>>, vector<1x16xf32>,
        %swap3A_206 = vector.shape_cast %swap3A_205 : vector<1x16xf32> to vector<16xf32>
        %swap3A_207 = vector.shape_cast %add3A_202 : vector<16xf32> to vector<1x16xf32>
        tpu.vector_store %arg14[%swap3A_203, %swap3A_204], %swap3A_207 {strides = array<i32>} : memref<40x128xf32, #tpu.memory_space<vmem>>, vector<1x16xf32>,
        %get3A_208 = arith.index_cast %scan3A_129 : i32 to index
        %get3A_209 = arith.constant 64 : index
        %get3A_210 = tpu.vector_load %arg12[%get3A_208, %get3A_209] {strides = array<i32>} : memref<40x128xf32, #tpu.memory_space<vmem>>, vector<1x16xf32>,
        %get3A_211 = vector.shape_cast %get3A_210 : vector<1x16xf32> to vector<16xf32>
        %get3A_212 = arith.index_cast %scan3A_129 : i32 to index
        %get3A_213 = arith.constant 64 : index
        %get3A_214 = tpu.vector_load %arg14[%get3A_212, %get3A_213] {strides = array<i32>} : memref<40x128xf32, #tpu.memory_space<vmem>>, vector<1x16xf32>,
        %get3A_215 = vector.shape_cast %get3A_214 : vector<1x16xf32> to vector<16xf32>
        %add3A_216 = arith.addf %get3A_211, %get3A_215 : vector<16xf32>
        %max3A_217 = arith.constant 0.000000e+00 : f32
        %max3A_218 = vector.broadcast %max3A_217 : f32 to vector<16xf32>
        %max3A_219 = arith.maximumf %add3A_216, %max3A_218 : vector<16xf32>
        %add3A_220 = arith.constant 1.000000e-07 : f32
        %add3A_221 = vector.broadcast %add3A_220 : f32 to vector<16xf32>
        %add3A_222 = arith.addf %max3A_219, %add3A_221 : vector<16xf32>
        %swap3A_223 = arith.index_cast %scan3A_129 : i32 to index
        %swap3A_224 = arith.constant 64 : index
        %swap3A_225 = tpu.vector_load %arg14[%swap3A_223, %swap3A_224] {strides = array<i32>} : memref<40x128xf32, #tpu.memory_space<vmem>>, vector<1x16xf32>,
        %swap3A_226 = vector.shape_cast %swap3A_225 : vector<1x16xf32> to vector<16xf32>
        %swap3A_227 = vector.shape_cast %add3A_222 : vector<16xf32> to vector<1x16xf32>
        tpu.vector_store %arg14[%swap3A_223, %swap3A_224], %swap3A_227 {strides = array<i32>} : memref<40x128xf32, #tpu.memory_space<vmem>>, vector<1x16xf32>,
        %get3A_228 = arith.index_cast %scan3A_129 : i32 to index
        %get3A_229 = arith.constant 80 : index
        %get3A_230 = tpu.vector_load %arg12[%get3A_228, %get3A_229] {strides = array<i32>} : memref<40x128xf32, #tpu.memory_space<vmem>>, vector<1x16xf32>,
        %get3A_231 = vector.shape_cast %get3A_230 : vector<1x16xf32> to vector<16xf32>
        %get3A_232 = arith.index_cast %scan3A_129 : i32 to index
        %get3A_233 = arith.constant 80 : index
        %get3A_234 = tpu.vector_load %arg14[%get3A_232, %get3A_233] {strides = array<i32>} : memref<40x128xf32, #tpu.memory_space<vmem>>, vector<1x16xf32>,
        %get3A_235 = vector.shape_cast %get3A_234 : vector<1x16xf32> to vector<16xf32>
        %add3A_236 = arith.addf %get3A_231, %get3A_235 : vector<16xf32>
        %max3A_237 = arith.constant 0.000000e+00 : f32
        %max3A_238 = vector.broadcast %max3A_237 : f32 to vector<16xf32>
        %max3A_239 = arith.maximumf %add3A_236, %max3A_238 : vector<16xf32>
        %add3A_240 = arith.constant 1.000000e-07 : f32
        %add3A_241 = vector.broadcast %add3A_240 : f32 to vector<16xf32>
        %add3A_242 = arith.addf %max3A_239, %add3A_241 : vector<16xf32>
        %swap3A_243 = arith.index_cast %scan3A_129 : i32 to index
        %swap3A_244 = arith.constant 80 : index
        %swap3A_245 = tpu.vector_load %arg14[%swap3A_243, %swap3A_244] {strides = array<i32>} : memref<40x128xf32, #tpu.memory_space<vmem>>, vector<1x16xf32>,
        %swap3A_246 = vector.shape_cast %swap3A_245 : vector<1x16xf32> to vector<16xf32>
        %swap3A_247 = vector.shape_cast %add3A_242 : vector<16xf32> to vector<1x16xf32>
        tpu.vector_store %arg14[%swap3A_243, %swap3A_244], %swap3A_247 {strides = array<i32>} : memref<40x128xf32, #tpu.memory_space<vmem>>, vector<1x16xf32>,
        %get3A_248 = arith.index_cast %scan3A_129 : i32 to index
        %get3A_249 = arith.constant 96 : index
        %get3A_250 = tpu.vector_load %arg12[%get3A_248, %get3A_249] {strides = array<i32>} : memref<40x128xf32, #tpu.memory_space<vmem>>, vector<1x16xf32>,
        %get3A_251 = vector.shape_cast %get3A_250 : vector<1x16xf32> to vector<16xf32>
        %get3A_252 = arith.index_cast %scan3A_129 : i32 to index
        %get3A_253 = arith.constant 96 : index
        %get3A_254 = tpu.vector_load %arg14[%get3A_252, %get3A_253] {strides = array<i32>} : memref<40x128xf32, #tpu.memory_space<vmem>>, vector<1x16xf32>,
        %get3A_255 = vector.shape_cast %get3A_254 : vector<1x16xf32> to vector<16xf32>
        %add3A_256 = arith.addf %get3A_251, %get3A_255 : vector<16xf32>
        %max3A_257 = arith.constant 0.000000e+00 : f32
        %max3A_258 = vector.broadcast %max3A_257 : f32 to vector<16xf32>
        %max3A_259 = arith.maximumf %add3A_256, %max3A_258 : vector<16xf32>
        %add3A_260 = arith.constant 1.000000e-07 : f32
        %add3A_261 = vector.broadcast %add3A_260 : f32 to vector<16xf32>
        %add3A_262 = arith.addf %max3A_259, %add3A_261 : vector<16xf32>
        %swap3A_263 = arith.index_cast %scan3A_129 : i32 to index
        %swap3A_264 = arith.constant 96 : index
        %swap3A_265 = tpu.vector_load %arg14[%swap3A_263, %swap3A_264] {strides = array<i32>} : memref<40x128xf32, #tpu.memory_space<vmem>>, vector<1x16xf32>,
        %swap3A_266 = vector.shape_cast %swap3A_265 : vector<1x16xf32> to vector<16xf32>
        %swap3A_267 = vector.shape_cast %add3A_262 : vector<16xf32> to vector<1x16xf32>
        tpu.vector_store %arg14[%swap3A_263, %swap3A_264], %swap3A_267 {strides = array<i32>} : memref<40x128xf32, #tpu.memory_space<vmem>>, vector<1x16xf32>,
        %get3A_268 = arith.index_cast %scan3A_129 : i32 to index
        %get3A_269 = arith.constant 112 : index
        %get3A_270 = tpu.vector_load %arg12[%get3A_268, %get3A_269] {strides = array<i32>} : memref<40x128xf32, #tpu.memory_space<vmem>>, vector<1x16xf32>,
        %get3A_271 = vector.shape_cast %get3A_270 : vector<1x16xf32> to vector<16xf32>
        %get3A_272 = arith.index_cast %scan3A_129 : i32 to index
        %get3A_273 = arith.constant 112 : index
        %get3A_274 = tpu.vector_load %arg14[%get3A_272, %get3A_273] {strides = array<i32>} : memref<40x128xf32, #tpu.memory_space<vmem>>, vector<1x16xf32>,
        %get3A_275 = vector.shape_cast %get3A_274 : vector<1x16xf32> to vector<16xf32>
        %add3A_276 = arith.addf %get3A_271, %get3A_275 : vector<16xf32>
        %max3A_277 = arith.constant 0.000000e+00 : f32
        %max3A_278 = vector.broadcast %max3A_277 : f32 to vector<16xf32>
        %max3A_279 = arith.maximumf %add3A_276, %max3A_278 : vector<16xf32>
        %add3A_280 = arith.constant 1.000000e-07 : f32
        %add3A_281 = vector.broadcast %add3A_280 : f32 to vector<16xf32>
        %add3A_282 = arith.addf %max3A_279, %add3A_281 : vector<16xf32>
        %swap3A_283 = arith.index_cast %scan3A_129 : i32 to index
        %swap3A_284 = arith.constant 112 : index
        %swap3A_285 = tpu.vector_load %arg14[%swap3A_283, %swap3A_284] {strides = array<i32>} : memref<40x128xf32, #tpu.memory_space<vmem>>, vector<1x16xf32>,
        %swap3A_286 = vector.shape_cast %swap3A_285 : vector<1x16xf32> to vector<16xf32>
        %swap3A_287 = vector.shape_cast %add3A_282 : vector<16xf32> to vector<1x16xf32>
        tpu.vector_store %arg14[%swap3A_283, %swap3A_284], %swap3A_287 {strides = array<i32>} : memref<40x128xf32, #tpu.memory_space<vmem>>, vector<1x16xf32>,
        %scan3A_288 = arith.constant 0 : i32
        scf.yield %scan3A_288 : i32
      }
      %scan3A_114 = arith.constant 40 : i32
      %dma_start3A_115 = arith.constant 0 : i32
      %dma_start3A_116 = tpu.memref_slice %arg10[%add3A_83, %dma_start3A_115] : memref<250x40xi32, #tpu.memory_space<vmem>> -> memref<1x40xi32, #tpu.memory_space<vmem>>
      %dma_start3A_117 = tpu.memref_squeeze %dma_start3A_116 : memref<1x40xi32, #tpu.memory_space<vmem>> -> memref<40xi32, #tpu.memory_space<vmem>>
      %dma_start3A_118 = arith.constant 0 : i32
      %dma_start3A_119 = arith.constant 0 : i32
      %dma_start3A_120 = tpu.memref_slice %arg8[%dma_start3A_118, %dma_start3A_119] : memref<10000x128xf32, #tpu.memory_space<vmem_shared>> -> memref<10000x128xf32, #tpu.memory_space<vmem_shared>>
      tpu.enqueue_indirect_dma source(%arg14 : memref<40x128xf32, #tpu.memory_space<vmem>>) target(%dma_start3A_120 : memref<10000x128xf32, #tpu.memory_space<vmem_shared>>) offsets(%dma_start3A_117 : memref<40xi32, #tpu.memory_space<vmem>>) semaphore(%arg20 : memref<!tpu.dma_semaphore, #tpu.memory_space<semaphore_mem>>) {add = true}
      %add3A_121 = arith.constant 2 : i32
      %add3A_122 = arith.addi %add3A_83, %add3A_121 : i32
      %lt3A_123 = arith.constant 250 : i32
      %lt3A_124 = arith.cmpi slt, %add3A_122, %lt3A_123 : i32
      %convert_element_type3A_125 = arith.extui %lt3A_124 : i1 to i32
      %cond3A_126 = arith.constant 0 : i32
      %cond3A_127 = arith.cmpi ne, %convert_element_type3A_125, %cond3A_126 : i32
      scf.if %cond3A_127 {
        %add3A_129 = arith.constant 2 : i32
        %add3A_130 = arith.addi %add3A_83, %add3A_129 : i32
        %mul3A_131 = arith.constant 40 : i32
        %mul3A_132 = arith.muli %add3A_130, %mul3A_131 : i32
        %dma_start3A_133 = tpu.memref_slice %arg9[%mul3A_132] : memref<10000xi32, #tpu.memory_space<vmem>> -> memref<40xi32, #tpu.memory_space<vmem>>
        %dma_start3A_134 = arith.constant 0 : i32
        %dma_start3A_135 = arith.constant 0 : i32
        %dma_start3A_136 = tpu.memref_slice %arg2[%dma_start3A_134, %dma_start3A_135] : memref<10000x128xf32, #tpu.memory_space<hbm>> -> memref<10000x128xf32, #tpu.memory_space<hbm>>
        tpu.enqueue_indirect_dma source(%dma_start3A_136 : memref<10000x128xf32, #tpu.memory_space<hbm>>) target(%arg12 : memref<40x128xf32, #tpu.memory_space<vmem>>) offsets(%dma_start3A_133 : memref<40xi32, #tpu.memory_space<vmem>>) semaphore(%arg16 : memref<!tpu.dma_semaphore, #tpu.memory_space<semaphore_mem>>)
      } else {
      }
      %scan3A_128 = arith.constant 0 : i32
      scf.yield %scan3A_128 : i32
    }
    %scan3A_26 = arith.constant 125 : i32
    %dma_wait3A = arith.constant 0 : i32
    %dma_wait3A_27 = arith.constant 0 : i32
    %dma_wait3A_28 = tpu.memref_slice %arg10[%dma_wait3A, %dma_wait3A_27] : memref<250x40xi32, #tpu.memory_space<vmem>> -> memref<1x40xi32, #tpu.memory_space<vmem>>
    %dma_wait3A_29 = tpu.memref_squeeze %dma_wait3A_28 : memref<1x40xi32, #tpu.memory_space<vmem>> -> memref<40xi32, #tpu.memory_space<vmem>>
    %dma_wait3A_30 = arith.constant 0 : i32
    %dma_wait3A_31 = arith.constant 0 : i32
    %dma_wait3A_32 = tpu.memref_slice %arg8[%dma_wait3A_30, %dma_wait3A_31] : memref<10000x128xf32, #tpu.memory_space<vmem_shared>> -> memref<10000x128xf32, #tpu.memory_space<vmem_shared>>
    tpu.wait_indirect_dma semaphore(%arg20 : memref<!tpu.dma_semaphore, #tpu.memory_space<semaphore_mem>>) src(%arg14 : memref<40x128xf32, #tpu.memory_space<vmem>>) dst(%dma_wait3A_32 : memref<10000x128xf32, #tpu.memory_space<vmem_shared>>)
    %barrier3A_33 = arith.constant 0 : index
    tpu.barrier barrier_id(%barrier3A_33)
    "tpu.region"() ({
      %run_scoped3A = tpu.sem_alloc : memref<!tpu.dma_semaphore, #tpu.memory_space<semaphore_mem>>
      %dma_start3A_34 = arith.constant 0 : i32
      %dma_start3A_35 = tpu.memref_slice %arg7[%arg0, %min3A_5, %dma_start3A_34] : memref<2x10000x128xf32, #tpu.memory_space<hbm>> -> memref<1x640x128xf32, #tpu.memory_space<hbm>>
      %dma_start3A_36 = tpu.memref_squeeze %dma_start3A_35 : memref<1x640x128xf32, #tpu.memory_space<hbm>> -> memref<640x128xf32, #tpu.memory_space<hbm>>
      %dma_start3A_37 = arith.constant 0 : i32
      %dma_start3A_38 = tpu.memref_slice %arg8[%min3A_5, %dma_start3A_37] : memref<10000x128xf32, #tpu.memory_space<vmem_shared>> -> memref<640x128xf32, #tpu.memory_space<vmem_shared>>
      tpu.enqueue_dma source(%dma_start3A_38 : memref<640x128xf32, #tpu.memory_space<vmem_shared>>) target(%dma_start3A_36 : memref<640x128xf32, #tpu.memory_space<hbm>>) target_semaphore(%run_scoped3A : memref<!tpu.dma_semaphore, #tpu.memory_space<semaphore_mem>>)
      %dma_wait3A_39 = arith.constant 0 : i32
      %dma_wait3A_40 = tpu.memref_slice %arg7[%arg0, %min3A_5, %dma_wait3A_39] : memref<2x10000x128xf32, #tpu.memory_space<hbm>> -> memref<1x640x128xf32, #tpu.memory_space<hbm>>
      %dma_wait3A_41 = tpu.memref_squeeze %dma_wait3A_40 : memref<1x640x128xf32, #tpu.memory_space<hbm>> -> memref<640x128xf32, #tpu.memory_space<hbm>>
      %dma_wait3A_42 = arith.constant 0 : i32
      %dma_wait3A_43 = tpu.memref_slice %arg8[%min3A_5, %dma_wait3A_42] : memref<10000x128xf32, #tpu.memory_space<vmem_shared>> -> memref<640x128xf32, #tpu.memory_space<vmem_shared>>
      tpu.wait_dma2 semaphore(%run_scoped3A : memref<!tpu.dma_semaphore, #tpu.memory_space<semaphore_mem>>) src(%dma_wait3A_43 : memref<640x128xf32, #tpu.memory_space<vmem_shared>>) dst(%dma_wait3A_41 : memref<640x128xf32, #tpu.memory_space<hbm>>)
      tpu.yield
    }) : () -> ()
    return
  }
}

module attributes {stable_mosaic.version = 14 : i64} {
  func.func @_edge_proj_body(%arg0: i32, %arg1: memref<2000x16xf32, #tpu.memory_space<vmem>>, %arg2: memref<16x128xf32, #tpu.memory_space<vmem>>, %arg3: memref<16x128xf32, #tpu.memory_space<vmem>>, %arg4: memref<16x128xf32, #tpu.memory_space<vmem>>, %arg5: memref<2000x128xf32, #tpu.memory_space<vmem>>, %arg6: memref<2000x128xf32, #tpu.memory_space<vmem>>, %arg7: memref<2000x128xf32, #tpu.memory_space<vmem>>) attributes {dimension_semantics = [#tpu.dimension_semantics<arbitrary>], iteration_bounds = array<i64: 160>, scalar_prefetch = 0 : i64, scratch_operands = 0 : i64, tpu.core_type = #tpu.core_type<tc>, window_params = [{transform_indices = @transform_0, window_bounds = array<i64: 2000, 16>}, {pipeline_mode = #tpu.pipeline_mode<synchronous>, transform_indices = @transform_1, window_bounds = array<i64: 16, 128>}, {pipeline_mode = #tpu.pipeline_mode<synchronous>, transform_indices = @transform_2, window_bounds = array<i64: 16, 128>}, {pipeline_mode = #tpu.pipeline_mode<synchronous>, transform_indices = @transform_3, window_bounds = array<i64: 16, 128>}, {transform_indices = @transform_4, window_bounds = array<i64: 2000, 128>}, {transform_indices = @transform_5, window_bounds = array<i64: 2000, 128>}, {transform_indices = @transform_6, window_bounds = array<i64: 2000, 128>}]} {
    %get3A = arith.constant 0 : index
    %get3A_0 = arith.constant 0 : index
    %get3A_1 = vector.load %arg1[%get3A, %get3A_0] : memref<2000x16xf32, #tpu.memory_space<vmem>>, vector<2000x16xf32>
    %get3A_2 = arith.constant 0 : index
    %get3A_3 = arith.constant 0 : index
    %get3A_4 = vector.load %arg2[%get3A_2, %get3A_3] : memref<16x128xf32, #tpu.memory_space<vmem>>, vector<16x128xf32>
    %dot_general3A = arith.constant dense<0.000000e+00> : vector<2000x128xf32>
    %dot_general3A_5 = tpu.matmul %get3A_1, %get3A_4, %dot_general3A {dimension_numbers = #tpu.dot_dimension_numbers<[1], [0], [0], [1], [0, 0, 1, 1], [], []>, transpose_lhs_hint = false} : vector<2000x16xf32>, vector<16x128xf32>, vector<2000x128xf32> -> vector<2000x128xf32>
    %swap3A = arith.constant 0 : index
    %swap3A_6 = arith.constant 0 : index
    %swap3A_7 = vector.load %arg5[%swap3A, %swap3A_6] : memref<2000x128xf32, #tpu.memory_space<vmem>>, vector<2000x128xf32>
    tpu.vector_store %arg5[%swap3A, %swap3A_6], %dot_general3A_5 {strides = array<i32>} : memref<2000x128xf32, #tpu.memory_space<vmem>>, vector<2000x128xf32>,
    %get3A_8 = arith.constant 0 : index
    %get3A_9 = arith.constant 0 : index
    %get3A_10 = vector.load %arg3[%get3A_8, %get3A_9] : memref<16x128xf32, #tpu.memory_space<vmem>>, vector<16x128xf32>
    %dot_general3A_11 = arith.constant dense<0.000000e+00> : vector<2000x128xf32>
    %dot_general3A_12 = tpu.matmul %get3A_1, %get3A_10, %dot_general3A_11 {dimension_numbers = #tpu.dot_dimension_numbers<[1], [0], [0], [1], [0, 0, 1, 1], [], []>, transpose_lhs_hint = false} : vector<2000x16xf32>, vector<16x128xf32>, vector<2000x128xf32> -> vector<2000x128xf32>
    %swap3A_13 = arith.constant 0 : index
    %swap3A_14 = arith.constant 0 : index
    %swap3A_15 = vector.load %arg6[%swap3A_13, %swap3A_14] : memref<2000x128xf32, #tpu.memory_space<vmem>>, vector<2000x128xf32>
    tpu.vector_store %arg6[%swap3A_13, %swap3A_14], %dot_general3A_12 {strides = array<i32>} : memref<2000x128xf32, #tpu.memory_space<vmem>>, vector<2000x128xf32>,
    %get3A_16 = arith.constant 0 : index
    %get3A_17 = arith.constant 0 : index
    %get3A_18 = vector.load %arg4[%get3A_16, %get3A_17] : memref<16x128xf32, #tpu.memory_space<vmem>>, vector<16x128xf32>
    %dot_general3A_19 = arith.constant dense<0.000000e+00> : vector<2000x128xf32>
    %dot_general3A_20 = tpu.matmul %get3A_1, %get3A_18, %dot_general3A_19 {dimension_numbers = #tpu.dot_dimension_numbers<[1], [0], [0], [1], [0, 0, 1, 1], [], []>, transpose_lhs_hint = false} : vector<2000x16xf32>, vector<16x128xf32>, vector<2000x128xf32> -> vector<2000x128xf32>
    %swap3A_21 = arith.constant 0 : index
    %swap3A_22 = arith.constant 0 : index
    %swap3A_23 = vector.load %arg7[%swap3A_21, %swap3A_22] : memref<2000x128xf32, #tpu.memory_space<vmem>>, vector<2000x128xf32>
    tpu.vector_store %arg7[%swap3A_21, %swap3A_22], %dot_general3A_20 {strides = array<i32>} : memref<2000x128xf32, #tpu.memory_space<vmem>>, vector<2000x128xf32>,
    return
  }
  func.func @transform_0(%arg0: i32) -> (i32, i32) {
    %c0_i32 = arith.constant 0 : i32
    %c0_i32_0 = arith.constant 0 : i32
    return %arg0, %c0_i32 : i32, i32
  }
  func.func @transform_1(%arg0: i32) -> (i32, i32) {
    %c0_i32 = arith.constant 0 : i32
    %c0_i32_0 = arith.constant 0 : i32
    %c0_i32_1 = arith.constant 0 : i32
    return %c0_i32, %c0_i32_0 : i32, i32
  }
  func.func @transform_2(%arg0: i32) -> (i32, i32) {
    %c0_i32 = arith.constant 0 : i32
    %c0_i32_0 = arith.constant 0 : i32
    %c0_i32_1 = arith.constant 0 : i32
    return %c0_i32, %c0_i32_0 : i32, i32
  }
  func.func @transform_3(%arg0: i32) -> (i32, i32) {
    %c0_i32 = arith.constant 0 : i32
    %c0_i32_0 = arith.constant 0 : i32
    %c0_i32_1 = arith.constant 0 : i32
    return %c0_i32, %c0_i32_0 : i32, i32
  }
  func.func @transform_4(%arg0: i32) -> (i32, i32) {
    %c0_i32 = arith.constant 0 : i32
    %c0_i32_0 = arith.constant 0 : i32
    return %arg0, %c0_i32 : i32, i32
  }
  func.func @transform_5(%arg0: i32) -> (i32, i32) {
    %c0_i32 = arith.constant 0 : i32
    %c0_i32_0 = arith.constant 0 : i32
    return %arg0, %c0_i32 : i32, i32
  }
  func.func @transform_6(%arg0: i32) -> (i32, i32) {
    %c0_i32 = arith.constant 0 : i32
    %c0_i32_0 = arith.constant 0 : i32
    return %arg0, %c0_i32 : i32, i32
  }
}

module attributes {stable_mosaic.version = 14 : i64} {
  func.func @_mlp_body(%arg0: i32, %arg1: memref<1x2000x128xf32, #tpu.memory_space<vmem>>, %arg2: memref<1x2000x128xf32, #tpu.memory_space<vmem>>, %arg3: memref<2000x1xf32, #tpu.memory_space<vmem>>, %arg4: memref<2000x128xf32, #tpu.memory_space<vmem>>, %arg5: memref<128x256xf32, #tpu.memory_space<vmem>>, %arg6: memref<256x128xf32, #tpu.memory_space<vmem>>, %arg7: memref<1x256xf32, #tpu.memory_space<vmem>>, %arg8: memref<1x256xf32, #tpu.memory_space<vmem>>, %arg9: memref<1x128xf32, #tpu.memory_space<vmem>>, %arg10: memref<1x1xf32, #tpu.memory_space<vmem>>, %arg11: memref<2000x128xf32, #tpu.memory_space<vmem>>) attributes {dimension_semantics = [#tpu.dimension_semantics<arbitrary>], iteration_bounds = array<i64: 5>, scalar_prefetch = 0 : i64, scratch_operands = 0 : i64, tpu.core_type = #tpu.core_type<tc>, window_params = [{transform_indices = @transform_0, window_bounds = array<i64: 1, 2000, 128>}, {transform_indices = @transform_1, window_bounds = array<i64: 1, 2000, 128>}, {transform_indices = @transform_2, window_bounds = array<i64: 2000, 1>}, {transform_indices = @transform_3, window_bounds = array<i64: 2000, 128>}, {pipeline_mode = #tpu.pipeline_mode<synchronous>, transform_indices = @transform_4, window_bounds = array<i64: 128, 256>}, {pipeline_mode = #tpu.pipeline_mode<synchronous>, transform_indices = @transform_5, window_bounds = array<i64: 256, 128>}, {pipeline_mode = #tpu.pipeline_mode<synchronous>, transform_indices = @transform_6, window_bounds = array<i64: 1, 256>}, {pipeline_mode = #tpu.pipeline_mode<synchronous>, transform_indices = @transform_7, window_bounds = array<i64: 1, 256>}, {pipeline_mode = #tpu.pipeline_mode<synchronous>, transform_indices = @transform_8, window_bounds = array<i64: 1, 128>}, {pipeline_mode = #tpu.pipeline_mode<synchronous>, transform_indices = @transform_9, window_bounds = array<i64: 1, 1>}, {transform_indices = @transform_10, window_bounds = array<i64: 2000, 128>}]} {
    %get3A = arith.constant 0 : index
    %get3A_0 = arith.constant 0 : index
    %get3A_1 = arith.constant 0 : index
    %get3A_2 = vector.load %arg1[%get3A, %get3A_0, %get3A_1] : memref<1x2000x128xf32, #tpu.memory_space<vmem>>, vector<1x2000x128xf32>
    %get3A_3 = vector.shape_cast %get3A_2 : vector<1x2000x128xf32> to vector<2000x128xf32>
    %get3A_4 = arith.constant 0 : index
    %get3A_5 = arith.constant 0 : index
    %get3A_6 = arith.constant 0 : index
    %get3A_7 = vector.load %arg2[%get3A_4, %get3A_5, %get3A_6] : memref<1x2000x128xf32, #tpu.memory_space<vmem>>, vector<1x2000x128xf32>
    %get3A_8 = vector.shape_cast %get3A_7 : vector<1x2000x128xf32> to vector<2000x128xf32>
    %add3A = arith.addf %get3A_3, %get3A_8 : vector<2000x128xf32>
    %get3A_9 = arith.constant 0 : index
    %get3A_10 = arith.constant 0 : index
    %get3A_11 = vector.load %arg3[%get3A_9, %get3A_10] : memref<2000x1xf32, #tpu.memory_space<vmem>>, vector<2000x1xf32>
    %mul3A = vector.broadcast %get3A_11 : vector<2000x1xf32> to vector<2000x128xf32>
    %mul3A_12 = arith.mulf %add3A, %mul3A : vector<2000x128xf32>
    %get3A_13 = arith.constant 0 : index
    %get3A_14 = arith.constant 0 : index
    %get3A_15 = vector.load %arg4[%get3A_13, %get3A_14] : memref<2000x128xf32, #tpu.memory_space<vmem>>, vector<2000x128xf32>
    %add3A_16 = arith.addf %mul3A_12, %get3A_15 : vector<2000x128xf32>
    %get3A_17 = arith.constant 0 : index
    %get3A_18 = arith.constant 0 : index
    %get3A_19 = vector.load %arg5[%get3A_17, %get3A_18] : memref<128x256xf32, #tpu.memory_space<vmem>>, vector<128x256xf32>
    %dot_general3A = arith.constant dense<0.000000e+00> : vector<2000x256xf32>
    %dot_general3A_20 = tpu.matmul %add3A_16, %get3A_19, %dot_general3A {dimension_numbers = #tpu.dot_dimension_numbers<[1], [0], [0], [1], [0, 0, 1, 1], [], []>, transpose_lhs_hint = false} : vector<2000x128xf32>, vector<128x256xf32>, vector<2000x256xf32> -> vector<2000x256xf32>
    %get3A_21 = arith.constant 0 : index
    %get3A_22 = arith.constant 0 : index
    %get3A_23 = vector.load %arg7[%get3A_21, %get3A_22] : memref<1x256xf32, #tpu.memory_space<vmem>>, vector<1x256xf32>
    %sqrt3A = arith.constant 1.000010e+00 : f32
    %sqrt3A_24 = math.sqrt %sqrt3A : f32
    %div3A = arith.constant 1.000000e+00 : f32
    %div3A_25 = arith.divf %div3A, %sqrt3A_24 : f32
    %mul3A_26 = vector.broadcast %div3A_25 : f32 to vector<1x256xf32>
    %mul3A_27 = arith.mulf %get3A_23, %mul3A_26 : vector<1x256xf32>
    %mul3A_28 = vector.broadcast %mul3A_27 : vector<1x256xf32> to vector<2000x256xf32>
    %mul3A_29 = arith.mulf %dot_general3A_20, %mul3A_28 : vector<2000x256xf32>
    %get3A_30 = arith.constant 0 : index
    %get3A_31 = arith.constant 0 : index
    %get3A_32 = vector.load %arg8[%get3A_30, %get3A_31] : memref<1x256xf32, #tpu.memory_space<vmem>>, vector<1x256xf32>
    %add3A_33 = vector.broadcast %get3A_32 : vector<1x256xf32> to vector<2000x256xf32>
    %add3A_34 = arith.addf %mul3A_29, %add3A_33 : vector<2000x256xf32>
    %max3A = arith.constant 0.000000e+00 : f32
    %max3A_35 = vector.broadcast %max3A : f32 to vector<2000x256xf32>
    %max3A_36 = arith.maximumf %add3A_34, %max3A_35 : vector<2000x256xf32>
    %get3A_37 = arith.constant 0 : index
    %get3A_38 = arith.constant 0 : index
    %get3A_39 = vector.load %arg6[%get3A_37, %get3A_38] : memref<256x128xf32, #tpu.memory_space<vmem>>, vector<256x128xf32>
    %dot_general3A_40 = arith.constant dense<0.000000e+00> : vector<2000x128xf32>
    %dot_general3A_41 = tpu.matmul %max3A_36, %get3A_39, %dot_general3A_40 {dimension_numbers = #tpu.dot_dimension_numbers<[1], [0], [0], [1], [0, 0, 1, 1], [], []>, transpose_lhs_hint = false} : vector<2000x256xf32>, vector<256x128xf32>, vector<2000x128xf32> -> vector<2000x128xf32>
    %max3A_42 = arith.constant 0.000000e+00 : f32
    %max3A_43 = vector.broadcast %max3A_42 : f32 to vector<2000x128xf32>
    %max3A_44 = arith.maximumf %dot_general3A_41, %max3A_43 : vector<2000x128xf32>
    %swap3A = arith.constant 0 : index
    %swap3A_45 = arith.constant 0 : index
    %swap3A_46 = vector.load %arg11[%swap3A, %swap3A_45] : memref<2000x128xf32, #tpu.memory_space<vmem>>, vector<2000x128xf32>
    tpu.vector_store %arg11[%swap3A, %swap3A_45], %max3A_44 {strides = array<i32>} : memref<2000x128xf32, #tpu.memory_space<vmem>>, vector<2000x128xf32>,
    return
  }
  func.func @transform_0(%arg0: i32) -> (i32, i32, i32) {
    %c0_i32 = arith.constant 0 : i32
    %c0_i32_0 = arith.constant 0 : i32
    %c0_i32_1 = arith.constant 0 : i32
    return %c0_i32, %arg0, %c0_i32_0 : i32, i32, i32
  }
  func.func @transform_1(%arg0: i32) -> (i32, i32, i32) {
    %c1_i32 = arith.constant 1 : i32
    %c0_i32 = arith.constant 0 : i32
    %c0_i32_0 = arith.constant 0 : i32
    return %c1_i32, %arg0, %c0_i32 : i32, i32, i32
  }
  func.func @transform_2(%arg0: i32) -> (i32, i32) {
    %c0_i32 = arith.constant 0 : i32
    %c0_i32_0 = arith.constant 0 : i32
    return %arg0, %c0_i32 : i32, i32
  }
  func.func @transform_3(%arg0: i32) -> (i32, i32) {
    %c0_i32 = arith.constant 0 : i32
    %c0_i32_0 = arith.constant 0 : i32
    return %arg0, %c0_i32 : i32, i32
  }
  func.func @transform_4(%arg0: i32) -> (i32, i32) {
    %c0_i32 = arith.constant 0 : i32
    %c0_i32_0 = arith.constant 0 : i32
    %c0_i32_1 = arith.constant 0 : i32
    return %c0_i32, %c0_i32_0 : i32, i32
  }
  func.func @transform_5(%arg0: i32) -> (i32, i32) {
    %c0_i32 = arith.constant 0 : i32
    %c0_i32_0 = arith.constant 0 : i32
    %c0_i32_1 = arith.constant 0 : i32
    return %c0_i32, %c0_i32_0 : i32, i32
  }
  func.func @transform_6(%arg0: i32) -> (i32, i32) {
    %c0_i32 = arith.constant 0 : i32
    %c0_i32_0 = arith.constant 0 : i32
    %c0_i32_1 = arith.constant 0 : i32
    return %c0_i32, %c0_i32_0 : i32, i32
  }
  func.func @transform_7(%arg0: i32) -> (i32, i32) {
    %c0_i32 = arith.constant 0 : i32
    %c0_i32_0 = arith.constant 0 : i32
    %c0_i32_1 = arith.constant 0 : i32
    return %c0_i32, %c0_i32_0 : i32, i32
  }
  func.func @transform_8(%arg0: i32) -> (i32, i32) {
    %c0_i32 = arith.constant 0 : i32
    %c0_i32_0 = arith.constant 0 : i32
    %c0_i32_1 = arith.constant 0 : i32
    return %c0_i32, %c0_i32_0 : i32, i32
  }
  func.func @transform_9(%arg0: i32) -> (i32, i32) {
    %c0_i32 = arith.constant 0 : i32
    %c0_i32_0 = arith.constant 0 : i32
    %c0_i32_1 = arith.constant 0 : i32
    return %c0_i32, %c0_i32_0 : i32, i32
  }
  func.func @transform_10(%arg0: i32) -> (i32, i32) {
    %c0_i32 = arith.constant 0 : i32
    %c0_i32_0 = arith.constant 0 : i32
    return %arg0, %c0_i32 : i32, i32
  }
}

module attributes {stable_mosaic.version = 14 : i64} {
  func.func @_mlp_body(%arg0: i32, %arg1: memref<1x2000x128xf32, #tpu.memory_space<vmem>>, %arg2: memref<1x2000x128xf32, #tpu.memory_space<vmem>>, %arg3: memref<2000x1xf32, #tpu.memory_space<vmem>>, %arg4: memref<2000x128xf32, #tpu.memory_space<vmem>>, %arg5: memref<128x256xf32, #tpu.memory_space<vmem>>, %arg6: memref<256x128xf32, #tpu.memory_space<vmem>>, %arg7: memref<1x256xf32, #tpu.memory_space<vmem>>, %arg8: memref<1x256xf32, #tpu.memory_space<vmem>>, %arg9: memref<1x128xf32, #tpu.memory_space<vmem>>, %arg10: memref<1x1xf32, #tpu.memory_space<vmem>>, %arg11: memref<2000x1xf32, #tpu.memory_space<vmem>>) attributes {dimension_semantics = [#tpu.dimension_semantics<arbitrary>], iteration_bounds = array<i64: 5>, scalar_prefetch = 0 : i64, scratch_operands = 0 : i64, tpu.core_type = #tpu.core_type<tc>, window_params = [{transform_indices = @transform_0, window_bounds = array<i64: 1, 2000, 128>}, {transform_indices = @transform_1, window_bounds = array<i64: 1, 2000, 128>}, {transform_indices = @transform_2, window_bounds = array<i64: 2000, 1>}, {transform_indices = @transform_3, window_bounds = array<i64: 2000, 128>}, {pipeline_mode = #tpu.pipeline_mode<synchronous>, transform_indices = @transform_4, window_bounds = array<i64: 128, 256>}, {pipeline_mode = #tpu.pipeline_mode<synchronous>, transform_indices = @transform_5, window_bounds = array<i64: 256, 128>}, {pipeline_mode = #tpu.pipeline_mode<synchronous>, transform_indices = @transform_6, window_bounds = array<i64: 1, 256>}, {pipeline_mode = #tpu.pipeline_mode<synchronous>, transform_indices = @transform_7, window_bounds = array<i64: 1, 256>}, {pipeline_mode = #tpu.pipeline_mode<synchronous>, transform_indices = @transform_8, window_bounds = array<i64: 1, 128>}, {pipeline_mode = #tpu.pipeline_mode<synchronous>, transform_indices = @transform_9, window_bounds = array<i64: 1, 1>}, {transform_indices = @transform_10, window_bounds = array<i64: 2000, 1>}]} {
    %get3A = arith.constant 0 : index
    %get3A_0 = arith.constant 0 : index
    %get3A_1 = arith.constant 0 : index
    %get3A_2 = vector.load %arg1[%get3A, %get3A_0, %get3A_1] : memref<1x2000x128xf32, #tpu.memory_space<vmem>>, vector<1x2000x128xf32>
    %get3A_3 = vector.shape_cast %get3A_2 : vector<1x2000x128xf32> to vector<2000x128xf32>
    %get3A_4 = arith.constant 0 : index
    %get3A_5 = arith.constant 0 : index
    %get3A_6 = arith.constant 0 : index
    %get3A_7 = vector.load %arg2[%get3A_4, %get3A_5, %get3A_6] : memref<1x2000x128xf32, #tpu.memory_space<vmem>>, vector<1x2000x128xf32>
    %get3A_8 = vector.shape_cast %get3A_7 : vector<1x2000x128xf32> to vector<2000x128xf32>
    %add3A = arith.addf %get3A_3, %get3A_8 : vector<2000x128xf32>
    %get3A_9 = arith.constant 0 : index
    %get3A_10 = arith.constant 0 : index
    %get3A_11 = vector.load %arg3[%get3A_9, %get3A_10] : memref<2000x1xf32, #tpu.memory_space<vmem>>, vector<2000x1xf32>
    %mul3A = vector.broadcast %get3A_11 : vector<2000x1xf32> to vector<2000x128xf32>
    %mul3A_12 = arith.mulf %add3A, %mul3A : vector<2000x128xf32>
    %get3A_13 = arith.constant 0 : index
    %get3A_14 = arith.constant 0 : index
    %get3A_15 = vector.load %arg4[%get3A_13, %get3A_14] : memref<2000x128xf32, #tpu.memory_space<vmem>>, vector<2000x128xf32>
    %add3A_16 = arith.addf %mul3A_12, %get3A_15 : vector<2000x128xf32>
    %get3A_17 = arith.constant 0 : index
    %get3A_18 = arith.constant 0 : index
    %get3A_19 = vector.load %arg5[%get3A_17, %get3A_18] : memref<128x256xf32, #tpu.memory_space<vmem>>, vector<128x256xf32>
    %dot_general3A = arith.constant dense<0.000000e+00> : vector<2000x256xf32>
    %dot_general3A_20 = tpu.matmul %add3A_16, %get3A_19, %dot_general3A {dimension_numbers = #tpu.dot_dimension_numbers<[1], [0], [0], [1], [0, 0, 1, 1], [], []>, transpose_lhs_hint = false} : vector<2000x128xf32>, vector<128x256xf32>, vector<2000x256xf32> -> vector<2000x256xf32>
    %get3A_21 = arith.constant 0 : index
    %get3A_22 = arith.constant 0 : index
    %get3A_23 = vector.load %arg7[%get3A_21, %get3A_22] : memref<1x256xf32, #tpu.memory_space<vmem>>, vector<1x256xf32>
    %sqrt3A = arith.constant 1.000010e+00 : f32
    %sqrt3A_24 = math.sqrt %sqrt3A : f32
    %div3A = arith.constant 1.000000e+00 : f32
    %div3A_25 = arith.divf %div3A, %sqrt3A_24 : f32
    %mul3A_26 = vector.broadcast %div3A_25 : f32 to vector<1x256xf32>
    %mul3A_27 = arith.mulf %get3A_23, %mul3A_26 : vector<1x256xf32>
    %mul3A_28 = vector.broadcast %mul3A_27 : vector<1x256xf32> to vector<2000x256xf32>
    %mul3A_29 = arith.mulf %dot_general3A_20, %mul3A_28 : vector<2000x256xf32>
    %get3A_30 = arith.constant 0 : index
    %get3A_31 = arith.constant 0 : index
    %get3A_32 = vector.load %arg8[%get3A_30, %get3A_31] : memref<1x256xf32, #tpu.memory_space<vmem>>, vector<1x256xf32>
    %add3A_33 = vector.broadcast %get3A_32 : vector<1x256xf32> to vector<2000x256xf32>
    %add3A_34 = arith.addf %mul3A_29, %add3A_33 : vector<2000x256xf32>
    %max3A = arith.constant 0.000000e+00 : f32
    %max3A_35 = vector.broadcast %max3A : f32 to vector<2000x256xf32>
    %max3A_36 = arith.maximumf %add3A_34, %max3A_35 : vector<2000x256xf32>
    %get3A_37 = arith.constant 0 : index
    %get3A_38 = arith.constant 0 : index
    %get3A_39 = vector.load %arg6[%get3A_37, %get3A_38] : memref<256x128xf32, #tpu.memory_space<vmem>>, vector<256x128xf32>
    %dot_general3A_40 = arith.constant dense<0.000000e+00> : vector<2000x128xf32>
    %dot_general3A_41 = tpu.matmul %max3A_36, %get3A_39, %dot_general3A_40 {dimension_numbers = #tpu.dot_dimension_numbers<[1], [0], [0], [1], [0, 0, 1, 1], [], []>, transpose_lhs_hint = false} : vector<2000x256xf32>, vector<256x128xf32>, vector<2000x128xf32> -> vector<2000x128xf32>
    %max3A_42 = arith.constant 0.000000e+00 : f32
    %max3A_43 = vector.broadcast %max3A_42 : f32 to vector<2000x128xf32>
    %max3A_44 = arith.maximumf %dot_general3A_41, %max3A_43 : vector<2000x128xf32>
    %get3A_45 = arith.constant 0 : index
    %get3A_46 = arith.constant 0 : index
    %get3A_47 = vector.load %arg9[%get3A_45, %get3A_46] : memref<1x128xf32, #tpu.memory_space<vmem>>, vector<1x128xf32>
    %mul3A_48 = vector.broadcast %get3A_47 : vector<1x128xf32> to vector<2000x128xf32>
    %mul3A_49 = arith.mulf %max3A_44, %mul3A_48 : vector<2000x128xf32>
    %reduce_sum3A = arith.constant dense<0.000000e+00> : vector<2000xf32>
    %reduce_sum3A_50 = vector.multi_reduction <add>, %mul3A_49, %reduce_sum3A [1] : vector<2000x128xf32> to vector<2000xf32>
    %broadcast_in_dim3A = vector.shape_cast %reduce_sum3A_50 : vector<2000xf32> to vector<2000x1xf32>
    %get3A_51 = arith.constant 0 : index
    %get3A_52 = arith.constant 0 : index
    %get3A_53 = vector.load %arg10[%get3A_51, %get3A_52] : memref<1x1xf32, #tpu.memory_space<vmem>>, vector<1x1xf32>
    %add3A_54 = vector.broadcast %get3A_53 : vector<1x1xf32> to vector<2000x1xf32>
    %add3A_55 = arith.addf %broadcast_in_dim3A, %add3A_54 : vector<2000x1xf32>
    %swap3A = arith.constant 0 : index
    %swap3A_56 = arith.constant 0 : index
    %swap3A_57 = vector.load %arg11[%swap3A, %swap3A_56] : memref<2000x1xf32, #tpu.memory_space<vmem>>, vector<2000x1xf32>
    tpu.vector_store %arg11[%swap3A, %swap3A_56], %add3A_55 {strides = array<i32>} : memref<2000x1xf32, #tpu.memory_space<vmem>>, vector<2000x1xf32>,
    return
  }
  func.func @transform_0(%arg0: i32) -> (i32, i32, i32) {
    %c0_i32 = arith.constant 0 : i32
    %c0_i32_0 = arith.constant 0 : i32
    %c0_i32_1 = arith.constant 0 : i32
    return %c0_i32, %arg0, %c0_i32_0 : i32, i32, i32
  }
  func.func @transform_1(%arg0: i32) -> (i32, i32, i32) {
    %c1_i32 = arith.constant 1 : i32
    %c0_i32 = arith.constant 0 : i32
    %c0_i32_0 = arith.constant 0 : i32
    return %c1_i32, %arg0, %c0_i32 : i32, i32, i32
  }
  func.func @transform_2(%arg0: i32) -> (i32, i32) {
    %c0_i32 = arith.constant 0 : i32
    %c0_i32_0 = arith.constant 0 : i32
    return %arg0, %c0_i32 : i32, i32
  }
  func.func @transform_3(%arg0: i32) -> (i32, i32) {
    %c0_i32 = arith.constant 0 : i32
    %c0_i32_0 = arith.constant 0 : i32
    return %arg0, %c0_i32 : i32, i32
  }
  func.func @transform_4(%arg0: i32) -> (i32, i32) {
    %c0_i32 = arith.constant 0 : i32
    %c0_i32_0 = arith.constant 0 : i32
    %c0_i32_1 = arith.constant 0 : i32
    return %c0_i32, %c0_i32_0 : i32, i32
  }
  func.func @transform_5(%arg0: i32) -> (i32, i32) {
    %c0_i32 = arith.constant 0 : i32
    %c0_i32_0 = arith.constant 0 : i32
    %c0_i32_1 = arith.constant 0 : i32
    return %c0_i32, %c0_i32_0 : i32, i32
  }
  func.func @transform_6(%arg0: i32) -> (i32, i32) {
    %c0_i32 = arith.constant 0 : i32
    %c0_i32_0 = arith.constant 0 : i32
    %c0_i32_1 = arith.constant 0 : i32
    return %c0_i32, %c0_i32_0 : i32, i32
  }
  func.func @transform_7(%arg0: i32) -> (i32, i32) {
    %c0_i32 = arith.constant 0 : i32
    %c0_i32_0 = arith.constant 0 : i32
    %c0_i32_1 = arith.constant 0 : i32
    return %c0_i32, %c0_i32_0 : i32, i32
  }
  func.func @transform_8(%arg0: i32) -> (i32, i32) {
    %c0_i32 = arith.constant 0 : i32
    %c0_i32_0 = arith.constant 0 : i32
    %c0_i32_1 = arith.constant 0 : i32
    return %c0_i32, %c0_i32_0 : i32, i32
  }
  func.func @transform_9(%arg0: i32) -> (i32, i32) {
    %c0_i32 = arith.constant 0 : i32
    %c0_i32_0 = arith.constant 0 : i32
    %c0_i32_1 = arith.constant 0 : i32
    return %c0_i32, %c0_i32_0 : i32, i32
  }
  func.func @transform_10(%arg0: i32) -> (i32, i32) {
    %c0_i32 = arith.constant 0 : i32
    %c0_i32_0 = arith.constant 0 : i32
    return %arg0, %c0_i32 : i32, i32
  }
}

</mosaic_0001>

<sc_bundles>
// kernel: genconv_sc_cnt.3.cloned.1.call-start
scs
__scs_entry_jumppad:
0x0: {  	(pc) =	sbr.rel $0x88, $3  }
0x1: {  	(tag) =	ssettag $0x0;
	lr =	simm.s32 $0x1  }
0x2: {  	[smem:$0x3F8D] =	sst lr;
	_ =	strace $0xD0000000  }
0x3: {  	_ = 	snop  }
0x4: {  	_ = 	snop  }
0x5: {  	_ = 	snop  }
0x6: {  	_ = 	snop  }
0x7: {  	_ = 	snop  }
__scs_overlays_trampoline_lowered:
0x8: {  	[smem:$0x3F9C] =	sst s0  }
0x9: {  	[smem:$0x3F9D] =	sst s1  }
0xa: {  	[smem:$0x3F9E] =	sst s2  }
0xb: {  	[smem:$0x3F9F] =	sst s3  }
0xc: {  	[smem:$0x3FA0] =	sst s4  }
0xd: {  	[smem:$0x3FA1] =	sst s5  }
0xe: {  	[smem:$0x3FA2] =	sst s6  }
0xf: {  	[smem:$0x3FA3] =	sst s7  }
0x10: {  	[smem:$0x3FA4] =	sst s8  }
0x11: {  	[smem:$0x3FA5] =	sst s9;
	s0 =	simm.s32 @!p0 $0x0  }
0x12: {  	s1 =	sld [smem:$0x3F8B];
	s0 =	simm.s32 @p0 $0x1  }
0x13: {  	[smem:$0x3FA6] =	sst s0;
	s0 =	simm.s32 @!p1 $0x0  }
0x14: {  	s2 =	sld [smem:$0x3F8A];
	s0 =	simm.s32 @p1 $0x1  }
0x15: {  	[smem:$0x3FA7] =	sst s0;
	s0 =	simm.s32 @!p2 $0x0  }
0x16: {  	s3 =	sld [smem:$0x3FDB];
	s0 =	simm.s32 @p2 $0x1  }
0x17: {  	s4 =	simm.s32 $0x1BF5;
	[smem:$0x3FA9] =	sst s0  }
0x18: {  	s0 =	sld [smem:$0x3F8C];
	_ =	swait.ge [sflag:s4], $0x0  }
0x19: {  	s7 =	sld [smem:$0x3F8D]  }
0x1a: {  	s8 =	sadd.s32 $0xFFFFE003, lr  }
0x1b: {  	s9 =	sadd.s32 $0xFFFFFEF7, lr;
	s5 =	simm.s32 $0xFFFFFFFF;
	p2 =	slt.u32 s8, $0xFFFFF086  }
0x1c: {  	p1 =	slt.u32 s9, $0xF7A;
	s5 =	simm.s32 @!p2 $0x0  }
0x1d: {  	s5 =	simm.s32 @p1 $0x1;
	p0 =	seq.s32 s7, s2  }
0x1e: {  	s7 =	smul.u32 @!p0 $0xF7A, s2;
	p2 =	seq.s32 @!p0 s5, $0x0  }
0x1f: {  	s9 =	smul.u32 $0xF7A, s1;
	s8 =	simm.s32 @!p0 $0x1BF5;
	p2 =	por !p2, p0  }
0x20: {  	[sflag:s8] =	ssyncset.s32 @!p0 $0xFFFFF086;
	s6 =	sadd.s32 @!p0 s3, s7;
	s7 =	simm.s32 @!p0 $0x108  }
0x21: {  	s3 =	sadd.s32 s3, s9;
	s6 =	sadd.s32 @!p0 $0x88, s6;
	s7 =	simm.s32 @p2 $0x1082  }
0x22: {  	[simem:s7], [sflag:s8] =	dma.local @!p0 [hbm:s6], $0xF7A  }
0x23: {  	s9 =	sor.u32 $0xD0000000, s2;
	s6 =	simm.s32 $0x108;
	_ =	swait.ge @!p0 [sflag:s8], $0x0  }
0x24: {  	s3 =	sadd.s32 $0x88, s3;
	s6 =	simm.s32 @!p1 $0x1082;
	[sflag:s4] =	ssyncset.s32 $0xFFFFF086  }
0x25: {  	[simem:s6], [sflag:s4] =	dma.local [hbm:s3], $0xF7A  }
0x26: {  	[smem:$0x3F8D] =	sst s1;
	(tag) =	ssettag s2;
	_ =	strace s9  }
0x27: {  	s1 =	sld [smem:$0x3F9D]  }
0x28: {  	s2 =	sld [smem:$0x3F9E]  }
0x29: {  	s4 =	sld [smem:$0x3FA0]  }
0x2a: {  	p0 =	seq.s32 s5, $0x0;
	s5 =	sld [smem:$0x3FA1]  }
0x2b: {  	s6 =	sld [smem:$0x3FA2]  }
0x2c: {  	s7 =	sld [smem:$0x3FA3]  }
0x2d: {  	s3 =	simm.s32 $0x108;
	s8 =	sld [smem:$0x3FA4]  }
0x2e: {  	s3 =	simm.s32 @!p0 $0x1082;
	s9 =	sld [smem:$0x3FA5]  }
0x2f: {  	lr =	sadd.s32 s0, s3;
	s0 =	sld [smem:$0x3F9C]  }
0x30: {  	s3 =	sld [smem:$0x3F9F]  }
0x31: {  	[smem:$0x3FA8] =	sst s10  }
0x32: {  	s10 =	sld [smem:$0x3FA6];
	_ =	sdelay $0x3  }
0x33: {  	p0 =	seq.s32 s10, $0x1;
	s10 =	sld [smem:$0x3FA8];
	_ =	sdelay $0x3  }
0x34: {  	[smem:$0x3FA8] =	sst s10  }
0x35: {  	s10 =	sld [smem:$0x3FA7];
	_ =	sdelay $0x3  }
0x36: {  	p1 =	seq.s32 s10, $0x1;
	s10 =	sld [smem:$0x3FA8];
	_ =	sdelay $0x3  }
0x37: {  	[smem:$0x3FA8] =	sst s10  }
0x38: {  	s10 =	sld [smem:$0x3FA9]  }
0x39: {  	_ = 	snop;
	(pc) =	sbr.ind lr, $3  }
0x3a: {  	_ = 	snop  }
0x3b: {  	_ = 	snop  }
0x3c: {  	p2 =	seq.s32 s10, $0x1;
	s10 =	sld [smem:$0x3FA8]  }
0x3d: {  	_ =	shalt  }
0x3e: {  	_ =	shalt  }
0x3f: {  	_ =	shalt  }
0x40: {  	_ =	shalt  }
0x41: {  	_ =	shalt  }
0x42: {  	_ =	shalt  }
0x43: {  	_ =	shalt  }
0x44: {  	_ =	shalt  }
0x45: {  	_ =	shalt  }
0x46: {  	_ =	shalt  }
0x47: {  	_ =	shalt  }
0x48: {  	_ =	shalt  }
0x49: {  	_ =	shalt  }
0x4a: {  	_ =	shalt  }
0x4b: {  	_ =	shalt  }
0x4c: {  	_ =	shalt  }
0x4d: {  	_ =	shalt  }
0x4e: {  	_ =	shalt  }
0x4f: {  	_ =	shalt  }
0x50: {  	_ =	shalt  }
0x51: {  	_ =	shalt  }
0x52: {  	_ =	shalt  }
0x53: {  	_ =	shalt  }
0x54: {  	_ =	shalt  }
0x55: {  	_ =	shalt  }
0x56: {  	_ =	shalt  }
0x57: {  	_ =	shalt  }
0x58: {  	_ =	shalt  }
0x59: {  	_ =	shalt  }
0x5a: {  	_ =	shalt  }
0x5b: {  	_ =	shalt  }
0x5c: {  	_ =	shalt  }
0x5d: {  	_ =	shalt  }
0x5e: {  	_ =	shalt  }
0x5f: {  	_ =	shalt  }
0x60: {  	_ =	shalt  }
0x61: {  	_ =	shalt  }
0x62: {  	_ =	shalt  }
0x63: {  	_ =	shalt  }
0x64: {  	_ =	shalt  }
0x65: {  	_ =	shalt  }
0x66: {  	_ =	shalt  }
0x67: {  	_ =	shalt  }
0x68: {  	_ =	shalt  }
0x69: {  	_ =	shalt  }
0x6a: {  	_ =	shalt  }
0x6b: {  	_ =	shalt  }
0x6c: {  	_ =	shalt  }
0x6d: {  	_ =	shalt  }
0x6e: {  	_ =	shalt  }
0x6f: {  	_ =	shalt  }
0x70: {  	_ =	shalt  }
0x71: {  	_ =	shalt  }
0x72: {  	_ =	shalt  }
0x73: {  	_ =	shalt  }
0x74: {  	_ =	shalt  }
0x75: {  	_ =	shalt  }
0x76: {  	_ =	shalt  }
0x77: {  	_ =	shalt  }
0x78: {  	_ =	shalt  }
0x79: {  	_ =	shalt  }
0x7a: {  	_ =	shalt  }
0x7b: {  	_ =	shalt  }
0x7c: {  	_ =	shalt  }
0x7d: {  	_ =	shalt  }
0x7e: {  	_ =	shalt  }
0x7f: {  	_ =	shalt  }
0x80: {  	_ =	shalt  }
0x81: {  	_ =	shalt  }
0x82: {  	_ =	shalt  }
0x83: {  	_ =	shalt  }
0x84: {  	_ =	shalt  }
0x85: {  	_ =	shalt  }
0x86: {  	_ =	shalt  }
0x87: {  	_ =	shalt  }
.Lfunc_end0:
.L_simem_size_0:
called_computation_lowered:
.L_overlay_start_0:
0x88: {  	s2 =	sld [smem:$0x3FD9]  }
0x89: {  	s3 =	sld [smem:$0x3FFE];
	_ =	sdelay $0x1  }
0x8a: {  	s1 =	srdreg.scid  }
0x8b: {  	s0 =	sand.u32 $0x1, s1  }
0x8c: {  	s16 =	sshll.u32 s0, $0xA;
	s2 =	sadd.s32 s3, s2  }
0x8d: {  	s2 =	sadd.s32 s2, s16  }
0x8e: {  	[smem:$0x3FB4] =	sst s2  }
0x8f: {  	_ = 	snop  }
0x90: {  	(tm) =	ssettm $0x1  }
0x91: {  	s17 =	sld [smem:$0x3FFB];
	_ =	sdelay $0x3  }
0x92: {  	_ =	strace s17  }
0x93: {  	s2 =	sld [smem:$0x3FFC];
	_ =	sdelay $0x3  }
0x94: {  	_ =	strace s2  }
0x95: {  	s2 =	sld [smem:$0x3FFD];
	_ =	sdelay $0x3  }
0x96: {  	_ =	strace s2  }
0x97: {  	_ =	strace $0x8FFFFFFF  }
0x98: {  	s18 =	sld [smem:$0x3FDB];
	_ =	sdelay $0x1  }
0x99: {  	s19 =	simm.s32 $_scs_section_size  }
0x9a: {  	s4 =	simm.s32 $_size__tile_overlayer_lowered;
	s5 =	simm.s32 $_tile_overlayer_lowered  }
0x9b: {  	s22 =	simm.s32 $0x1BFF;
	s21 =	sshll.u32 s5, $0x1;
	s2 =	sadd.s32 s19, s18  }
0x9c: {  	s6 =	simm.s32 $0x0;
	s20 =	sshll.u32 s4, $0x1;
	s4 =	sadd.s32 s21, s2  }
0x9d: {  	[timem:s6], [sflag:s22] =	dma.local [hbm:s4], s20  }
0x9e: {  	_ =	swait.ge [sflag:s22], s20  }
0x9f: {  	s3 =	ssub.s32 $0x0, s20;
	[sflag:s22] =	ssyncset.done $0x0  }
0xa0: {  	[sflag:s22] =	ssyncadd.s32 s3;
	_ =	sdelay $0x1  }
0xa1: {  	s23 =	simm.s32 $0x1B8B  }
0xa2: {  	_ =	swait.ge [sflag:s23], $0x1  }
0xa3: {  	[sflag:s23] =	ssyncset.done $0x0  }
0xa4: {  	s25 =	simm.s32 $0x1B8E;
	s24 =	sld [smem:$0x3FFE];
	[sflag:s23] =	ssyncadd.s32 $0xFFFFFFFF  }
0xa5: {  	s26 =	simm.s32 $execute0_lowered;
	[smem:$0x3FD2] =	sst s25  }
0xa6: {  	s4 =	sshll.u32 s26, $0x1;
	_ =	strace $0x80000046;
	[dreg:$0x1] =	wrdreg $0xFFFFFFFF  }
0xa7: {  	s28 =	simm.s32 $_size_execute0_lowered;
	s2 =	sadd.s32 s2, s4;
	[dreg:$0x0] =	wrdreg $0x0  }
0xa8: {  	s4 =	sshll.u32 s28, $0x1;
	[dreg:$0x2] =	wrdreg s2  }
0xa9: {  	[dreg:$0x3] =	wrdreg s4  }
0xaa: {  	[dreg:$0x4] =	wrdreg $0xC0  }
0xab: {  	_ =	task [dreg:s6], $0x5FFFF  }
0xac: {  	[dreg:$0x1] =	wrdreg $0xFFFFFFFF  }
0xad: {  	[dreg:$0x0] =	wrdreg $0x60  }
0xae: {  	[dreg:$0x2] =	wrdreg s24  }
0xaf: {  	[dreg:$0x3] =	wrdreg $0x0  }
0xb0: {  	[dreg:$0x4] =	wrdreg $0x9  }
0xb1: {  	_ =	task.clear_ibuf [dreg:s6], $0x5FFFF;
	_ =	strace $0x90000046  }
0xb2: {  	s29 =	simm.s32 $0x9;
	_ =	strace $0x80000048  }
0xb3: {  	_ =	swait.ge [sflag:s29], $0x1  }
0xb4: {  	[sflag:s29] =	ssyncadd.s32 $0xFFFFFFFF  }
0xb5: {  	_ =	strace $0x90000048  }
0xb6: {  	_ =	sfence  }
0xb7: {  	s30 =	sld [smem:$0x0];
	_ =	sdelay $0x2  }
0xb8: {  	s31 =	sshll.u32 s1, $0xD;
	s1 =	sshrl.u32 s1, $0x2  }
0xb9: {  	s3 =	sand.u32 $0x4000, s31;
	s1 =	sadd.s32 s1, s30  }
0xba: {  	s0 =	sor.u32 s3, s0;
	s1 =	sshll.u32 s1, $0x11  }
0xbb: {  	s0 =	sor.u32 s1, s0  }
0xbc: {  	s0 =	sadd.s32 $0x8F2B, s0  }
0xbd: {  	[sflag:s0] =	ssyncadd.remote.s32 $0x1  }
0xbe: {  	_ =	sfence.sel $0xFFFF  }
0xbf: {  	[dreg:$0x0] =	wrdreg $0xFFFFFFFF;
	(pc) =	sbr.abs _section_cstart, $3  }
0xc0: {  	[dreg:$0x1] =	wrdreg $0xFFFFFFFF  }
0xc1: {  	_ =	task.clear_ibuf [dreg:s6], $0x2FFFF;
	_ =	strace $0x9FFFFFFF  }
0xc2: {  	(tm) =	ssettm $0x7FFFFFFF  }
0xc3: {  	_ =	shalt  }
tec
execute0_lowered:
.L_overlay_start_1:
0x0: {  	(tag) =	ssettag $0x1  }
0x1: {  	s4 =	rddreg [dreg:$0x0]  }
0x2: {  	s0 =	srdreg.scid;
	s2 =	rddreg [dreg:$0x1]  }
0x3: {  	s1 =	rddreg [dreg:$0x2];
	s5 =	sand.u32 $0x1, s0  }
0x4: {  	s3 =	simm.s32 $0x0;
	s0 =	stileid.u32;
	s6 =	smul.u32 $0x27100, s5  }
0x5: {  	s10 =	simm.s32 $0x5000;
	s11 =	simm.s32 $0x28;
	s7 =	smul.u32 $0x2710, s0  }
0x6: {  	s12 =	simm.s32 $0x5028;
	s15 =	simm.s32 $0x0;
	s8 =	smul.u32 $0x2800, s0  }
0x7: {  	[smem:$0x7FF] =	sst s3;
	s9 =	smul.u32 $0x28000, s5;
	s5 =	ssub.s32 $0x2, s5  }
0x8: {  	_ =	strace $0x80000047;
	s13 =	sshll.u32 s0, $0x6;
	s31 =	sshrl.u32 s5, $0x1  }
0x9: {  	s13 =	sor.u32 $0x1C01, s13;
	s6 =	sadd.s32 s7, s6;
	s28 =	sadd.s32 s8, s9  }
0xa: {  	s7 =	ssub.s32 s5, s31;
	s6 =	sshrl.u32 s6, $0x3;
	s30 =	sshrl.u32 s28, $0x3  }
0xb: {  	s9 =	simm.s32 $0x1;
	s29 =	sadd.s32 s6, s4;
	s6 =	sadd.s32 s30, s4  }
0xc: {  	s4 =	sadd.s32 s8, s2;
	s8 =	simm.s32 $0x2800;
	s5 =	sadd.s32 $0x18000, s6  }
0xd: {  	v0 =	vimm.f32 $0.0e+00;
	v1 =	vimm.f32 $1.000000000e+00;
	s6 =	smax.u32 s7, $0x1;
	s7 =	sadd.s32 $0x4400, s29;
	s14 =	sshrl.u32 s4, $0x3  }
.LBB2_1:
0xe: {  	s16 =	simm.s32 $0x40;
	s17 =	simm.s32 $0x0  }
.LBB2_2:
0xf: {  	p0 =	sne.s32 s16, $0x9FC0;
	[tilespmem:s17+$0x2800] =	vst v0;
	s17 =	smov.u32 s16;
	s16 =	sadd.s32 $0x40, s16  }
.Ltmp0:
0x10: {  	(pc) =	sbr.rel @p0 .LBB2_2-.Ltmp0, $2  }
0x11: {  	_ =	sdelay $0x2  }
0x12: {  	s17 =	sshra.s32 s17, $0x2  }
0x13: {  	[tilespmem:s17+$0x2800] =	vst v0  }
0x14: {  	[tilespmem:$0x5028] =	vst v1  }
0x15: {  	[tilespmem:$0x5038] =	vst v1  }
0x16: {  	[tilespmem:$0x5048] =	vst v1  }
0x17: {  	[tilespmem:$0x5058] =	vst v1  }
0x18: {  	[tilespmem:$0x5068] =	vst v1  }
0x19: {  	[tilespmem:$0x5078] =	vst v1  }
0x1a: {  	[tilespmem:$0x5088] =	vst v1  }
0x1b: {  	[tilespmem:$0x5098] =	vst v1  }
0x1c: {  	[tilespmem:$0x50A8] =	vst v1  }
0x1d: {  	[tilespmem:$0x50B8] =	vst v1  }
0x1e: {  	[tilespmem:$0x50C8] =	vst v1  }
0x1f: {  	[tilespmem:$0x50D8] =	vst v1  }
0x20: {  	[tilespmem:$0x50E8] =	vst v1  }
0x21: {  	[tilespmem:$0x50F8] =	vst v1  }
0x22: {  	[tilespmem:$0x5108] =	vst v1  }
0x23: {  	[tilespmem:$0x5118] =	vst v1  }
0x24: {  	[tilespmem:$0x5128] =	vst v1  }
0x25: {  	[tilespmem:$0x5138] =	vst v1  }
0x26: {  	[tilespmem:$0x5148] =	vst v1  }
0x27: {  	[tilespmem:$0x5158] =	vst v1  }
0x28: {  	[tilespmem:$0x5168] =	vst v1  }
0x29: {  	[tilespmem:$0x5178] =	vst v1  }
0x2a: {  	[tilespmem:$0x5188] =	vst v1  }
0x2b: {  	[tilespmem:$0x5198] =	vst v1  }
0x2c: {  	[tilespmem:$0x51A8] =	vst v1  }
0x2d: {  	[tilespmem:$0x51B8] =	vst v1  }
0x2e: {  	[tilespmem:$0x51C8] =	vst v1  }
0x2f: {  	[tilespmem:$0x51D8] =	vst v1  }
0x30: {  	[tilespmem:$0x51E8] =	vst v1  }
0x31: {  	[tilespmem:$0x51F8] =	vst v1  }
0x32: {  	[tilespmem:$0x5208] =	vst v1  }
0x33: {  	[tilespmem:$0x5218] =	vst v1  }
0x34: {  	[tilespmem:$0x5228] =	vst v1  }
0x35: {  	[tilespmem:$0x5238] =	vst v1  }
0x36: {  	[tilespmem:$0x5248] =	vst v1  }
0x37: {  	[tilespmem:$0x5258] =	vst v1  }
0x38: {  	[tilespmem:$0x5268] =	vst v1  }
0x39: {  	[tilespmem:$0x5278] =	vst v1  }
0x3a: {  	[tilespmem:$0x5288] =	vst v1  }
0x3b: {  	[tilespmem:$0x5298] =	vst v1  }
0x3c: {  	[spmem:s4] =	stream.linear.scatter [tilespmem:s8], [sflag:$0x1], $0x2800, $0x38;
	[tilespmem:$0x52A8] =	vst v63  }
0x3d: {  	_ =	swait.ge [sflag:s9], $0x2800  }
0x3e: {  	[sflag:s9] =	ssyncset.done $0x0  }
0x3f: {  	[sflag:s9] =	ssyncadd.s32 $0xFFFFD800  }
0x40: {  	s16 =	sadd.s32 $0x0, s7;
	[bflag:$0x0] =	sbarrier.arrive $0xFFFF  }
0x41: {  	[tilespmem:s10], [sflag:$0x1] =	stream.linear.gather [hbm4b:s16+s3], $0x28, $0x38;
	[tilespmem:$0x52A8] =	vst v63  }
0x42: {  	_ =	swait.ge [sflag:s9], $0x28  }
0x43: {  	[sflag:s9] =	ssyncset.done $0x0  }
0x44: {  	[sflag:s9] =	ssyncadd.s32 $0xFFFFFFD8  }
0x45: {  	[spmem:s2] =	stream.indirect.scatter.add.f32 [tilespmem:s12], [sflag:$0x1], $0x10, s10, s11, $0xb8;
	[tilespmem:$0x52A8] =	vst v63  }
0x46: {  	_ =	swait.ge [sflag:s9], $0x280  }
0x47: {  	s17 =	simm.s32 $0xA;
	s16 =	simm.s32 $0x5;
	[sflag:s9] =	ssyncset.done $0x0  }
.LBB2_4:
0x48: {  	s18 =	sadd.s32 s16, s7  }
0x49: {  	[sflag:s9] =	ssyncadd.s32 $0xFFFFFD80;
	s16 =	smov.u32 s17;
	s19 =	sadd.s32 $0x5, s17  }
0x4a: {  	[tilespmem:s10], [sflag:$0x1] =	stream.linear.gather [hbm4b:s18+s3], $0x28, $0x38;
	[tilespmem:$0x52A8] =	vst v63  }
0x4b: {  	p0 =	sne.s32 s17, $0x4DD;
	_ =	swait.ge [sflag:s9], $0x28  }
.Ltmp1:
0x4c: {  	[sflag:s9] =	ssyncset.done $0x0;
	(pc) =	sbr.rel @p0 .LBB2_4-.Ltmp1, $4  }
0x4d: {  	[sflag:s9] =	ssyncadd.s32 $0xFFFFFFD8  }
0x4e: {  	[spmem:s2] =	stream.indirect.scatter.add.f32 [tilespmem:s12], [sflag:$0x1], $0x10, s10, s11, $0xb8;
	[tilespmem:$0x52A8] =	vst v63  }
0x4f: {  	_ =	swait.ge [sflag:s9], $0x280  }
0x50: {  	s17 =	smov.u32 s19;
	[sflag:s9] =	ssyncset.done $0x0  }
0x51: {  	s16 =	sadd.s32 s16, s7;
	[sflag:s9] =	ssyncadd.s32 $0xFFFFFD80  }
0x52: {  	[tilespmem:s10], [sflag:$0x1] =	stream.linear.gather [hbm4b:s16+s3], $0x28, $0x38;
	[tilespmem:$0x52A8] =	vst v63  }
0x53: {  	_ =	swait.ge [sflag:s9], $0x28  }
0x54: {  	[sflag:s9] =	ssyncset.done $0x0  }
0x55: {  	[sflag:s9] =	ssyncadd.s32 $0xFFFFFFD8  }
0x56: {  	[spmem:s2] =	stream.indirect.scatter.add.f32 [tilespmem:s12], [sflag:$0x1], $0x10, s10, s11, $0xb8;
	[tilespmem:$0x52A8] =	vst v63  }
0x57: {  	_ =	swait.ge [sflag:s9], $0x280  }
0x58: {  	s15 =	sadd.s32 $0x1, s15;
	[sflag:s9] =	ssyncset.done $0x0  }
0x59: {  	p0 =	sne.s32 s15, s6;
	[sflag:s9] =	ssyncadd.s32 $0xFFFFFD80  }
.Ltmp2:
0x5a: {  	[bflag:$0x0] =	sbarrier.arrive $0xFFFF;
	(pc) =	sbr.rel @p0 .LBB2_1-.Ltmp2, $4  }
0x5b: {  	[hbm:s5], [sflag:s13] =	dma.local [spmem:s14], $0x500  }
0x5c: {  	_ =	swait.ge [sflag:s9], $0x500  }
0x5d: {  	[sflag:s9] =	ssyncset.done $0x0  }
0x5e: {  	[sflag:s9] =	ssyncadd.s32 $0xFFFFFB00  }
0x5f: {  	_ =	sfence.sel $0x180000  }
0x60: {  	[bflag:$0x0] =	sbarrier.arrive $0xFFFF  }
0x61: {  	p0 =	sne.s32 s0, $0x0;
	_ =	strace $0x90000047  }
0x62: {  	s0 =	sadd.s32 @!p0 $0x100000, s1;
	[bflag:$0x2] =	sbarrier.arrive $0xFFFF  }
0x63: {  	[sflag:s0] =	ssyncadd.tile.s32 @!p0 $0x1;
	_ =	shalt  }
.Lfunc_end2:
_tile_overlayer_lowered:
.L_overlay_start_2:
0x64: {  	(tag) =	ssettag $0x2  }
0x65: {  	s0 =	rddreg [dreg:$0x0];
	s2 =	stileid.u32  }
0x66: {  	s1 =	rddreg [dreg:$0x1];
	p0 =	sne.s32 s2, $0x0  }
0x67: {  	s3 =	rddreg [dreg:$0x2];
	[bflag:$0x3] =	sbarrier.arrive $0xFFFF;
	s2 =	simm.s32 @!p0 $0x1C01  }
0x68: {  	[timem:s3], [sflag:s2] =	dma.local @!p0 [hbm:s0], s1  }
0x69: {  	s0 =	simm.s32 @!p0 $0x1  }
0x6a: {  	_ =	swait.ge @!p0 [sflag:s0], s1  }
0x6b: {  	s1 =	ssub.s32 @!p0 $0x0, s1;
	[sflag:s0] =	ssyncset.done @!p0 $0x0  }
0x6c: {  	[sflag:s0] =	ssyncadd.s32 @!p0 s1  }
0x6d: {  	[bflag:$0x3] =	sbarrier.arrive $0xFFFF  }
0x6e: {  	_ =	shalt  }

// kernel: genconv_sc_msg.11.cloned.1.call-start
scs
__scs_entry_jumppad:
0x0: {  	(pc) =	sbr.rel $0x88, $3  }
0x1: {  	(tag) =	ssettag $0x0;
	lr =	simm.s32 $0x1  }
0x2: {  	[smem:$0x3F8D] =	sst lr;
	_ =	strace $0xD0000000  }
0x3: {  	_ = 	snop  }
0x4: {  	_ = 	snop  }
0x5: {  	_ = 	snop  }
0x6: {  	_ = 	snop  }
0x7: {  	_ = 	snop  }
__scs_overlays_trampoline_lowered:
0x8: {  	[smem:$0x3F9C] =	sst s0  }
0x9: {  	[smem:$0x3F9D] =	sst s1  }
0xa: {  	[smem:$0x3F9E] =	sst s2  }
0xb: {  	[smem:$0x3F9F] =	sst s3  }
0xc: {  	[smem:$0x3FA0] =	sst s4  }
0xd: {  	[smem:$0x3FA1] =	sst s5  }
0xe: {  	[smem:$0x3FA2] =	sst s6  }
0xf: {  	[smem:$0x3FA3] =	sst s7  }
0x10: {  	[smem:$0x3FA4] =	sst s8  }
0x11: {  	[smem:$0x3FA5] =	sst s9;
	s0 =	simm.s32 @!p0 $0x0  }
0x12: {  	s1 =	sld [smem:$0x3F8B];
	s0 =	simm.s32 @p0 $0x1  }
0x13: {  	[smem:$0x3FA6] =	sst s0;
	s0 =	simm.s32 @!p1 $0x0  }
0x14: {  	s2 =	sld [smem:$0x3F8A];
	s0 =	simm.s32 @p1 $0x1  }
0x15: {  	[smem:$0x3FA7] =	sst s0;
	s0 =	simm.s32 @!p2 $0x0  }
0x16: {  	s3 =	sld [smem:$0x3FDB];
	s0 =	simm.s32 @p2 $0x1  }
0x17: {  	s4 =	simm.s32 $0x1BF5;
	[smem:$0x3FA9] =	sst s0  }
0x18: {  	s0 =	sld [smem:$0x3F8C];
	_ =	swait.ge [sflag:s4], $0x0  }
0x19: {  	s7 =	sld [smem:$0x3F8D]  }
0x1a: {  	s8 =	sadd.s32 $0xFFFFE003, lr  }
0x1b: {  	s9 =	sadd.s32 $0xFFFFFEF7, lr;
	s5 =	simm.s32 $0xFFFFFFFF;
	p2 =	slt.u32 s8, $0xFFFFF086  }
0x1c: {  	p1 =	slt.u32 s9, $0xF7A;
	s5 =	simm.s32 @!p2 $0x0  }
0x1d: {  	s5 =	simm.s32 @p1 $0x1;
	p0 =	seq.s32 s7, s2  }
0x1e: {  	s7 =	smul.u32 @!p0 $0xF7A, s2;
	p2 =	seq.s32 @!p0 s5, $0x0  }
0x1f: {  	s9 =	smul.u32 $0xF7A, s1;
	s8 =	simm.s32 @!p0 $0x1BF5;
	p2 =	por !p2, p0  }
0x20: {  	[sflag:s8] =	ssyncset.s32 @!p0 $0xFFFFF086;
	s6 =	sadd.s32 @!p0 s3, s7;
	s7 =	simm.s32 @!p0 $0x108  }
0x21: {  	s3 =	sadd.s32 s3, s9;
	s6 =	sadd.s32 @!p0 $0x88, s6;
	s7 =	simm.s32 @p2 $0x1082  }
0x22: {  	[simem:s7], [sflag:s8] =	dma.local @!p0 [hbm:s6], $0xF7A  }
0x23: {  	s9 =	sor.u32 $0xD0000000, s2;
	s6 =	simm.s32 $0x108;
	_ =	swait.ge @!p0 [sflag:s8], $0x0  }
0x24: {  	s3 =	sadd.s32 $0x88, s3;
	s6 =	simm.s32 @!p1 $0x1082;
	[sflag:s4] =	ssyncset.s32 $0xFFFFF086  }
0x25: {  	[simem:s6], [sflag:s4] =	dma.local [hbm:s3], $0xF7A  }
0x26: {  	[smem:$0x3F8D] =	sst s1;
	(tag) =	ssettag s2;
	_ =	strace s9  }
0x27: {  	s1 =	sld [smem:$0x3F9D]  }
0x28: {  	s2 =	sld [smem:$0x3F9E]  }
0x29: {  	s4 =	sld [smem:$0x3FA0]  }
0x2a: {  	p0 =	seq.s32 s5, $0x0;
	s5 =	sld [smem:$0x3FA1]  }
0x2b: {  	s6 =	sld [smem:$0x3FA2]  }
0x2c: {  	s7 =	sld [smem:$0x3FA3]  }
0x2d: {  	s3 =	simm.s32 $0x108;
	s8 =	sld [smem:$0x3FA4]  }
0x2e: {  	s3 =	simm.s32 @!p0 $0x1082;
	s9 =	sld [smem:$0x3FA5]  }
0x2f: {  	lr =	sadd.s32 s0, s3;
	s0 =	sld [smem:$0x3F9C]  }
0x30: {  	s3 =	sld [smem:$0x3F9F]  }
0x31: {  	[smem:$0x3FA8] =	sst s10  }
0x32: {  	s10 =	sld [smem:$0x3FA6];
	_ =	sdelay $0x3  }
0x33: {  	p0 =	seq.s32 s10, $0x1;
	s10 =	sld [smem:$0x3FA8];
	_ =	sdelay $0x3  }
0x34: {  	[smem:$0x3FA8] =	sst s10  }
0x35: {  	s10 =	sld [smem:$0x3FA7];
	_ =	sdelay $0x3  }
0x36: {  	p1 =	seq.s32 s10, $0x1;
	s10 =	sld [smem:$0x3FA8];
	_ =	sdelay $0x3  }
0x37: {  	[smem:$0x3FA8] =	sst s10  }
0x38: {  	s10 =	sld [smem:$0x3FA9]  }
0x39: {  	_ = 	snop;
	(pc) =	sbr.ind lr, $3  }
0x3a: {  	_ = 	snop  }
0x3b: {  	_ = 	snop  }
0x3c: {  	p2 =	seq.s32 s10, $0x1;
	s10 =	sld [smem:$0x3FA8]  }
0x3d: {  	_ =	shalt  }
0x3e: {  	_ =	shalt  }
0x3f: {  	_ =	shalt  }
0x40: {  	_ =	shalt  }
0x41: {  	_ =	shalt  }
0x42: {  	_ =	shalt  }
0x43: {  	_ =	shalt  }
0x44: {  	_ =	shalt  }
0x45: {  	_ =	shalt  }
0x46: {  	_ =	shalt  }
0x47: {  	_ =	shalt  }
0x48: {  	_ =	shalt  }
0x49: {  	_ =	shalt  }
0x4a: {  	_ =	shalt  }
0x4b: {  	_ =	shalt  }
0x4c: {  	_ =	shalt  }
0x4d: {  	_ =	shalt  }
0x4e: {  	_ =	shalt  }
0x4f: {  	_ =	shalt  }
0x50: {  	_ =	shalt  }
0x51: {  	_ =	shalt  }
0x52: {  	_ =	shalt  }
0x53: {  	_ =	shalt  }
0x54: {  	_ =	shalt  }
0x55: {  	_ =	shalt  }
0x56: {  	_ =	shalt  }
0x57: {  	_ =	shalt  }
0x58: {  	_ =	shalt  }
0x59: {  	_ =	shalt  }
0x5a: {  	_ =	shalt  }
0x5b: {  	_ =	shalt  }
0x5c: {  	_ =	shalt  }
0x5d: {  	_ =	shalt  }
0x5e: {  	_ =	shalt  }
0x5f: {  	_ =	shalt  }
0x60: {  	_ =	shalt  }
0x61: {  	_ =	shalt  }
0x62: {  	_ =	shalt  }
0x63: {  	_ =	shalt  }
0x64: {  	_ =	shalt  }
0x65: {  	_ =	shalt  }
0x66: {  	_ =	shalt  }
0x67: {  	_ =	shalt  }
0x68: {  	_ =	shalt  }
0x69: {  	_ =	shalt  }
0x6a: {  	_ =	shalt  }
0x6b: {  	_ =	shalt  }
0x6c: {  	_ =	shalt  }
0x6d: {  	_ =	shalt  }
0x6e: {  	_ =	shalt  }
0x6f: {  	_ =	shalt  }
0x70: {  	_ =	shalt  }
0x71: {  	_ =	shalt  }
0x72: {  	_ =	shalt  }
0x73: {  	_ =	shalt  }
0x74: {  	_ =	shalt  }
0x75: {  	_ =	shalt  }
0x76: {  	_ =	shalt  }
0x77: {  	_ =	shalt  }
0x78: {  	_ =	shalt  }
0x79: {  	_ =	shalt  }
0x7a: {  	_ =	shalt  }
0x7b: {  	_ =	shalt  }
0x7c: {  	_ =	shalt  }
0x7d: {  	_ =	shalt  }
0x7e: {  	_ =	shalt  }
0x7f: {  	_ =	shalt  }
0x80: {  	_ =	shalt  }
0x81: {  	_ =	shalt  }
0x82: {  	_ =	shalt  }
0x83: {  	_ =	shalt  }
0x84: {  	_ =	shalt  }
0x85: {  	_ =	shalt  }
0x86: {  	_ =	shalt  }
0x87: {  	_ =	shalt  }
.Lfunc_end0:
.L_simem_size_0:
called_computation.3_lowered:
.L_overlay_start_0:
0x88: {  	s2 =	sld [smem:$0x3FD9]  }
0x89: {  	s3 =	sld [smem:$0x3FFE];
	_ =	sdelay $0x1  }
0x8a: {  	s1 =	srdreg.scid  }
0x8b: {  	s0 =	sand.u32 $0x1, s1  }
0x8c: {  	s16 =	sshll.u32 s0, $0xA;
	s2 =	sadd.s32 s3, s2  }
0x8d: {  	s2 =	sadd.s32 s2, s16  }
0x8e: {  	[smem:$0x3FB4] =	sst s2  }
0x8f: {  	_ = 	snop  }
0x90: {  	(tm) =	ssettm $0x1  }
0x91: {  	s17 =	sld [smem:$0x3FFB];
	_ =	sdelay $0x3  }
0x92: {  	_ =	strace s17  }
0x93: {  	s2 =	sld [smem:$0x3FFC];
	_ =	sdelay $0x3  }
0x94: {  	_ =	strace s2  }
0x95: {  	s2 =	sld [smem:$0x3FFD];
	_ =	sdelay $0x3  }
0x96: {  	_ =	strace s2  }
0x97: {  	_ =	strace $0x8FFFFFFF  }
0x98: {  	s18 =	sld [smem:$0x3FDB];
	_ =	sdelay $0x1  }
0x99: {  	s19 =	simm.s32 $_scs_section_size  }
0x9a: {  	s4 =	simm.s32 $_size__tile_overlayer_lowered;
	s5 =	simm.s32 $_tile_overlayer_lowered  }
0x9b: {  	s22 =	simm.s32 $0x1BFF;
	s21 =	sshll.u32 s5, $0x1;
	s2 =	sadd.s32 s19, s18  }
0x9c: {  	s6 =	simm.s32 $0x0;
	s20 =	sshll.u32 s4, $0x1;
	s4 =	sadd.s32 s21, s2  }
0x9d: {  	[timem:s6], [sflag:s22] =	dma.local [hbm:s4], s20  }
0x9e: {  	_ =	swait.ge [sflag:s22], s20  }
0x9f: {  	s3 =	ssub.s32 $0x0, s20;
	[sflag:s22] =	ssyncset.done $0x0  }
0xa0: {  	[sflag:s22] =	ssyncadd.s32 s3;
	_ =	sdelay $0x1  }
0xa1: {  	s23 =	simm.s32 $0x1B8B  }
0xa2: {  	_ =	swait.ge [sflag:s23], $0x1  }
0xa3: {  	[sflag:s23] =	ssyncset.done $0x0  }
0xa4: {  	s25 =	simm.s32 $0x1B8E;
	s24 =	sld [smem:$0x3FFE];
	[sflag:s23] =	ssyncadd.s32 $0xFFFFFFFF  }
0xa5: {  	s26 =	simm.s32 $execute0_lowered;
	[smem:$0x3FD2] =	sst s25  }
0xa6: {  	s4 =	sshll.u32 s26, $0x1;
	_ =	strace $0x8000004F;
	[dreg:$0x1] =	wrdreg $0xFFFFFFFF  }
0xa7: {  	s28 =	simm.s32 $_size_execute0_lowered;
	s2 =	sadd.s32 s2, s4;
	[dreg:$0x0] =	wrdreg $0x0  }
0xa8: {  	s4 =	sshll.u32 s28, $0x1;
	[dreg:$0x2] =	wrdreg s2  }
0xa9: {  	[dreg:$0x3] =	wrdreg s4  }
0xaa: {  	[dreg:$0x4] =	wrdreg $0xC0  }
0xab: {  	_ =	task [dreg:s6], $0x5FFFF  }
0xac: {  	[dreg:$0x1] =	wrdreg $0xFFFFFFFF  }
0xad: {  	[dreg:$0x0] =	wrdreg $0x60  }
0xae: {  	[dreg:$0x2] =	wrdreg s24  }
0xaf: {  	[dreg:$0x3] =	wrdreg $0x0  }
0xb0: {  	[dreg:$0x4] =	wrdreg $0x9  }
0xb1: {  	_ =	task.clear_ibuf [dreg:s6], $0x5FFFF;
	_ =	strace $0x9000004F  }
0xb2: {  	s29 =	simm.s32 $0x9;
	_ =	strace $0x80000051  }
0xb3: {  	_ =	swait.ge [sflag:s29], $0x1  }
0xb4: {  	[sflag:s29] =	ssyncadd.s32 $0xFFFFFFFF  }
0xb5: {  	_ =	strace $0x90000051  }
0xb6: {  	_ =	sfence  }
0xb7: {  	s30 =	sld [smem:$0x0];
	_ =	sdelay $0x2  }
0xb8: {  	s31 =	sshll.u32 s1, $0xD;
	s1 =	sshrl.u32 s1, $0x2  }
0xb9: {  	s3 =	sand.u32 $0x4000, s31;
	s1 =	sadd.s32 s1, s30  }
0xba: {  	s0 =	sor.u32 s3, s0;
	s1 =	sshll.u32 s1, $0x11  }
0xbb: {  	s0 =	sor.u32 s1, s0  }
0xbc: {  	s0 =	sadd.s32 $0x8F2B, s0  }
0xbd: {  	[sflag:s0] =	ssyncadd.remote.s32 $0x1  }
0xbe: {  	_ =	sfence.sel $0xFFFF  }
0xbf: {  	[dreg:$0x0] =	wrdreg $0xFFFFFFFF;
	(pc) =	sbr.abs _section_cstart, $3  }
0xc0: {  	[dreg:$0x1] =	wrdreg $0xFFFFFFFF  }
0xc1: {  	_ =	task.clear_ibuf [dreg:s6], $0x2FFFF;
	_ =	strace $0x9FFFFFFF  }
0xc2: {  	(tm) =	ssettm $0x7FFFFFFF  }
0xc3: {  	_ =	shalt  }
tec
execute0_lowered:
.L_overlay_start_1:
0x0: {  	(tag) =	ssettag $0x1  }
0x1: {  	s0 =	rddreg [dreg:$0x0]  }
0x2: {  	s2 =	rddreg [dreg:$0x1]  }
0x3: {  	s16 =	stileid.u32;
	s1 =	srdreg.scid;
	s3 =	simm.s32 $0x0  }
0x4: {  	s13 =	simm.s32 $0x13880;
	s14 =	simm.s32 $0x7;
	s18 =	simm.s32 $0x28  }
0x5: {  	s21 =	simm.s32 $0x19AA0;
	s22 =	simm.s32 $0x1AEA0;
	s28 =	simm.s32 $0x4  }
0x6: {  	s29 =	simm.s32 $0x6;
	s30 =	simm.s32 $0x0;
	s7 =	smul.u32 $0x2700, s16  }
0x7: {  	s1 =	sand.u32 $0x1, s1;
	s9 =	smul.u32 $0x13800, s16;
	[smem:$0x7FF] =	sst s3  }
0x8: {  	s6 =	sadd.s32 $0xEC8000, s0;
	s31 =	sshll.u32 s16, $0x6;
	s4 =	sshll.u32 s1, $0x4  }
0x9: {  	s10 =	smul.u32 $0x138800, s1;
	_ =	strace $0x80000050;
	s1 =	ssub.s32 $0x2, s1  }
0xa: {  	s8 =	sor.u32 s16, s4;
	s4 =	sadd.s32 $0x49200, s0;
	s11 =	sadd.s32 s7, s0  }
0xb: {  	s25 =	sshrl.u32 s1, $0x1;
	s15 =	sadd.s32 s9, s2;
	s16 =	sor.u32 $0x1C07, s31  }
0xc: {  	s5 =	smul.u32 $0x2710, s8;
	s23 =	sadd.s32 s10, s9;
	s1 =	ssub.s32 s1, s25  }
0xd: {  	s12 =	smul.u32 $0x27100, s8;
	s9 =	sadd.s32 $0x22000, s11;
	s17 =	sshrl.u32 s15, $0x3  }
.Ltmp0:
0xe: {  	s25 =	simm.s32 $0x3;
	s24 =	sshrl.u32 s5, $0x3;
	(pc) =	sbr.rel .LBB2_1-.Ltmp0, $4  }
0xf: {  	s7 =	sshrl.u32 s23, $0x3;
	s23 =	simm.s32 $0x1C2A0;
	s10 =	sadd.s32 s24, s0  }
0x10: {  	s0 =	sadd.s32 s7, s0;
	s24 =	simm.s32 $0x1;
	s26 =	sadd.s32 $0xE200, s10  }
0x11: {  	s8 =	sadd.s32 $0x4400, s10;
	s10 =	sadd.s32 s6, s12;
	s11 =	sadd.s32 $0xBE600, s0  }
0x12: {  	s12 =	smax.u32 s1, $0x1;
	[dreg:$0x3] =	wrdreg s26;
	s26 =	simm.s32 $0x2  }
.LBB2_8:
0x13: {  	_ =	swait.ge [sflag:s29], $0x1400  }
0x14: {  	s30 =	sadd.s32 $0x1, s30;
	[sflag:s29] =	ssyncset.done $0x0  }
0x15: {  	p0 =	sne.s32 s30, s12;
	[sflag:s29] =	ssyncadd.s32 $0xFFFFEC00  }
.Ltmp1:
0x16: {  	[bflag:$0x0] =	sbarrier.arrive $0xFFFF;
	(pc) =	sbr.rel @!p0 .LBB2_9-.Ltmp1, $4  }
0x17: {  	[hbm:s11], [sflag:s16] =	dma.local [spmem:s17], $0x2800  }
0x18: {  	_ =	swait.ge [sflag:s14], $0x2800  }
0x19: {  	[sflag:s14] =	ssyncset.done $0x0  }
0x1a: {  	[sflag:s14] =	ssyncadd.s32 $0xFFFFD800  }
.LBB2_1:
0x1b: {  	s0 =	rddreg [dreg:$0x3]  }
0x1c: {  	[tilespmem:s13], [sflag:$0x7] =	stream.linear.gather [hbm4b:s0+s3], $0x2710, $0x38;
	[tilespmem:$0x1D6A0] =	vst v63  }
0x1d: {  	_ =	swait.ge [sflag:s14], $0x2710  }
0x1e: {  	[sflag:s14] =	ssyncset.done $0x0  }
0x1f: {  	s15 =	simm.s32 $0x15F90;
	[sflag:s14] =	ssyncadd.s32 $0xFFFFD8F0  }
0x20: {  	[tilespmem:s15], [sflag:$0x7] =	stream.linear.gather [hbm4b:s8+s3], $0x2710, $0x38;
	[tilespmem:$0x1D6A0] =	vst v63  }
0x21: {  	_ =	swait.ge [sflag:s14], $0x2710  }
0x22: {  	[sflag:s14] =	ssyncset.done $0x0  }
0x23: {  	[sflag:s14] =	ssyncadd.s32 $0xFFFFD8F0  }
0x24: {  	[spmem:s17], [sflag:s16] =	dma.local [hbm:s9], $0x2800  }
0x25: {  	_ =	swait.ge [sflag:s14], $0x2800  }
0x26: {  	[sflag:s14] =	ssyncset.done $0x0  }
0x27: {  	[sflag:s14] =	ssyncadd.s32 $0xFFFFD800  }
0x28: {  	s19 =	simm.s32 $0x186A0;
	[bflag:$0x0] =	sbarrier.arrive $0xFFFF  }
0x29: {  	[tilespmem:s19], [sflag:$0x1] =	stream.indirect.gather [hbm4b:s4+s18], $0x80, s13, s18, $0xb8;
	[tilespmem:$0x1D6A0] =	vst v63  }
0x2a: {  	s20 =	simm.s32 $0x138A8  }
0x2b: {  	[tilespmem:s21], [sflag:$0x2] =	stream.indirect.gather [hbm4b:s4+s18], $0x80, s20, s18, $0xb8;
	[tilespmem:$0x1D6A0] =	vst v63  }
0x2c: {  	s31 =	simm.s32 $0x0  }
0x2d: {  	[tilespmem:s22], [sflag:$0x3] =	stream.linear.gather [hbm4b:s10+s3], $0x1400, $0x38;
	[tilespmem:$0x1D6A0] =	vst v63  }
.LBB2_2:
0x2e: {  	s15 =	sshll.u32 s31, $0x1  }
0x2f: {  	s0 =	sor.u32 $0x1, s15  }
0x30: {  	s1 =	smul.u32 $0x28, s0  }
0x31: {  	p0 =	seq.s32 s31, $0x0  }
0x32: {  	s19 =	simm.s32 @!p0 $0x6;
	s1 =	sadd.s32 s5, s1  }
0x33: {  	_ =	swait.ge @!p0 [sflag:s19], $0x1400;
	s1 =	sshll.u32 s1, $0x4  }
0x34: {  	[sflag:s19] =	ssyncset.done @!p0 $0x0;
	s1 =	sand.u32 $0x1FFFFF80, s1  }
0x35: {  	s20 =	simm.s32 $0x0;
	[sflag:s19] =	ssyncadd.s32 @!p0 $0xFFFFEC00;
	s1 =	sadd.s32 s6, s1  }
0x36: {  	[tilespmem:s23], [sflag:$0x4] =	stream.linear.gather [hbm4b:s1+s20], $0x1400, $0x38;
	[tilespmem:$0x1D6A0] =	vst v63  }
0x37: {  	_ =	swait.ge [sflag:s24], $0x1400  }
0x38: {  	[sflag:s24] =	ssyncset.done $0x0  }
0x39: {  	[sflag:s24] =	ssyncadd.s32 $0xFFFFEC00  }
0x3a: {  	_ =	swait.ge [sflag:s25], $0x1400  }
0x3b: {  	[sflag:s25] =	ssyncset.done $0x0  }
0x3c: {  	s19 =	simm.s32 $0x0;
	[sflag:s25] =	ssyncadd.s32 $0xFFFFEC00  }
0x3d: {  	v6 =	vld [tilespmem:s19+$0x186A0]  }
0x3e: {  	v11 =	vld [tilespmem:s19+$0x186B0]  }
0x3f: {  	v5 =	vld [tilespmem:s19+$0x186C0]  }
0x40: {  	v4 =	vld [tilespmem:s19+$0x186D0]  }
0x41: {  	v3 =	vld [tilespmem:s19+$0x186E0]  }
0x42: {  	v2 =	vld [tilespmem:s19+$0x186F0]  }
0x43: {  	v1 =	vld [tilespmem:s19+$0x18700]  }
0x44: {  	v0 =	vld [tilespmem:s19+$0x18710]  }
0x45: {  	v12 =	vld [tilespmem:s19+$0x1AEA0]  }
0x46: {  	v13 =	vld [tilespmem:s19+$0x1AEB0]  }
0x47: {  	v10 =	vld [tilespmem:s19+$0x1AEC0]  }
0x48: {  	v9 =	vld [tilespmem:s19+$0x1AED0]  }
0x49: {  	v8 =	vld [tilespmem:s19+$0x1AEE0]  }
0x4a: {  	v7 =	vld [tilespmem:s19+$0x1AEF0];
	v12 =	vadd.f32 v12, v6  }
0x4b: {  	s1 =	simm.s32 $0x200;
	v11 =	vadd.f32 v13, v11;
	v6 =	vld [tilespmem:s19+$0x1AF00]  }
.LBB2_3:
0x4c: {  	s20 =	sshra.s32 s1, $0x2;
	p0 =	sne.s32 s1, $0x4E00;
	v12 =	vmax.f32 v12, $0.0e+00;
	v5 =	vadd.f32 v10, v5;
	v10 =	vld [tilespmem:s19+$0x1AF10]  }
0x4d: {  	v13 =	vld [tilespmem:s20+$0x186A0];
	v12 =	vadd.f32 $1.000000010e-07, v12;
	v11 =	vmax.f32 v11, $0.0e+00;
	v4 =	vadd.f32 v9, v4  }
0x4e: {  	v14 =	vld [tilespmem:s20+$0x186B0];
	v9 =	vadd.f32 $1.000000010e-07, v11;
	v11 =	vmax.f32 v5, $0.0e+00;
	v3 =	vadd.f32 v8, v3  }
0x4f: {  	v5 =	vld [tilespmem:s20+$0x186C0];
	[tilespmem:s19+$0x1AEA0] =	vst v12;
	v8 =	vadd.f32 $1.000000010e-07, v11;
	v11 =	vmax.f32 v4, $0.0e+00;
	v2 =	vadd.f32 v7, v2  }
0x50: {  	v4 =	vld [tilespmem:s20+$0x186D0];
	[tilespmem:s19+$0x1AEB0] =	vst v9;
	v7 =	vadd.f32 $1.000000010e-07, v11;
	v9 =	vmax.f32 v3, $0.0e+00;
	v1 =	vadd.f32 v6, v1  }
0x51: {  	v3 =	vld [tilespmem:s20+$0x186E0];
	[tilespmem:s19+$0x1AEC0] =	vst v8;
	v6 =	vadd.f32 $1.000000010e-07, v9;
	v8 =	vmax.f32 v2, $0.0e+00;
	v0 =	vadd.f32 v10, v0  }
0x52: {  	v2 =	vld [tilespmem:s20+$0x186F0];
	[tilespmem:s19+$0x1AED0] =	vst v7;
	v7 =	vadd.f32 $1.000000010e-07, v8;
	v8 =	vmax.f32 v1, $0.0e+00  }
0x53: {  	v1 =	vld [tilespmem:s20+$0x18700];
	[tilespmem:s19+$0x1AEE0] =	vst v6;
	v6 =	vadd.f32 $1.000000010e-07, v8;
	v8 =	vmax.f32 v0, $0.0e+00  }
0x54: {  	v0 =	vld [tilespmem:s20+$0x18710];
	[tilespmem:s19+$0x1AEF0] =	vst v7;
	v7 =	vadd.f32 $1.000000010e-07, v8  }
0x55: {  	v11 =	vld [tilespmem:s20+$0x1AEA0];
	[tilespmem:s19+$0x1AF00] =	vst v6  }
0x56: {  	v6 =	vld [tilespmem:s20+$0x1AEB0];
	[tilespmem:s19+$0x1AF10] =	vst v7;
	s19 =	smov.u32 s20  }
.Ltmp2:
0x57: {  	v10 =	vld [tilespmem:s19+$0x1AEC0];
	(pc) =	sbr.rel @p0 .LBB2_3-.Ltmp2, $4  }
0x58: {  	v9 =	vld [tilespmem:s19+$0x1AED0]  }
0x59: {  	v8 =	vld [tilespmem:s19+$0x1AEE0]  }
0x5a: {  	v12 =	vadd.f32 v11, v13;
	v7 =	vld [tilespmem:s19+$0x1AEF0]  }
0x5b: {  	s1 =	sadd.s32 $0x200, s1;
	v11 =	vadd.f32 v6, v14;
	v6 =	vld [tilespmem:s19+$0x1AF00]  }
0x5c: {  	v12 =	vmax.f32 v12, $0.0e+00;
	v5 =	vadd.f32 v10, v5;
	v10 =	vld [tilespmem:s19+$0x1AF10]  }
0x5d: {  	v12 =	vadd.f32 $1.000000010e-07, v12;
	v11 =	vmax.f32 v11, $0.0e+00;
	v4 =	vadd.f32 v9, v4  }
0x5e: {  	v9 =	vadd.f32 $1.000000010e-07, v11;
	v5 =	vmax.f32 v5, $0.0e+00;
	v3 =	vadd.f32 v8, v3  }
0x5f: {  	[tilespmem:s19+$0x1AEA0] =	vst v12;
	v5 =	vadd.f32 $1.000000010e-07, v5;
	v4 =	vmax.f32 v4, $0.0e+00;
	v2 =	vadd.f32 v7, v2  }
0x60: {  	[tilespmem:s19+$0x1AEB0] =	vst v9;
	v4 =	vadd.f32 $1.000000010e-07, v4;
	v3 =	vmax.f32 v3, $0.0e+00;
	v1 =	vadd.f32 v6, v1  }
0x61: {  	[tilespmem:s19+$0x1AEC0] =	vst v5;
	v3 =	vadd.f32 $1.000000010e-07, v3;
	v2 =	vmax.f32 v2, $0.0e+00;
	v0 =	vadd.f32 v10, v0  }
0x62: {  	[tilespmem:s19+$0x1AED0] =	vst v4;
	v2 =	vadd.f32 $1.000000010e-07, v2;
	v1 =	vmax.f32 v1, $0.0e+00  }
0x63: {  	s1 =	smul.u32 $0x140, s31;
	[tilespmem:s19+$0x1AEE0] =	vst v3;
	v1 =	vadd.f32 $1.000000010e-07, v1;
	v0 =	vmax.f32 v0, $0.0e+00  }
0x64: {  	[tilespmem:s19+$0x1AEF0] =	vst v2;
	v0 =	vadd.f32 $1.000000010e-07, v0  }
0x65: {  	p0 =	seq.s32 s31, $0x7C;
	s1 =	sshra.s32 s1, $0x2;
	[tilespmem:s19+$0x1AF00] =	vst v1  }
0x66: {  	s15 =	sadd.s32 @!p0 $0x2, s15;
	s20 =	sadd.s32 $0x15F90, s1;
	[tilespmem:s19+$0x1AF10] =	vst v0;
	s19 =	simm.s32 @p0 $0x5  }
0x67: {  	[spmem:s2] =	stream.indirect.scatter.add.f32 [tilespmem:s22], [sflag:$0x5], $0x80, s20, s18, $0xb8;
	[tilespmem:$0x1D6A0] =	vst v63  }
0x68: {  	s20 =	smul.u32 @!p0 $0xA0, s15;
	_ =	swait.ge @p0 [sflag:s19], $0x1400  }
0x69: {  	[sflag:s19] =	ssyncset.done @p0 $0x0  }
0x6a: {  	[sflag:s19] =	ssyncadd.s32 @p0 $0xFFFFEC00;
	s19 =	sshra.s32 @!p0 s20, $0x2  }
0x6b: {  	s7 =	simm.s32 @!p0 $0x186A0;
	s20 =	simm.s32 @!p0 $0x28;
	s19 =	sadd.s32 @!p0 $0x13880, s19  }
0x6c: {  	[tilespmem:s7], [sflag:$0x1] =	stream.indirect.gather @!p0 [hbm4b:s4+s20], $0x80, s19, s20, $0xb8;
	[tilespmem:$0x1D6A0] =	vst v63  }
0x6d: {  	s7 =	smul.u32 @!p0 $0x28, s15;
	_ =	sdelay $0x1  }
0x6e: {  	s15 =	simm.s32 @!p0 $0x5;
	s7 =	sadd.s32 @!p0 s5, s7  }
0x6f: {  	_ =	swait.ge @!p0 [sflag:s15], $0x1400;
	s7 =	sshll.u32 @!p0 s7, $0x4  }
0x70: {  	s19 =	simm.s32 @!p0 $0x1AEA0;
	[sflag:s15] =	ssyncset.done @!p0 $0x0;
	s7 =	sand.u32 @!p0 $0x1FFFFF00, s7  }
0x71: {  	[sflag:s15] =	ssyncadd.s32 @!p0 $0xFFFFEC00;
	s15 =	simm.s32 @!p0 $0x0;
	s7 =	sadd.s32 @!p0 s6, s7  }
0x72: {  	[tilespmem:s19], [sflag:$0x3] =	stream.linear.gather @!p0 [hbm4b:s7+s15], $0x1400, $0x38;
	[tilespmem:$0x1D6A0] =	vst v63  }
0x73: {  	_ =	swait.ge [sflag:s26], $0x1400  }
0x74: {  	[sflag:s26] =	ssyncset.done $0x0  }
0x75: {  	[sflag:s26] =	ssyncadd.s32 $0xFFFFEC00  }
0x76: {  	_ =	swait.ge [sflag:s28], $0x1400  }
0x77: {  	[sflag:s28] =	ssyncset.done $0x0  }
0x78: {  	s15 =	simm.s32 $0x0;
	[sflag:s28] =	ssyncadd.s32 $0xFFFFEC00  }
0x79: {  	v6 =	vld [tilespmem:s15+$0x19AA0]  }
0x7a: {  	v11 =	vld [tilespmem:s15+$0x19AB0]  }
0x7b: {  	v5 =	vld [tilespmem:s15+$0x19AC0]  }
0x7c: {  	v4 =	vld [tilespmem:s15+$0x19AD0]  }
0x7d: {  	v3 =	vld [tilespmem:s15+$0x19AE0]  }
0x7e: {  	v2 =	vld [tilespmem:s15+$0x19AF0]  }
0x7f: {  	v1 =	vld [tilespmem:s15+$0x19B00]  }
0x80: {  	v0 =	vld [tilespmem:s15+$0x19B10]  }
0x81: {  	v12 =	vld [tilespmem:s15+$0x1C2A0]  }
0x82: {  	v13 =	vld [tilespmem:s15+$0x1C2B0]  }
0x83: {  	v10 =	vld [tilespmem:s15+$0x1C2C0]  }
0x84: {  	v9 =	vld [tilespmem:s15+$0x1C2D0]  }
0x85: {  	v8 =	vld [tilespmem:s15+$0x1C2E0]  }
0x86: {  	v7 =	vld [tilespmem:s15+$0x1C2F0];
	v12 =	vadd.f32 v12, v6  }
0x87: {  	s19 =	simm.s32 $0x200;
	v11 =	vadd.f32 v13, v11;
	v6 =	vld [tilespmem:s15+$0x1C300]  }
.LBB2_5:
0x88: {  	s7 =	sshra.s32 s19, $0x2;
	p1 =	sne.s32 s19, $0x4E00;
	v12 =	vmax.f32 v12, $0.0e+00;
	v5 =	vadd.f32 v10, v5;
	v10 =	vld [tilespmem:s15+$0x1C310]  }
0x89: {  	v13 =	vld [tilespmem:s7+$0x19AA0];
	v12 =	vadd.f32 $1.000000010e-07, v12;
	v11 =	vmax.f32 v11, $0.0e+00;
	v4 =	vadd.f32 v9, v4  }
0x8a: {  	v14 =	vld [tilespmem:s7+$0x19AB0];
	v9 =	vadd.f32 $1.000000010e-07, v11;
	v11 =	vmax.f32 v5, $0.0e+00;
	v3 =	vadd.f32 v8, v3  }
0x8b: {  	v5 =	vld [tilespmem:s7+$0x19AC0];
	[tilespmem:s15+$0x1C2A0] =	vst v12;
	v8 =	vadd.f32 $1.000000010e-07, v11;
	v11 =	vmax.f32 v4, $0.0e+00;
	v2 =	vadd.f32 v7, v2  }
0x8c: {  	v4 =	vld [tilespmem:s7+$0x19AD0];
	[tilespmem:s15+$0x1C2B0] =	vst v9;
	v7 =	vadd.f32 $1.000000010e-07, v11;
	v9 =	vmax.f32 v3, $0.0e+00;
	v1 =	vadd.f32 v6, v1  }
0x8d: {  	v3 =	vld [tilespmem:s7+$0x19AE0];
	[tilespmem:s15+$0x1C2C0] =	vst v8;
	v6 =	vadd.f32 $1.000000010e-07, v9;
	v8 =	vmax.f32 v2, $0.0e+00;
	v0 =	vadd.f32 v10, v0  }
0x8e: {  	v2 =	vld [tilespmem:s7+$0x19AF0];
	[tilespmem:s15+$0x1C2D0] =	vst v7;
	v7 =	vadd.f32 $1.000000010e-07, v8;
	v8 =	vmax.f32 v1, $0.0e+00  }
0x8f: {  	v1 =	vld [tilespmem:s7+$0x19B00];
	[tilespmem:s15+$0x1C2E0] =	vst v6;
	v6 =	vadd.f32 $1.000000010e-07, v8;
	v8 =	vmax.f32 v0, $0.0e+00  }
0x90: {  	v0 =	vld [tilespmem:s7+$0x19B10];
	[tilespmem:s15+$0x1C2F0] =	vst v7;
	v7 =	vadd.f32 $1.000000010e-07, v8  }
0x91: {  	v11 =	vld [tilespmem:s7+$0x1C2A0];
	[tilespmem:s15+$0x1C300] =	vst v6  }
0x92: {  	v6 =	vld [tilespmem:s7+$0x1C2B0];
	[tilespmem:s15+$0x1C310] =	vst v7;
	s15 =	smov.u32 s7  }
.Ltmp3:
0x93: {  	v10 =	vld [tilespmem:s15+$0x1C2C0];
	(pc) =	sbr.rel @p1 .LBB2_5-.Ltmp3, $4  }
0x94: {  	v9 =	vld [tilespmem:s15+$0x1C2D0]  }
0x95: {  	v8 =	vld [tilespmem:s15+$0x1C2E0]  }
0x96: {  	v12 =	vadd.f32 v11, v13;
	v7 =	vld [tilespmem:s15+$0x1C2F0]  }
0x97: {  	s19 =	sadd.s32 $0x200, s19;
	v11 =	vadd.f32 v6, v14;
	v6 =	vld [tilespmem:s15+$0x1C300]  }
0x98: {  	v12 =	vmax.f32 v12, $0.0e+00;
	v5 =	vadd.f32 v10, v5;
	v62 =	vld [tilespmem:s15+$0x1C310]  }
0x99: {  	v12 =	vadd.f32 $1.000000010e-07, v12;
	v11 =	vmax.f32 v11, $0.0e+00;
	v4 =	vadd.f32 v9, v4  }
0x9a: {  	v63 =	vadd.f32 $1.000000010e-07, v11;
	v5 =	vmax.f32 v5, $0.0e+00;
	v3 =	vadd.f32 v8, v3  }
0x9b: {  	[tilespmem:s15+$0x1C2A0] =	vst v12;
	v5 =	vadd.f32 $1.000000010e-07, v5;
	v4 =	vmax.f32 v4, $0.0e+00;
	v2 =	vadd.f32 v7, v2  }
0x9c: {  	[tilespmem:s15+$0x1C2B0] =	vst v63;
	v4 =	vadd.f32 $1.000000010e-07, v4;
	v3 =	vmax.f32 v3, $0.0e+00;
	v1 =	vadd.f32 v6, v1  }
0x9d: {  	[tilespmem:s15+$0x1C2C0] =	vst v5;
	v3 =	vadd.f32 $1.000000010e-07, v3;
	v2 =	vmax.f32 v2, $0.0e+00;
	v0 =	vadd.f32 v62, v0  }
0x9e: {  	s0 =	smul.u32 $0xA0, s0;
	[tilespmem:s15+$0x1C2D0] =	vst v4;
	v2 =	vadd.f32 $1.000000010e-07, v2;
	v1 =	vmax.f32 v1, $0.0e+00  }
.Ltmp4:
0x9f: {  	[tilespmem:s15+$0x1C2E0] =	vst v3;
	v1 =	vadd.f32 $1.000000010e-07, v1;
	v0 =	vmax.f32 v0, $0.0e+00;
	(pc) =	sbr.rel @p0 .LBB2_8-.Ltmp4, $4  }
0xa0: {  	[tilespmem:s15+$0x1C2F0] =	vst v2;
	v0 =	vadd.f32 $1.000000010e-07, v0  }
0xa1: {  	s0 =	sshra.s32 s0, $0x2;
	[tilespmem:s15+$0x1C300] =	vst v1  }
0xa2: {  	s0 =	sadd.s32 $0x15F90, s0;
	[tilespmem:s15+$0x1C310] =	vst v0  }
0xa3: {  	[spmem:s2] =	stream.indirect.scatter.add.f32 [tilespmem:s23], [sflag:$0x6], $0x80, s0, s18, $0xb8;
	[tilespmem:$0x1D6A0] =	vst v63  }
.Ltmp5:
0xa4: {  	(pc) =	sbr.rel .LBB2_2-.Ltmp5, $3  }
0xa5: {  	_ =	sdelay $0x1  }
0xa6: {  	s0 =	sadd.s32 $0x138F8, s1;
	s31 =	sadd.s32 $0x1, s31  }
0xa7: {  	[tilespmem:s21], [sflag:$0x2] =	stream.indirect.gather [hbm4b:s4+s18], $0x80, s0, s18, $0xb8;
	[tilespmem:$0x1D6A0] =	vst v63  }
.LBB2_9:
0xa8: {  	_ =	sfence.sel $0x180000  }
0xa9: {  	[bflag:$0x0] =	sbarrier.arrive $0xFFFF  }
0xaa: {  	_ =	strace $0x90000050  }
0xab: {  	s0 =	stileid.u32;
	[bflag:$0x2] =	sbarrier.arrive $0xFFFF  }
0xac: {  	p0 =	sne.s32 s0, $0x0;
	s0 =	rddreg [dreg:$0x2]  }
0xad: {  	s0 =	sadd.s32 @!p0 $0x100000, s0  }
0xae: {  	[sflag:s0] =	ssyncadd.tile.s32 @!p0 $0x1;
	_ =	shalt  }
.Lfunc_end2:
_tile_overlayer_lowered:
.L_overlay_start_2:
0xaf: {  	(tag) =	ssettag $0x2  }
0xb0: {  	s0 =	rddreg [dreg:$0x0];
	s2 =	stileid.u32  }
0xb1: {  	s1 =	rddreg [dreg:$0x1];
	p0 =	sne.s32 s2, $0x0  }
0xb2: {  	s3 =	rddreg [dreg:$0x2];
	[bflag:$0x3] =	sbarrier.arrive $0xFFFF;
	s2 =	simm.s32 @!p0 $0x1C07  }
0xb3: {  	[timem:s3], [sflag:s2] =	dma.local @!p0 [hbm:s0], s1  }
0xb4: {  	s0 =	simm.s32 @!p0 $0x7  }
0xb5: {  	_ =	swait.ge @!p0 [sflag:s0], s1  }
0xb6: {  	s1 =	ssub.s32 @!p0 $0x0, s1;
	[sflag:s0] =	ssyncset.done @!p0 $0x0  }
0xb7: {  	[sflag:s0] =	ssyncadd.s32 @!p0 s1  }
0xb8: {  	[bflag:$0x3] =	sbarrier.arrive $0xFFFF  }
0xb9: {  	_ =	shalt  }

// kernel: genconv_sc_msg.5.cloned.1.call-start
scs
__scs_entry_jumppad:
0x0: {  	(pc) =	sbr.rel $0x88, $3  }
0x1: {  	(tag) =	ssettag $0x0;
	lr =	simm.s32 $0x1  }
0x2: {  	[smem:$0x3F8D] =	sst lr;
	_ =	strace $0xD0000000  }
0x3: {  	_ = 	snop  }
0x4: {  	_ = 	snop  }
0x5: {  	_ = 	snop  }
0x6: {  	_ = 	snop  }
0x7: {  	_ = 	snop  }
__scs_overlays_trampoline_lowered:
0x8: {  	[smem:$0x3F9C] =	sst s0  }
0x9: {  	[smem:$0x3F9D] =	sst s1  }
0xa: {  	[smem:$0x3F9E] =	sst s2  }
0xb: {  	[smem:$0x3F9F] =	sst s3  }
0xc: {  	[smem:$0x3FA0] =	sst s4  }
0xd: {  	[smem:$0x3FA1] =	sst s5  }
0xe: {  	[smem:$0x3FA2] =	sst s6  }
0xf: {  	[smem:$0x3FA3] =	sst s7  }
0x10: {  	[smem:$0x3FA4] =	sst s8  }
0x11: {  	[smem:$0x3FA5] =	sst s9;
	s0 =	simm.s32 @!p0 $0x0  }
0x12: {  	s1 =	sld [smem:$0x3F8B];
	s0 =	simm.s32 @p0 $0x1  }
0x13: {  	[smem:$0x3FA6] =	sst s0;
	s0 =	simm.s32 @!p1 $0x0  }
0x14: {  	s2 =	sld [smem:$0x3F8A];
	s0 =	simm.s32 @p1 $0x1  }
0x15: {  	[smem:$0x3FA7] =	sst s0;
	s0 =	simm.s32 @!p2 $0x0  }
0x16: {  	s3 =	sld [smem:$0x3FDB];
	s0 =	simm.s32 @p2 $0x1  }
0x17: {  	s4 =	simm.s32 $0x1BF5;
	[smem:$0x3FA9] =	sst s0  }
0x18: {  	s0 =	sld [smem:$0x3F8C];
	_ =	swait.ge [sflag:s4], $0x0  }
0x19: {  	s7 =	sld [smem:$0x3F8D]  }
0x1a: {  	s8 =	sadd.s32 $0xFFFFE003, lr  }
0x1b: {  	s9 =	sadd.s32 $0xFFFFFEF7, lr;
	s5 =	simm.s32 $0xFFFFFFFF;
	p2 =	slt.u32 s8, $0xFFFFF086  }
0x1c: {  	p1 =	slt.u32 s9, $0xF7A;
	s5 =	simm.s32 @!p2 $0x0  }
0x1d: {  	s5 =	simm.s32 @p1 $0x1;
	p0 =	seq.s32 s7, s2  }
0x1e: {  	s7 =	smul.u32 @!p0 $0xF7A, s2;
	p2 =	seq.s32 @!p0 s5, $0x0  }
0x1f: {  	s9 =	smul.u32 $0xF7A, s1;
	s8 =	simm.s32 @!p0 $0x1BF5;
	p2 =	por !p2, p0  }
0x20: {  	[sflag:s8] =	ssyncset.s32 @!p0 $0xFFFFF086;
	s6 =	sadd.s32 @!p0 s3, s7;
	s7 =	simm.s32 @!p0 $0x108  }
0x21: {  	s3 =	sadd.s32 s3, s9;
	s6 =	sadd.s32 @!p0 $0x88, s6;
	s7 =	simm.s32 @p2 $0x1082  }
0x22: {  	[simem:s7], [sflag:s8] =	dma.local @!p0 [hbm:s6], $0xF7A  }
0x23: {  	s9 =	sor.u32 $0xD0000000, s2;
	s6 =	simm.s32 $0x108;
	_ =	swait.ge @!p0 [sflag:s8], $0x0  }
0x24: {  	s3 =	sadd.s32 $0x88, s3;
	s6 =	simm.s32 @!p1 $0x1082;
	[sflag:s4] =	ssyncset.s32 $0xFFFFF086  }
0x25: {  	[simem:s6], [sflag:s4] =	dma.local [hbm:s3], $0xF7A  }
0x26: {  	[smem:$0x3F8D] =	sst s1;
	(tag) =	ssettag s2;
	_ =	strace s9  }
0x27: {  	s1 =	sld [smem:$0x3F9D]  }
0x28: {  	s2 =	sld [smem:$0x3F9E]  }
0x29: {  	s4 =	sld [smem:$0x3FA0]  }
0x2a: {  	p0 =	seq.s32 s5, $0x0;
	s5 =	sld [smem:$0x3FA1]  }
0x2b: {  	s6 =	sld [smem:$0x3FA2]  }
0x2c: {  	s7 =	sld [smem:$0x3FA3]  }
0x2d: {  	s3 =	simm.s32 $0x108;
	s8 =	sld [smem:$0x3FA4]  }
0x2e: {  	s3 =	simm.s32 @!p0 $0x1082;
	s9 =	sld [smem:$0x3FA5]  }
0x2f: {  	lr =	sadd.s32 s0, s3;
	s0 =	sld [smem:$0x3F9C]  }
0x30: {  	s3 =	sld [smem:$0x3F9F]  }
0x31: {  	[smem:$0x3FA8] =	sst s10  }
0x32: {  	s10 =	sld [smem:$0x3FA6];
	_ =	sdelay $0x3  }
0x33: {  	p0 =	seq.s32 s10, $0x1;
	s10 =	sld [smem:$0x3FA8];
	_ =	sdelay $0x3  }
0x34: {  	[smem:$0x3FA8] =	sst s10  }
0x35: {  	s10 =	sld [smem:$0x3FA7];
	_ =	sdelay $0x3  }
0x36: {  	p1 =	seq.s32 s10, $0x1;
	s10 =	sld [smem:$0x3FA8];
	_ =	sdelay $0x3  }
0x37: {  	[smem:$0x3FA8] =	sst s10  }
0x38: {  	s10 =	sld [smem:$0x3FA9]  }
0x39: {  	_ = 	snop;
	(pc) =	sbr.ind lr, $3  }
0x3a: {  	_ = 	snop  }
0x3b: {  	_ = 	snop  }
0x3c: {  	p2 =	seq.s32 s10, $0x1;
	s10 =	sld [smem:$0x3FA8]  }
0x3d: {  	_ =	shalt  }
0x3e: {  	_ =	shalt  }
0x3f: {  	_ =	shalt  }
0x40: {  	_ =	shalt  }
0x41: {  	_ =	shalt  }
0x42: {  	_ =	shalt  }
0x43: {  	_ =	shalt  }
0x44: {  	_ =	shalt  }
0x45: {  	_ =	shalt  }
0x46: {  	_ =	shalt  }
0x47: {  	_ =	shalt  }
0x48: {  	_ =	shalt  }
0x49: {  	_ =	shalt  }
0x4a: {  	_ =	shalt  }
0x4b: {  	_ =	shalt  }
0x4c: {  	_ =	shalt  }
0x4d: {  	_ =	shalt  }
0x4e: {  	_ =	shalt  }
0x4f: {  	_ =	shalt  }
0x50: {  	_ =	shalt  }
0x51: {  	_ =	shalt  }
0x52: {  	_ =	shalt  }
0x53: {  	_ =	shalt  }
0x54: {  	_ =	shalt  }
0x55: {  	_ =	shalt  }
0x56: {  	_ =	shalt  }
0x57: {  	_ =	shalt  }
0x58: {  	_ =	shalt  }
0x59: {  	_ =	shalt  }
0x5a: {  	_ =	shalt  }
0x5b: {  	_ =	shalt  }
0x5c: {  	_ =	shalt  }
0x5d: {  	_ =	shalt  }
0x5e: {  	_ =	shalt  }
0x5f: {  	_ =	shalt  }
0x60: {  	_ =	shalt  }
0x61: {  	_ =	shalt  }
0x62: {  	_ =	shalt  }
0x63: {  	_ =	shalt  }
0x64: {  	_ =	shalt  }
0x65: {  	_ =	shalt  }
0x66: {  	_ =	shalt  }
0x67: {  	_ =	shalt  }
0x68: {  	_ =	shalt  }
0x69: {  	_ =	shalt  }
0x6a: {  	_ =	shalt  }
0x6b: {  	_ =	shalt  }
0x6c: {  	_ =	shalt  }
0x6d: {  	_ =	shalt  }
0x6e: {  	_ =	shalt  }
0x6f: {  	_ =	shalt  }
0x70: {  	_ =	shalt  }
0x71: {  	_ =	shalt  }
0x72: {  	_ =	shalt  }
0x73: {  	_ =	shalt  }
0x74: {  	_ =	shalt  }
0x75: {  	_ =	shalt  }
0x76: {  	_ =	shalt  }
0x77: {  	_ =	shalt  }
0x78: {  	_ =	shalt  }
0x79: {  	_ =	shalt  }
0x7a: {  	_ =	shalt  }
0x7b: {  	_ =	shalt  }
0x7c: {  	_ =	shalt  }
0x7d: {  	_ =	shalt  }
0x7e: {  	_ =	shalt  }
0x7f: {  	_ =	shalt  }
0x80: {  	_ =	shalt  }
0x81: {  	_ =	shalt  }
0x82: {  	_ =	shalt  }
0x83: {  	_ =	shalt  }
0x84: {  	_ =	shalt  }
0x85: {  	_ =	shalt  }
0x86: {  	_ =	shalt  }
0x87: {  	_ =	shalt  }
.Lfunc_end0:
.L_simem_size_0:
called_computation.1_lowered:
.L_overlay_start_0:
0x88: {  	s2 =	sld [smem:$0x3FD9]  }
0x89: {  	s3 =	sld [smem:$0x3FFE];
	_ =	sdelay $0x1  }
0x8a: {  	s1 =	srdreg.scid  }
0x8b: {  	s0 =	sand.u32 $0x1, s1  }
0x8c: {  	s17 =	sshll.u32 s0, $0xA;
	s2 =	sadd.s32 s3, s2  }
0x8d: {  	s2 =	sadd.s32 s2, s17  }
0x8e: {  	[smem:$0x3FB4] =	sst s2  }
0x8f: {  	_ = 	snop  }
0x90: {  	s18 =	sld [smem:$0x3FC9];
	(tm) =	ssettm $0x1  }
0x91: {  	s19 =	sld [smem:$0x3FFB];
	_ =	sdelay $0x3  }
0x92: {  	_ =	strace s19  }
0x93: {  	s2 =	sld [smem:$0x3FFC];
	_ =	sdelay $0x3  }
0x94: {  	_ =	strace s2  }
0x95: {  	s2 =	sld [smem:$0x3FFD];
	_ =	sdelay $0x3  }
0x96: {  	_ =	strace s2  }
0x97: {  	_ =	strace $0x8FFFFFFF  }
0x98: {  	s20 =	sld [smem:$0x3FDB];
	_ =	sdelay $0x1  }
0x99: {  	s4 =	simm.s32 $_scs_section_size  }
0x9a: {  	s5 =	simm.s32 $_size__tile_overlayer_lowered;
	s6 =	simm.s32 $_tile_overlayer_lowered  }
0x9b: {  	s7 =	simm.s32 $0x1BFF;
	s21 =	sshll.u32 s6, $0x1;
	s4 =	sadd.s32 s4, s20  }
0x9c: {  	s22 =	simm.s32 $0x0;
	s5 =	sshll.u32 s5, $0x1;
	s6 =	sadd.s32 s21, s4  }
0x9d: {  	[timem:s22], [sflag:s7] =	dma.local [hbm:s6], s5  }
0x9e: {  	_ =	swait.ge [sflag:s7], s5  }
0x9f: {  	s5 =	ssub.s32 $0x0, s5;
	[sflag:s7] =	ssyncset.done $0x0  }
0xa0: {  	[sflag:s7] =	ssyncadd.s32 s5;
	_ =	sdelay $0x1  }
0xa1: {  	s23 =	simm.s32 $0x1B8B  }
0xa2: {  	_ =	swait.ge [sflag:s23], $0x1  }
0xa3: {  	[sflag:s23] =	ssyncset.done $0x0  }
0xa4: {  	[sflag:s23] =	ssyncadd.s32 $0xFFFFFFFF  }
0xa5: {  	s5 =	sld [smem:$0x0]  }
0xa6: {  	s6 =	sand.u32 $0xFFFFFFFE, s1  }
0xa7: {  	p0 =	sne.s32 s1, s6  }
0xa8: {  	s6 =	sshll.u32 @p0 s6, $0xE  }
0xa9: {  	s6 =	sadd.s32 @p0 $0x11B8D, s6;
	s7 =	sshll.u32 @p0 s5, $0x11  }
0xaa: {  	s6 =	sor.u32 @p0 s7, s6  }
0xab: {  	[sflag:s6] =	ssyncadd.remote.s32 @p0 $0x1;
	_ =	sdelay $0x1  }
0xac: {  	s6 =	simm.s32 @p0 $0x1B8D  }
0xad: {  	_ =	swait.eq @p0 [sflag:s6], $0x1  }
0xae: {  	[sflag:s6] =	ssyncadd.s32 @p0 $0xFFFFFFFF  }
0xaf: {  	s7 =	sshll.u32 @!p0 s1, $0xE  }
0xb0: {  	s7 =	sor.u32 @!p0 $0x4000, s7;
	s6 =	simm.s32 @!p0 $0x1B8D  }
0xb1: {  	s5 =	sshll.u32 @!p0 s5, $0x11;
	s7 =	sadd.s32 @!p0 $0x11B8D, s7;
	_ =	swait.eq @!p0 [sflag:s6], $0x1  }
0xb2: {  	s5 =	sor.u32 @!p0 s5, s7;
	[sflag:s6] =	ssyncadd.s32 @!p0 $0xFFFFFFFF  }
0xb3: {  	s25 =	simm.s32 $0x1B8E;
	s24 =	sld [smem:$0x3FFE];
	[sflag:s5] =	ssyncadd.remote.s32 @!p0 $0x1  }
0xb4: {  	s26 =	simm.s32 $execute0_lowered;
	[smem:$0x3FD2] =	sst s25  }
0xb5: {  	s6 =	sshll.u32 s26, $0x1;
	_ =	strace $0x80000049;
	[dreg:$0x1] =	wrdreg $0xFFFFFFFF  }
0xb6: {  	s28 =	simm.s32 $_size_execute0_lowered;
	s4 =	sadd.s32 s4, s6;
	[dreg:$0x0] =	wrdreg $0x0  }
0xb7: {  	s6 =	sshll.u32 s28, $0x1;
	[dreg:$0x2] =	wrdreg s4  }
0xb8: {  	[dreg:$0x3] =	wrdreg s6  }
0xb9: {  	[dreg:$0x4] =	wrdreg $0xC0  }
0xba: {  	_ =	task [dreg:s22], $0x5FFFF  }
0xbb: {  	[dreg:$0x1] =	wrdreg $0xFFFFFFFF  }
0xbc: {  	[dreg:$0x0] =	wrdreg $0x60  }
0xbd: {  	[dreg:$0x2] =	wrdreg s18  }
0xbe: {  	[dreg:$0x3] =	wrdreg s24  }
0xbf: {  	[dreg:$0x4] =	wrdreg $0x0  }
0xc0: {  	[dreg:$0x5] =	wrdreg $0xA  }
0xc1: {  	_ =	task.clear_ibuf [dreg:s22], $0x6FFFF;
	_ =	strace $0x90000049  }
0xc2: {  	s29 =	simm.s32 $0xA;
	_ =	strace $0x8000004B  }
0xc3: {  	_ =	swait.ge [sflag:s29], $0x1  }
0xc4: {  	[sflag:s29] =	ssyncadd.s32 $0xFFFFFFFF  }
0xc5: {  	_ =	strace $0x9000004B  }
0xc6: {  	_ =	sfence  }
0xc7: {  	s30 =	sld [smem:$0x0];
	_ =	sdelay $0x2  }
0xc8: {  	s31 =	sshll.u32 s1, $0xD;
	s1 =	sshrl.u32 s1, $0x2  }
0xc9: {  	s4 =	sand.u32 $0x4000, s31;
	s1 =	sadd.s32 s1, s30  }
0xca: {  	s0 =	sor.u32 s4, s0;
	s1 =	sshll.u32 s1, $0x11  }
0xcb: {  	s0 =	sor.u32 s1, s0  }
0xcc: {  	s0 =	sadd.s32 $0x8F2B, s0  }
0xcd: {  	[sflag:s0] =	ssyncadd.remote.s32 $0x1  }
0xce: {  	_ =	sfence.sel $0xFFFF  }
0xcf: {  	[dreg:$0x0] =	wrdreg $0xFFFFFFFF;
	(pc) =	sbr.abs _section_cstart, $3  }
0xd0: {  	[dreg:$0x1] =	wrdreg $0xFFFFFFFF  }
0xd1: {  	_ =	task.clear_ibuf [dreg:s22], $0x2FFFF;
	_ =	strace $0x9FFFFFFF  }
0xd2: {  	(tm) =	ssettm $0x7FFFFFFF  }
0xd3: {  	_ =	shalt  }
tec
execute0_lowered:
.L_overlay_start_1:
0x0: {  	(tag) =	ssettag $0x1  }
0x1: {  	s2 =	rddreg [dreg:$0x0]  }
0x2: {  	s0 =	rddreg [dreg:$0x1]  }
0x3: {  	s3 =	rddreg [dreg:$0x2]  }
0x4: {  	s16 =	stileid.u32;
	s1 =	srdreg.scid  }
0x5: {  	s4 =	simm.s32 $0x0;
	s13 =	simm.s32 $0x13880;
	s14 =	simm.s32 $0x7  }
0x6: {  	s18 =	simm.s32 $0x28;
	s21 =	simm.s32 $0x19AA0;
	s22 =	simm.s32 $0x1AEA0  }
0x7: {  	s28 =	simm.s32 $0x4;
	s29 =	simm.s32 $0x6;
	s7 =	smul.u32 $0x2700, s16  }
0x8: {  	s30 =	simm.s32 $0x0;
	s1 =	sand.u32 $0x1, s1;
	s9 =	smul.u32 $0x13800, s16  }
0x9: {  	[smem:$0x7FF] =	sst s4;
	s6 =	sadd.s32 $0x504000, s0;
	s31 =	sshll.u32 s16, $0x6  }
0xa: {  	s5 =	sshll.u32 s1, $0x4;
	s10 =	smul.u32 $0x138800, s1;
	_ =	strace $0x8000004A  }
0xb: {  	s1 =	ssub.s32 $0x2, s1;
	s8 =	sor.u32 s16, s5;
	s11 =	sadd.s32 s7, s0  }
0xc: {  	s25 =	sshrl.u32 s1, $0x1;
	s15 =	sadd.s32 s9, s3;
	s16 =	sor.u32 $0x1C07, s31  }
0xd: {  	s5 =	smul.u32 $0x2710, s8;
	s23 =	sadd.s32 s10, s9;
	s1 =	ssub.s32 s1, s25  }
0xe: {  	s12 =	smul.u32 $0x27100, s8;
	s9 =	sadd.s32 $0x22000, s11;
	s17 =	sshrl.u32 s15, $0x3  }
.Ltmp0:
0xf: {  	s25 =	simm.s32 $0x3;
	s24 =	sshrl.u32 s5, $0x3;
	(pc) =	sbr.rel .LBB2_1-.Ltmp0, $4  }
0x10: {  	s7 =	sshrl.u32 s23, $0x3;
	s23 =	simm.s32 $0x1C2A0;
	s10 =	sadd.s32 s24, s0  }
0x11: {  	s0 =	sadd.s32 s7, s0;
	s24 =	simm.s32 $0x1;
	s26 =	sadd.s32 $0xE200, s10  }
0x12: {  	s8 =	sadd.s32 $0x4400, s10;
	s10 =	sadd.s32 s6, s12;
	s11 =	sadd.s32 $0x49200, s0  }
0x13: {  	s12 =	smax.u32 s1, $0x1;
	[dreg:$0x4] =	wrdreg s26;
	s26 =	simm.s32 $0x2  }
.LBB2_8:
0x14: {  	_ =	swait.ge [sflag:s29], $0x1400  }
0x15: {  	s30 =	sadd.s32 $0x1, s30;
	[sflag:s29] =	ssyncset.done $0x0  }
0x16: {  	p0 =	sne.s32 s30, s12;
	[sflag:s29] =	ssyncadd.s32 $0xFFFFEC00  }
.Ltmp1:
0x17: {  	[bflag:$0x0] =	sbarrier.arrive $0xFFFF;
	(pc) =	sbr.rel @!p0 .LBB2_9-.Ltmp1, $4  }
0x18: {  	[hbm:s11], [sflag:s16] =	dma.local [spmem:s17], $0x2800  }
0x19: {  	_ =	swait.ge [sflag:s14], $0x2800  }
0x1a: {  	[sflag:s14] =	ssyncset.done $0x0  }
0x1b: {  	[sflag:s14] =	ssyncadd.s32 $0xFFFFD800  }
.LBB2_1:
0x1c: {  	s0 =	rddreg [dreg:$0x4]  }
0x1d: {  	[tilespmem:s13], [sflag:$0x7] =	stream.linear.gather [hbm4b:s0+s4], $0x2710, $0x38;
	[tilespmem:$0x1D6A0] =	vst v63  }
0x1e: {  	_ =	swait.ge [sflag:s14], $0x2710  }
0x1f: {  	[sflag:s14] =	ssyncset.done $0x0  }
0x20: {  	s15 =	simm.s32 $0x15F90;
	[sflag:s14] =	ssyncadd.s32 $0xFFFFD8F0  }
0x21: {  	[tilespmem:s15], [sflag:$0x7] =	stream.linear.gather [hbm4b:s8+s4], $0x2710, $0x38;
	[tilespmem:$0x1D6A0] =	vst v63  }
0x22: {  	_ =	swait.ge [sflag:s14], $0x2710  }
0x23: {  	[sflag:s14] =	ssyncset.done $0x0  }
0x24: {  	[sflag:s14] =	ssyncadd.s32 $0xFFFFD8F0  }
0x25: {  	[spmem:s17], [sflag:s16] =	dma.local [hbm:s9], $0x2800  }
0x26: {  	_ =	swait.ge [sflag:s14], $0x2800  }
0x27: {  	[sflag:s14] =	ssyncset.done $0x0  }
0x28: {  	[sflag:s14] =	ssyncadd.s32 $0xFFFFD800  }
0x29: {  	s19 =	simm.s32 $0x186A0;
	[bflag:$0x0] =	sbarrier.arrive $0xFFFF  }
0x2a: {  	[tilespmem:s19], [sflag:$0x1] =	stream.indirect.gather [hbm4b:s2+s18], $0x80, s13, s18, $0xb8;
	[tilespmem:$0x1D6A0] =	vst v63  }
0x2b: {  	s20 =	simm.s32 $0x138A8  }
0x2c: {  	[tilespmem:s21], [sflag:$0x2] =	stream.indirect.gather [hbm4b:s2+s18], $0x80, s20, s18, $0xb8;
	[tilespmem:$0x1D6A0] =	vst v63  }
0x2d: {  	s31 =	simm.s32 $0x0  }
0x2e: {  	[tilespmem:s22], [sflag:$0x3] =	stream.linear.gather [hbm4b:s10+s4], $0x1400, $0x38;
	[tilespmem:$0x1D6A0] =	vst v63  }
.LBB2_2:
0x2f: {  	s15 =	sshll.u32 s31, $0x1  }
0x30: {  	s0 =	sor.u32 $0x1, s15  }
0x31: {  	s1 =	smul.u32 $0x28, s0  }
0x32: {  	p0 =	seq.s32 s31, $0x0  }
0x33: {  	s19 =	simm.s32 @!p0 $0x6;
	s1 =	sadd.s32 s5, s1  }
0x34: {  	_ =	swait.ge @!p0 [sflag:s19], $0x1400;
	s1 =	sshll.u32 s1, $0x4  }
0x35: {  	[sflag:s19] =	ssyncset.done @!p0 $0x0;
	s1 =	sand.u32 $0x1FFFFF80, s1  }
0x36: {  	s20 =	simm.s32 $0x0;
	[sflag:s19] =	ssyncadd.s32 @!p0 $0xFFFFEC00;
	s1 =	sadd.s32 s6, s1  }
0x37: {  	[tilespmem:s23], [sflag:$0x4] =	stream.linear.gather [hbm4b:s1+s20], $0x1400, $0x38;
	[tilespmem:$0x1D6A0] =	vst v63  }
0x38: {  	_ =	swait.ge [sflag:s24], $0x1400  }
0x39: {  	[sflag:s24] =	ssyncset.done $0x0  }
0x3a: {  	[sflag:s24] =	ssyncadd.s32 $0xFFFFEC00  }
0x3b: {  	_ =	swait.ge [sflag:s25], $0x1400  }
0x3c: {  	[sflag:s25] =	ssyncset.done $0x0  }
0x3d: {  	s19 =	simm.s32 $0x0;
	[sflag:s25] =	ssyncadd.s32 $0xFFFFEC00  }
0x3e: {  	v6 =	vld [tilespmem:s19+$0x186A0]  }
0x3f: {  	v11 =	vld [tilespmem:s19+$0x186B0]  }
0x40: {  	v5 =	vld [tilespmem:s19+$0x186C0]  }
0x41: {  	v4 =	vld [tilespmem:s19+$0x186D0]  }
0x42: {  	v3 =	vld [tilespmem:s19+$0x186E0]  }
0x43: {  	v2 =	vld [tilespmem:s19+$0x186F0]  }
0x44: {  	v1 =	vld [tilespmem:s19+$0x18700]  }
0x45: {  	v0 =	vld [tilespmem:s19+$0x18710]  }
0x46: {  	v12 =	vld [tilespmem:s19+$0x1AEA0]  }
0x47: {  	v13 =	vld [tilespmem:s19+$0x1AEB0]  }
0x48: {  	v10 =	vld [tilespmem:s19+$0x1AEC0]  }
0x49: {  	v9 =	vld [tilespmem:s19+$0x1AED0]  }
0x4a: {  	v8 =	vld [tilespmem:s19+$0x1AEE0]  }
0x4b: {  	v7 =	vld [tilespmem:s19+$0x1AEF0];
	v12 =	vadd.f32 v12, v6  }
0x4c: {  	s1 =	simm.s32 $0x200;
	v11 =	vadd.f32 v13, v11;
	v6 =	vld [tilespmem:s19+$0x1AF00]  }
.LBB2_3:
0x4d: {  	s20 =	sshra.s32 s1, $0x2;
	p0 =	sne.s32 s1, $0x4E00;
	v12 =	vmax.f32 v12, $0.0e+00;
	v5 =	vadd.f32 v10, v5;
	v10 =	vld [tilespmem:s19+$0x1AF10]  }
0x4e: {  	v13 =	vld [tilespmem:s20+$0x186A0];
	v12 =	vadd.f32 $1.000000010e-07, v12;
	v11 =	vmax.f32 v11, $0.0e+00;
	v4 =	vadd.f32 v9, v4  }
0x4f: {  	v14 =	vld [tilespmem:s20+$0x186B0];
	v9 =	vadd.f32 $1.000000010e-07, v11;
	v11 =	vmax.f32 v5, $0.0e+00;
	v3 =	vadd.f32 v8, v3  }
0x50: {  	v5 =	vld [tilespmem:s20+$0x186C0];
	[tilespmem:s19+$0x1AEA0] =	vst v12;
	v8 =	vadd.f32 $1.000000010e-07, v11;
	v11 =	vmax.f32 v4, $0.0e+00;
	v2 =	vadd.f32 v7, v2  }
0x51: {  	v4 =	vld [tilespmem:s20+$0x186D0];
	[tilespmem:s19+$0x1AEB0] =	vst v9;
	v7 =	vadd.f32 $1.000000010e-07, v11;
	v9 =	vmax.f32 v3, $0.0e+00;
	v1 =	vadd.f32 v6, v1  }
0x52: {  	v3 =	vld [tilespmem:s20+$0x186E0];
	[tilespmem:s19+$0x1AEC0] =	vst v8;
	v6 =	vadd.f32 $1.000000010e-07, v9;
	v8 =	vmax.f32 v2, $0.0e+00;
	v0 =	vadd.f32 v10, v0  }
0x53: {  	v2 =	vld [tilespmem:s20+$0x186F0];
	[tilespmem:s19+$0x1AED0] =	vst v7;
	v7 =	vadd.f32 $1.000000010e-07, v8;
	v8 =	vmax.f32 v1, $0.0e+00  }
0x54: {  	v1 =	vld [tilespmem:s20+$0x18700];
	[tilespmem:s19+$0x1AEE0] =	vst v6;
	v6 =	vadd.f32 $1.000000010e-07, v8;
	v8 =	vmax.f32 v0, $0.0e+00  }
0x55: {  	v0 =	vld [tilespmem:s20+$0x18710];
	[tilespmem:s19+$0x1AEF0] =	vst v7;
	v7 =	vadd.f32 $1.000000010e-07, v8  }
0x56: {  	v11 =	vld [tilespmem:s20+$0x1AEA0];
	[tilespmem:s19+$0x1AF00] =	vst v6  }
0x57: {  	v6 =	vld [tilespmem:s20+$0x1AEB0];
	[tilespmem:s19+$0x1AF10] =	vst v7;
	s19 =	smov.u32 s20  }
.Ltmp2:
0x58: {  	v10 =	vld [tilespmem:s19+$0x1AEC0];
	(pc) =	sbr.rel @p0 .LBB2_3-.Ltmp2, $4  }
0x59: {  	v9 =	vld [tilespmem:s19+$0x1AED0]  }
0x5a: {  	v8 =	vld [tilespmem:s19+$0x1AEE0]  }
0x5b: {  	v12 =	vadd.f32 v11, v13;
	v7 =	vld [tilespmem:s19+$0x1AEF0]  }
0x5c: {  	s1 =	sadd.s32 $0x200, s1;
	v11 =	vadd.f32 v6, v14;
	v6 =	vld [tilespmem:s19+$0x1AF00]  }
0x5d: {  	v12 =	vmax.f32 v12, $0.0e+00;
	v5 =	vadd.f32 v10, v5;
	v10 =	vld [tilespmem:s19+$0x1AF10]  }
0x5e: {  	v12 =	vadd.f32 $1.000000010e-07, v12;
	v11 =	vmax.f32 v11, $0.0e+00;
	v4 =	vadd.f32 v9, v4  }
0x5f: {  	v9 =	vadd.f32 $1.000000010e-07, v11;
	v5 =	vmax.f32 v5, $0.0e+00;
	v3 =	vadd.f32 v8, v3  }
0x60: {  	[tilespmem:s19+$0x1AEA0] =	vst v12;
	v5 =	vadd.f32 $1.000000010e-07, v5;
	v4 =	vmax.f32 v4, $0.0e+00;
	v2 =	vadd.f32 v7, v2  }
0x61: {  	[tilespmem:s19+$0x1AEB0] =	vst v9;
	v4 =	vadd.f32 $1.000000010e-07, v4;
	v3 =	vmax.f32 v3, $0.0e+00;
	v1 =	vadd.f32 v6, v1  }
0x62: {  	[tilespmem:s19+$0x1AEC0] =	vst v5;
	v3 =	vadd.f32 $1.000000010e-07, v3;
	v2 =	vmax.f32 v2, $0.0e+00;
	v0 =	vadd.f32 v10, v0  }
0x63: {  	[tilespmem:s19+$0x1AED0] =	vst v4;
	v2 =	vadd.f32 $1.000000010e-07, v2;
	v1 =	vmax.f32 v1, $0.0e+00  }
0x64: {  	s1 =	smul.u32 $0x140, s31;
	[tilespmem:s19+$0x1AEE0] =	vst v3;
	v1 =	vadd.f32 $1.000000010e-07, v1;
	v0 =	vmax.f32 v0, $0.0e+00  }
0x65: {  	[tilespmem:s19+$0x1AEF0] =	vst v2;
	v0 =	vadd.f32 $1.000000010e-07, v0  }
0x66: {  	p0 =	seq.s32 s31, $0x7C;
	s1 =	sshra.s32 s1, $0x2;
	[tilespmem:s19+$0x1AF00] =	vst v1  }
0x67: {  	s15 =	sadd.s32 @!p0 $0x2, s15;
	s20 =	sadd.s32 $0x15F90, s1;
	[tilespmem:s19+$0x1AF10] =	vst v0;
	s19 =	simm.s32 @p0 $0x5  }
0x68: {  	[spmem:s3] =	stream.indirect.scatter.add.f32 [tilespmem:s22], [sflag:$0x5], $0x80, s20, s18, $0xb8;
	[tilespmem:$0x1D6A0] =	vst v63  }
0x69: {  	s20 =	smul.u32 @!p0 $0xA0, s15;
	_ =	swait.ge @p0 [sflag:s19], $0x1400  }
0x6a: {  	[sflag:s19] =	ssyncset.done @p0 $0x0  }
0x6b: {  	[sflag:s19] =	ssyncadd.s32 @p0 $0xFFFFEC00;
	s19 =	sshra.s32 @!p0 s20, $0x2  }
0x6c: {  	s7 =	simm.s32 @!p0 $0x186A0;
	s20 =	simm.s32 @!p0 $0x28;
	s19 =	sadd.s32 @!p0 $0x13880, s19  }
0x6d: {  	[tilespmem:s7], [sflag:$0x1] =	stream.indirect.gather @!p0 [hbm4b:s2+s20], $0x80, s19, s20, $0xb8;
	[tilespmem:$0x1D6A0] =	vst v63  }
0x6e: {  	s7 =	smul.u32 @!p0 $0x28, s15;
	_ =	sdelay $0x1  }
0x6f: {  	s15 =	simm.s32 @!p0 $0x5;
	s7 =	sadd.s32 @!p0 s5, s7  }
0x70: {  	_ =	swait.ge @!p0 [sflag:s15], $0x1400;
	s7 =	sshll.u32 @!p0 s7, $0x4  }
0x71: {  	s19 =	simm.s32 @!p0 $0x1AEA0;
	[sflag:s15] =	ssyncset.done @!p0 $0x0;
	s7 =	sand.u32 @!p0 $0x1FFFFF00, s7  }
0x72: {  	[sflag:s15] =	ssyncadd.s32 @!p0 $0xFFFFEC00;
	s15 =	simm.s32 @!p0 $0x0;
	s7 =	sadd.s32 @!p0 s6, s7  }
0x73: {  	[tilespmem:s19], [sflag:$0x3] =	stream.linear.gather @!p0 [hbm4b:s7+s15], $0x1400, $0x38;
	[tilespmem:$0x1D6A0] =	vst v63  }
0x74: {  	_ =	swait.ge [sflag:s26], $0x1400  }
0x75: {  	[sflag:s26] =	ssyncset.done $0x0  }
0x76: {  	[sflag:s26] =	ssyncadd.s32 $0xFFFFEC00  }
0x77: {  	_ =	swait.ge [sflag:s28], $0x1400  }
0x78: {  	[sflag:s28] =	ssyncset.done $0x0  }
0x79: {  	s15 =	simm.s32 $0x0;
	[sflag:s28] =	ssyncadd.s32 $0xFFFFEC00  }
0x7a: {  	v6 =	vld [tilespmem:s15+$0x19AA0]  }
0x7b: {  	v11 =	vld [tilespmem:s15+$0x19AB0]  }
0x7c: {  	v5 =	vld [tilespmem:s15+$0x19AC0]  }
0x7d: {  	v4 =	vld [tilespmem:s15+$0x19AD0]  }
0x7e: {  	v3 =	vld [tilespmem:s15+$0x19AE0]  }
0x7f: {  	v2 =	vld [tilespmem:s15+$0x19AF0]  }
0x80: {  	v1 =	vld [tilespmem:s15+$0x19B00]  }
0x81: {  	v0 =	vld [tilespmem:s15+$0x19B10]  }
0x82: {  	v12 =	vld [tilespmem:s15+$0x1C2A0]  }
0x83: {  	v13 =	vld [tilespmem:s15+$0x1C2B0]  }
0x84: {  	v10 =	vld [tilespmem:s15+$0x1C2C0]  }
0x85: {  	v9 =	vld [tilespmem:s15+$0x1C2D0]  }
0x86: {  	v8 =	vld [tilespmem:s15+$0x1C2E0]  }
0x87: {  	v7 =	vld [tilespmem:s15+$0x1C2F0];
	v12 =	vadd.f32 v12, v6  }
0x88: {  	s19 =	simm.s32 $0x200;
	v11 =	vadd.f32 v13, v11;
	v6 =	vld [tilespmem:s15+$0x1C300]  }
.LBB2_5:
0x89: {  	s7 =	sshra.s32 s19, $0x2;
	p1 =	sne.s32 s19, $0x4E00;
	v12 =	vmax.f32 v12, $0.0e+00;
	v5 =	vadd.f32 v10, v5;
	v10 =	vld [tilespmem:s15+$0x1C310]  }
0x8a: {  	v13 =	vld [tilespmem:s7+$0x19AA0];
	v12 =	vadd.f32 $1.000000010e-07, v12;
	v11 =	vmax.f32 v11, $0.0e+00;
	v4 =	vadd.f32 v9, v4  }
0x8b: {  	v14 =	vld [tilespmem:s7+$0x19AB0];
	v9 =	vadd.f32 $1.000000010e-07, v11;
	v11 =	vmax.f32 v5, $0.0e+00;
	v3 =	vadd.f32 v8, v3  }
0x8c: {  	v5 =	vld [tilespmem:s7+$0x19AC0];
	[tilespmem:s15+$0x1C2A0] =	vst v12;
	v8 =	vadd.f32 $1.000000010e-07, v11;
	v11 =	vmax.f32 v4, $0.0e+00;
	v2 =	vadd.f32 v7, v2  }
0x8d: {  	v4 =	vld [tilespmem:s7+$0x19AD0];
	[tilespmem:s15+$0x1C2B0] =	vst v9;
	v7 =	vadd.f32 $1.000000010e-07, v11;
	v9 =	vmax.f32 v3, $0.0e+00;
	v1 =	vadd.f32 v6, v1  }
0x8e: {  	v3 =	vld [tilespmem:s7+$0x19AE0];
	[tilespmem:s15+$0x1C2C0] =	vst v8;
	v6 =	vadd.f32 $1.000000010e-07, v9;
	v8 =	vmax.f32 v2, $0.0e+00;
	v0 =	vadd.f32 v10, v0  }
0x8f: {  	v2 =	vld [tilespmem:s7+$0x19AF0];
	[tilespmem:s15+$0x1C2D0] =	vst v7;
	v7 =	vadd.f32 $1.000000010e-07, v8;
	v8 =	vmax.f32 v1, $0.0e+00  }
0x90: {  	v1 =	vld [tilespmem:s7+$0x19B00];
	[tilespmem:s15+$0x1C2E0] =	vst v6;
	v6 =	vadd.f32 $1.000000010e-07, v8;
	v8 =	vmax.f32 v0, $0.0e+00  }
0x91: {  	v0 =	vld [tilespmem:s7+$0x19B10];
	[tilespmem:s15+$0x1C2F0] =	vst v7;
	v7 =	vadd.f32 $1.000000010e-07, v8  }
0x92: {  	v11 =	vld [tilespmem:s7+$0x1C2A0];
	[tilespmem:s15+$0x1C300] =	vst v6  }
0x93: {  	v6 =	vld [tilespmem:s7+$0x1C2B0];
	[tilespmem:s15+$0x1C310] =	vst v7;
	s15 =	smov.u32 s7  }
.Ltmp3:
0x94: {  	v10 =	vld [tilespmem:s15+$0x1C2C0];
	(pc) =	sbr.rel @p1 .LBB2_5-.Ltmp3, $4  }
0x95: {  	v9 =	vld [tilespmem:s15+$0x1C2D0]  }
0x96: {  	v8 =	vld [tilespmem:s15+$0x1C2E0]  }
0x97: {  	v12 =	vadd.f32 v11, v13;
	v7 =	vld [tilespmem:s15+$0x1C2F0]  }
0x98: {  	s19 =	sadd.s32 $0x200, s19;
	v11 =	vadd.f32 v6, v14;
	v6 =	vld [tilespmem:s15+$0x1C300]  }
0x99: {  	v12 =	vmax.f32 v12, $0.0e+00;
	v5 =	vadd.f32 v10, v5;
	v62 =	vld [tilespmem:s15+$0x1C310]  }
0x9a: {  	v12 =	vadd.f32 $1.000000010e-07, v12;
	v11 =	vmax.f32 v11, $0.0e+00;
	v4 =	vadd.f32 v9, v4  }
0x9b: {  	v63 =	vadd.f32 $1.000000010e-07, v11;
	v5 =	vmax.f32 v5, $0.0e+00;
	v3 =	vadd.f32 v8, v3  }
0x9c: {  	[tilespmem:s15+$0x1C2A0] =	vst v12;
	v5 =	vadd.f32 $1.000000010e-07, v5;
	v4 =	vmax.f32 v4, $0.0e+00;
	v2 =	vadd.f32 v7, v2  }
0x9d: {  	[tilespmem:s15+$0x1C2B0] =	vst v63;
	v4 =	vadd.f32 $1.000000010e-07, v4;
	v3 =	vmax.f32 v3, $0.0e+00;
	v1 =	vadd.f32 v6, v1  }
0x9e: {  	[tilespmem:s15+$0x1C2C0] =	vst v5;
	v3 =	vadd.f32 $1.000000010e-07, v3;
	v2 =	vmax.f32 v2, $0.0e+00;
	v0 =	vadd.f32 v62, v0  }
0x9f: {  	s0 =	smul.u32 $0xA0, s0;
	[tilespmem:s15+$0x1C2D0] =	vst v4;
	v2 =	vadd.f32 $1.000000010e-07, v2;
	v1 =	vmax.f32 v1, $0.0e+00  }
.Ltmp4:
0xa0: {  	[tilespmem:s15+$0x1C2E0] =	vst v3;
	v1 =	vadd.f32 $1.000000010e-07, v1;
	v0 =	vmax.f32 v0, $0.0e+00;
	(pc) =	sbr.rel @p0 .LBB2_8-.Ltmp4, $4  }
0xa1: {  	[tilespmem:s15+$0x1C2F0] =	vst v2;
	v0 =	vadd.f32 $1.000000010e-07, v0  }
0xa2: {  	s0 =	sshra.s32 s0, $0x2;
	[tilespmem:s15+$0x1C300] =	vst v1  }
0xa3: {  	s0 =	sadd.s32 $0x15F90, s0;
	[tilespmem:s15+$0x1C310] =	vst v0  }
0xa4: {  	[spmem:s3] =	stream.indirect.scatter.add.f32 [tilespmem:s23], [sflag:$0x6], $0x80, s0, s18, $0xb8;
	[tilespmem:$0x1D6A0] =	vst v63  }
.Ltmp5:
0xa5: {  	(pc) =	sbr.rel .LBB2_2-.Ltmp5, $3  }
0xa6: {  	_ =	sdelay $0x1  }
0xa7: {  	s0 =	sadd.s32 $0x138F8, s1;
	s31 =	sadd.s32 $0x1, s31  }
0xa8: {  	[tilespmem:s21], [sflag:$0x2] =	stream.indirect.gather [hbm4b:s2+s18], $0x80, s0, s18, $0xb8;
	[tilespmem:$0x1D6A0] =	vst v63  }
.LBB2_9:
0xa9: {  	_ =	sfence.sel $0x180000  }
0xaa: {  	[bflag:$0x0] =	sbarrier.arrive $0xFFFF  }
0xab: {  	_ =	strace $0x9000004A  }
0xac: {  	s0 =	stileid.u32;
	[bflag:$0x2] =	sbarrier.arrive $0xFFFF  }
0xad: {  	p0 =	sne.s32 s0, $0x0;
	s0 =	rddreg [dreg:$0x3]  }
0xae: {  	s0 =	sadd.s32 @!p0 $0x100000, s0  }
0xaf: {  	[sflag:s0] =	ssyncadd.tile.s32 @!p0 $0x1;
	_ =	shalt  }
.Lfunc_end2:
_tile_overlayer_lowered:
.L_overlay_start_2:
0xb0: {  	(tag) =	ssettag $0x2  }
0xb1: {  	s0 =	rddreg [dreg:$0x0];
	s2 =	stileid.u32  }
0xb2: {  	s1 =	rddreg [dreg:$0x1];
	p0 =	sne.s32 s2, $0x0  }
0xb3: {  	s3 =	rddreg [dreg:$0x2];
	[bflag:$0x3] =	sbarrier.arrive $0xFFFF;
	s2 =	simm.s32 @!p0 $0x1C07  }
0xb4: {  	[timem:s3], [sflag:s2] =	dma.local @!p0 [hbm:s0], s1  }
0xb5: {  	s0 =	simm.s32 @!p0 $0x7  }
0xb6: {  	_ =	swait.ge @!p0 [sflag:s0], s1  }
0xb7: {  	s1 =	ssub.s32 @!p0 $0x0, s1;
	[sflag:s0] =	ssyncset.done @!p0 $0x0  }
0xb8: {  	[sflag:s0] =	ssyncadd.s32 @!p0 s1  }
0xb9: {  	[bflag:$0x3] =	sbarrier.arrive $0xFFFF  }
0xba: {  	_ =	shalt  }

// kernel: genconv_sc_msg.8.cloned.1.call-start
scs
__scs_entry_jumppad:
0x0: {  	(pc) =	sbr.rel $0x88, $3  }
0x1: {  	(tag) =	ssettag $0x0;
	lr =	simm.s32 $0x1  }
0x2: {  	[smem:$0x3F8D] =	sst lr;
	_ =	strace $0xD0000000  }
0x3: {  	_ = 	snop  }
0x4: {  	_ = 	snop  }
0x5: {  	_ = 	snop  }
0x6: {  	_ = 	snop  }
0x7: {  	_ = 	snop  }
__scs_overlays_trampoline_lowered:
0x8: {  	[smem:$0x3F9C] =	sst s0  }
0x9: {  	[smem:$0x3F9D] =	sst s1  }
0xa: {  	[smem:$0x3F9E] =	sst s2  }
0xb: {  	[smem:$0x3F9F] =	sst s3  }
0xc: {  	[smem:$0x3FA0] =	sst s4  }
0xd: {  	[smem:$0x3FA1] =	sst s5  }
0xe: {  	[smem:$0x3FA2] =	sst s6  }
0xf: {  	[smem:$0x3FA3] =	sst s7  }
0x10: {  	[smem:$0x3FA4] =	sst s8  }
0x11: {  	[smem:$0x3FA5] =	sst s9;
	s0 =	simm.s32 @!p0 $0x0  }
0x12: {  	s1 =	sld [smem:$0x3F8B];
	s0 =	simm.s32 @p0 $0x1  }
0x13: {  	[smem:$0x3FA6] =	sst s0;
	s0 =	simm.s32 @!p1 $0x0  }
0x14: {  	s2 =	sld [smem:$0x3F8A];
	s0 =	simm.s32 @p1 $0x1  }
0x15: {  	[smem:$0x3FA7] =	sst s0;
	s0 =	simm.s32 @!p2 $0x0  }
0x16: {  	s3 =	sld [smem:$0x3FDB];
	s0 =	simm.s32 @p2 $0x1  }
0x17: {  	s4 =	simm.s32 $0x1BF5;
	[smem:$0x3FA9] =	sst s0  }
0x18: {  	s0 =	sld [smem:$0x3F8C];
	_ =	swait.ge [sflag:s4], $0x0  }
0x19: {  	s7 =	sld [smem:$0x3F8D]  }
0x1a: {  	s8 =	sadd.s32 $0xFFFFE003, lr  }
0x1b: {  	s9 =	sadd.s32 $0xFFFFFEF7, lr;
	s5 =	simm.s32 $0xFFFFFFFF;
	p2 =	slt.u32 s8, $0xFFFFF086  }
0x1c: {  	p1 =	slt.u32 s9, $0xF7A;
	s5 =	simm.s32 @!p2 $0x0  }
0x1d: {  	s5 =	simm.s32 @p1 $0x1;
	p0 =	seq.s32 s7, s2  }
0x1e: {  	s7 =	smul.u32 @!p0 $0xF7A, s2;
	p2 =	seq.s32 @!p0 s5, $0x0  }
0x1f: {  	s9 =	smul.u32 $0xF7A, s1;
	s8 =	simm.s32 @!p0 $0x1BF5;
	p2 =	por !p2, p0  }
0x20: {  	[sflag:s8] =	ssyncset.s32 @!p0 $0xFFFFF086;
	s6 =	sadd.s32 @!p0 s3, s7;
	s7 =	simm.s32 @!p0 $0x108  }
0x21: {  	s3 =	sadd.s32 s3, s9;
	s6 =	sadd.s32 @!p0 $0x88, s6;
	s7 =	simm.s32 @p2 $0x1082  }
0x22: {  	[simem:s7], [sflag:s8] =	dma.local @!p0 [hbm:s6], $0xF7A  }
0x23: {  	s9 =	sor.u32 $0xD0000000, s2;
	s6 =	simm.s32 $0x108;
	_ =	swait.ge @!p0 [sflag:s8], $0x0  }
0x24: {  	s3 =	sadd.s32 $0x88, s3;
	s6 =	simm.s32 @!p1 $0x1082;
	[sflag:s4] =	ssyncset.s32 $0xFFFFF086  }
0x25: {  	[simem:s6], [sflag:s4] =	dma.local [hbm:s3], $0xF7A  }
0x26: {  	[smem:$0x3F8D] =	sst s1;
	(tag) =	ssettag s2;
	_ =	strace s9  }
0x27: {  	s1 =	sld [smem:$0x3F9D]  }
0x28: {  	s2 =	sld [smem:$0x3F9E]  }
0x29: {  	s4 =	sld [smem:$0x3FA0]  }
0x2a: {  	p0 =	seq.s32 s5, $0x0;
	s5 =	sld [smem:$0x3FA1]  }
0x2b: {  	s6 =	sld [smem:$0x3FA2]  }
0x2c: {  	s7 =	sld [smem:$0x3FA3]  }
0x2d: {  	s3 =	simm.s32 $0x108;
	s8 =	sld [smem:$0x3FA4]  }
0x2e: {  	s3 =	simm.s32 @!p0 $0x1082;
	s9 =	sld [smem:$0x3FA5]  }
0x2f: {  	lr =	sadd.s32 s0, s3;
	s0 =	sld [smem:$0x3F9C]  }
0x30: {  	s3 =	sld [smem:$0x3F9F]  }
0x31: {  	[smem:$0x3FA8] =	sst s10  }
0x32: {  	s10 =	sld [smem:$0x3FA6];
	_ =	sdelay $0x3  }
0x33: {  	p0 =	seq.s32 s10, $0x1;
	s10 =	sld [smem:$0x3FA8];
	_ =	sdelay $0x3  }
0x34: {  	[smem:$0x3FA8] =	sst s10  }
0x35: {  	s10 =	sld [smem:$0x3FA7];
	_ =	sdelay $0x3  }
0x36: {  	p1 =	seq.s32 s10, $0x1;
	s10 =	sld [smem:$0x3FA8];
	_ =	sdelay $0x3  }
0x37: {  	[smem:$0x3FA8] =	sst s10  }
0x38: {  	s10 =	sld [smem:$0x3FA9]  }
0x39: {  	_ = 	snop;
	(pc) =	sbr.ind lr, $3  }
0x3a: {  	_ = 	snop  }
0x3b: {  	_ = 	snop  }
0x3c: {  	p2 =	seq.s32 s10, $0x1;
	s10 =	sld [smem:$0x3FA8]  }
0x3d: {  	_ =	shalt  }
0x3e: {  	_ =	shalt  }
0x3f: {  	_ =	shalt  }
0x40: {  	_ =	shalt  }
0x41: {  	_ =	shalt  }
0x42: {  	_ =	shalt  }
0x43: {  	_ =	shalt  }
0x44: {  	_ =	shalt  }
0x45: {  	_ =	shalt  }
0x46: {  	_ =	shalt  }
0x47: {  	_ =	shalt  }
0x48: {  	_ =	shalt  }
0x49: {  	_ =	shalt  }
0x4a: {  	_ =	shalt  }
0x4b: {  	_ =	shalt  }
0x4c: {  	_ =	shalt  }
0x4d: {  	_ =	shalt  }
0x4e: {  	_ =	shalt  }
0x4f: {  	_ =	shalt  }
0x50: {  	_ =	shalt  }
0x51: {  	_ =	shalt  }
0x52: {  	_ =	shalt  }
0x53: {  	_ =	shalt  }
0x54: {  	_ =	shalt  }
0x55: {  	_ =	shalt  }
0x56: {  	_ =	shalt  }
0x57: {  	_ =	shalt  }
0x58: {  	_ =	shalt  }
0x59: {  	_ =	shalt  }
0x5a: {  	_ =	shalt  }
0x5b: {  	_ =	shalt  }
0x5c: {  	_ =	shalt  }
0x5d: {  	_ =	shalt  }
0x5e: {  	_ =	shalt  }
0x5f: {  	_ =	shalt  }
0x60: {  	_ =	shalt  }
0x61: {  	_ =	shalt  }
0x62: {  	_ =	shalt  }
0x63: {  	_ =	shalt  }
0x64: {  	_ =	shalt  }
0x65: {  	_ =	shalt  }
0x66: {  	_ =	shalt  }
0x67: {  	_ =	shalt  }
0x68: {  	_ =	shalt  }
0x69: {  	_ =	shalt  }
0x6a: {  	_ =	shalt  }
0x6b: {  	_ =	shalt  }
0x6c: {  	_ =	shalt  }
0x6d: {  	_ =	shalt  }
0x6e: {  	_ =	shalt  }
0x6f: {  	_ =	shalt  }
0x70: {  	_ =	shalt  }
0x71: {  	_ =	shalt  }
0x72: {  	_ =	shalt  }
0x73: {  	_ =	shalt  }
0x74: {  	_ =	shalt  }
0x75: {  	_ =	shalt  }
0x76: {  	_ =	shalt  }
0x77: {  	_ =	shalt  }
0x78: {  	_ =	shalt  }
0x79: {  	_ =	shalt  }
0x7a: {  	_ =	shalt  }
0x7b: {  	_ =	shalt  }
0x7c: {  	_ =	shalt  }
0x7d: {  	_ =	shalt  }
0x7e: {  	_ =	shalt  }
0x7f: {  	_ =	shalt  }
0x80: {  	_ =	shalt  }
0x81: {  	_ =	shalt  }
0x82: {  	_ =	shalt  }
0x83: {  	_ =	shalt  }
0x84: {  	_ =	shalt  }
0x85: {  	_ =	shalt  }
0x86: {  	_ =	shalt  }
0x87: {  	_ =	shalt  }
.Lfunc_end0:
.L_simem_size_0:
called_computation.2_lowered:
.L_overlay_start_0:
0x88: {  	s2 =	sld [smem:$0x3FD9]  }
0x89: {  	s3 =	sld [smem:$0x3FFE];
	_ =	sdelay $0x1  }
0x8a: {  	s1 =	srdreg.scid  }
0x8b: {  	s0 =	sand.u32 $0x1, s1  }
0x8c: {  	s16 =	sshll.u32 s0, $0xA;
	s2 =	sadd.s32 s3, s2  }
0x8d: {  	s2 =	sadd.s32 s2, s16  }
0x8e: {  	[smem:$0x3FB4] =	sst s2  }
0x8f: {  	_ = 	snop  }
0x90: {  	(tm) =	ssettm $0x1  }
0x91: {  	s17 =	sld [smem:$0x3FFB];
	_ =	sdelay $0x3  }
0x92: {  	_ =	strace s17  }
0x93: {  	s2 =	sld [smem:$0x3FFC];
	_ =	sdelay $0x3  }
0x94: {  	_ =	strace s2  }
0x95: {  	s2 =	sld [smem:$0x3FFD];
	_ =	sdelay $0x3  }
0x96: {  	_ =	strace s2  }
0x97: {  	_ =	strace $0x8FFFFFFF  }
0x98: {  	s18 =	sld [smem:$0x3FDB];
	_ =	sdelay $0x1  }
0x99: {  	s19 =	simm.s32 $_scs_section_size  }
0x9a: {  	s4 =	simm.s32 $_size__tile_overlayer_lowered;
	s5 =	simm.s32 $_tile_overlayer_lowered  }
0x9b: {  	s22 =	simm.s32 $0x1BFF;
	s21 =	sshll.u32 s5, $0x1;
	s2 =	sadd.s32 s19, s18  }
0x9c: {  	s6 =	simm.s32 $0x0;
	s20 =	sshll.u32 s4, $0x1;
	s4 =	sadd.s32 s21, s2  }
0x9d: {  	[timem:s6], [sflag:s22] =	dma.local [hbm:s4], s20  }
0x9e: {  	_ =	swait.ge [sflag:s22], s20  }
0x9f: {  	s3 =	ssub.s32 $0x0, s20;
	[sflag:s22] =	ssyncset.done $0x0  }
0xa0: {  	[sflag:s22] =	ssyncadd.s32 s3;
	_ =	sdelay $0x1  }
0xa1: {  	s23 =	simm.s32 $0x1B8B  }
0xa2: {  	_ =	swait.ge [sflag:s23], $0x1  }
0xa3: {  	[sflag:s23] =	ssyncset.done $0x0  }
0xa4: {  	s25 =	simm.s32 $0x1B8E;
	s24 =	sld [smem:$0x3FFE];
	[sflag:s23] =	ssyncadd.s32 $0xFFFFFFFF  }
0xa5: {  	s26 =	simm.s32 $execute0_lowered;
	[smem:$0x3FD2] =	sst s25  }
0xa6: {  	s4 =	sshll.u32 s26, $0x1;
	_ =	strace $0x8000004C;
	[dreg:$0x1] =	wrdreg $0xFFFFFFFF  }
0xa7: {  	s28 =	simm.s32 $_size_execute0_lowered;
	s2 =	sadd.s32 s2, s4;
	[dreg:$0x0] =	wrdreg $0x0  }
0xa8: {  	s4 =	sshll.u32 s28, $0x1;
	[dreg:$0x2] =	wrdreg s2  }
0xa9: {  	[dreg:$0x3] =	wrdreg s4  }
0xaa: {  	[dreg:$0x4] =	wrdreg $0xC0  }
0xab: {  	_ =	task [dreg:s6], $0x5FFFF  }
0xac: {  	[dreg:$0x1] =	wrdreg $0xFFFFFFFF  }
0xad: {  	[dreg:$0x0] =	wrdreg $0x60  }
0xae: {  	[dreg:$0x2] =	wrdreg s24  }
0xaf: {  	[dreg:$0x3] =	wrdreg $0x0  }
0xb0: {  	[dreg:$0x4] =	wrdreg $0x9  }
0xb1: {  	_ =	task.clear_ibuf [dreg:s6], $0x5FFFF;
	_ =	strace $0x9000004C  }
0xb2: {  	s29 =	simm.s32 $0x9;
	_ =	strace $0x8000004E  }
0xb3: {  	_ =	swait.ge [sflag:s29], $0x1  }
0xb4: {  	[sflag:s29] =	ssyncadd.s32 $0xFFFFFFFF  }
0xb5: {  	_ =	strace $0x9000004E  }
0xb6: {  	_ =	sfence  }
0xb7: {  	s30 =	sld [smem:$0x0];
	_ =	sdelay $0x2  }
0xb8: {  	s31 =	sshll.u32 s1, $0xD;
	s1 =	sshrl.u32 s1, $0x2  }
0xb9: {  	s3 =	sand.u32 $0x4000, s31;
	s1 =	sadd.s32 s1, s30  }
0xba: {  	s0 =	sor.u32 s3, s0;
	s1 =	sshll.u32 s1, $0x11  }
0xbb: {  	s0 =	sor.u32 s1, s0  }
0xbc: {  	s0 =	sadd.s32 $0x8F2B, s0  }
0xbd: {  	[sflag:s0] =	ssyncadd.remote.s32 $0x1  }
0xbe: {  	_ =	sfence.sel $0xFFFF  }
0xbf: {  	[dreg:$0x0] =	wrdreg $0xFFFFFFFF;
	(pc) =	sbr.abs _section_cstart, $3  }
0xc0: {  	[dreg:$0x1] =	wrdreg $0xFFFFFFFF  }
0xc1: {  	_ =	task.clear_ibuf [dreg:s6], $0x2FFFF;
	_ =	strace $0x9FFFFFFF  }
0xc2: {  	(tm) =	ssettm $0x7FFFFFFF  }
0xc3: {  	_ =	shalt  }
tec
execute0_lowered:
.L_overlay_start_1:
0x0: {  	(tag) =	ssettag $0x1  }
0x1: {  	s0 =	rddreg [dreg:$0x0]  }
0x2: {  	s2 =	rddreg [dreg:$0x1]  }
0x3: {  	s16 =	stileid.u32;
	s1 =	srdreg.scid;
	s3 =	simm.s32 $0x0  }
0x4: {  	s13 =	simm.s32 $0x13880;
	s14 =	simm.s32 $0x7;
	s18 =	simm.s32 $0x28  }
0x5: {  	s21 =	simm.s32 $0x19AA0;
	s22 =	simm.s32 $0x1AEA0;
	s28 =	simm.s32 $0x4  }
0x6: {  	s29 =	simm.s32 $0x6;
	s30 =	simm.s32 $0x0;
	s7 =	smul.u32 $0x2700, s16  }
0x7: {  	s1 =	sand.u32 $0x1, s1;
	s9 =	smul.u32 $0x13800, s16;
	[smem:$0x7FF] =	sst s3  }
0x8: {  	s6 =	sadd.s32 $0x9E6000, s0;
	s31 =	sshll.u32 s16, $0x6;
	s4 =	sshll.u32 s1, $0x4  }
0x9: {  	s10 =	smul.u32 $0x138800, s1;
	_ =	strace $0x8000004D;
	s1 =	ssub.s32 $0x2, s1  }
0xa: {  	s8 =	sor.u32 s16, s4;
	s4 =	sadd.s32 $0x49200, s0;
	s11 =	sadd.s32 s7, s0  }
0xb: {  	s25 =	sshrl.u32 s1, $0x1;
	s15 =	sadd.s32 s9, s2;
	s16 =	sor.u32 $0x1C07, s31  }
0xc: {  	s5 =	smul.u32 $0x2710, s8;
	s23 =	sadd.s32 s10, s9;
	s1 =	ssub.s32 s1, s25  }
0xd: {  	s12 =	smul.u32 $0x27100, s8;
	s9 =	sadd.s32 $0x22000, s11;
	s17 =	sshrl.u32 s15, $0x3  }
.Ltmp0:
0xe: {  	s25 =	simm.s32 $0x3;
	s24 =	sshrl.u32 s5, $0x3;
	(pc) =	sbr.rel .LBB2_1-.Ltmp0, $4  }
0xf: {  	s7 =	sshrl.u32 s23, $0x3;
	s23 =	simm.s32 $0x1C2A0;
	s10 =	sadd.s32 s24, s0  }
0x10: {  	s0 =	sadd.s32 s7, s0;
	s24 =	simm.s32 $0x1;
	s26 =	sadd.s32 $0xE200, s10  }
0x11: {  	s8 =	sadd.s32 $0x4400, s10;
	s10 =	sadd.s32 s6, s12;
	s11 =	sadd.s32 $0xBE600, s0  }
0x12: {  	s12 =	smax.u32 s1, $0x1;
	[dreg:$0x3] =	wrdreg s26;
	s26 =	simm.s32 $0x2  }
.LBB2_8:
0x13: {  	_ =	swait.ge [sflag:s29], $0x1400  }
0x14: {  	s30 =	sadd.s32 $0x1, s30;
	[sflag:s29] =	ssyncset.done $0x0  }
0x15: {  	p0 =	sne.s32 s30, s12;
	[sflag:s29] =	ssyncadd.s32 $0xFFFFEC00  }
.Ltmp1:
0x16: {  	[bflag:$0x0] =	sbarrier.arrive $0xFFFF;
	(pc) =	sbr.rel @!p0 .LBB2_9-.Ltmp1, $4  }
0x17: {  	[hbm:s11], [sflag:s16] =	dma.local [spmem:s17], $0x2800  }
0x18: {  	_ =	swait.ge [sflag:s14], $0x2800  }
0x19: {  	[sflag:s14] =	ssyncset.done $0x0  }
0x1a: {  	[sflag:s14] =	ssyncadd.s32 $0xFFFFD800  }
.LBB2_1:
0x1b: {  	s0 =	rddreg [dreg:$0x3]  }
0x1c: {  	[tilespmem:s13], [sflag:$0x7] =	stream.linear.gather [hbm4b:s0+s3], $0x2710, $0x38;
	[tilespmem:$0x1D6A0] =	vst v63  }
0x1d: {  	_ =	swait.ge [sflag:s14], $0x2710  }
0x1e: {  	[sflag:s14] =	ssyncset.done $0x0  }
0x1f: {  	s15 =	simm.s32 $0x15F90;
	[sflag:s14] =	ssyncadd.s32 $0xFFFFD8F0  }
0x20: {  	[tilespmem:s15], [sflag:$0x7] =	stream.linear.gather [hbm4b:s8+s3], $0x2710, $0x38;
	[tilespmem:$0x1D6A0] =	vst v63  }
0x21: {  	_ =	swait.ge [sflag:s14], $0x2710  }
0x22: {  	[sflag:s14] =	ssyncset.done $0x0  }
0x23: {  	[sflag:s14] =	ssyncadd.s32 $0xFFFFD8F0  }
0x24: {  	[spmem:s17], [sflag:s16] =	dma.local [hbm:s9], $0x2800  }
0x25: {  	_ =	swait.ge [sflag:s14], $0x2800  }
0x26: {  	[sflag:s14] =	ssyncset.done $0x0  }
0x27: {  	[sflag:s14] =	ssyncadd.s32 $0xFFFFD800  }
0x28: {  	s19 =	simm.s32 $0x186A0;
	[bflag:$0x0] =	sbarrier.arrive $0xFFFF  }
0x29: {  	[tilespmem:s19], [sflag:$0x1] =	stream.indirect.gather [hbm4b:s4+s18], $0x80, s13, s18, $0xb8;
	[tilespmem:$0x1D6A0] =	vst v63  }
0x2a: {  	s20 =	simm.s32 $0x138A8  }
0x2b: {  	[tilespmem:s21], [sflag:$0x2] =	stream.indirect.gather [hbm4b:s4+s18], $0x80, s20, s18, $0xb8;
	[tilespmem:$0x1D6A0] =	vst v63  }
0x2c: {  	s31 =	simm.s32 $0x0  }
0x2d: {  	[tilespmem:s22], [sflag:$0x3] =	stream.linear.gather [hbm4b:s10+s3], $0x1400, $0x38;
	[tilespmem:$0x1D6A0] =	vst v63  }
.LBB2_2:
0x2e: {  	s15 =	sshll.u32 s31, $0x1  }
0x2f: {  	s0 =	sor.u32 $0x1, s15  }
0x30: {  	s1 =	smul.u32 $0x28, s0  }
0x31: {  	p0 =	seq.s32 s31, $0x0  }
0x32: {  	s19 =	simm.s32 @!p0 $0x6;
	s1 =	sadd.s32 s5, s1  }
0x33: {  	_ =	swait.ge @!p0 [sflag:s19], $0x1400;
	s1 =	sshll.u32 s1, $0x4  }
0x34: {  	[sflag:s19] =	ssyncset.done @!p0 $0x0;
	s1 =	sand.u32 $0x1FFFFF80, s1  }
0x35: {  	s20 =	simm.s32 $0x0;
	[sflag:s19] =	ssyncadd.s32 @!p0 $0xFFFFEC00;
	s1 =	sadd.s32 s6, s1  }
0x36: {  	[tilespmem:s23], [sflag:$0x4] =	stream.linear.gather [hbm4b:s1+s20], $0x1400, $0x38;
	[tilespmem:$0x1D6A0] =	vst v63  }
0x37: {  	_ =	swait.ge [sflag:s24], $0x1400  }
0x38: {  	[sflag:s24] =	ssyncset.done $0x0  }
0x39: {  	[sflag:s24] =	ssyncadd.s32 $0xFFFFEC00  }
0x3a: {  	_ =	swait.ge [sflag:s25], $0x1400  }
0x3b: {  	[sflag:s25] =	ssyncset.done $0x0  }
0x3c: {  	s19 =	simm.s32 $0x0;
	[sflag:s25] =	ssyncadd.s32 $0xFFFFEC00  }
0x3d: {  	v6 =	vld [tilespmem:s19+$0x186A0]  }
0x3e: {  	v11 =	vld [tilespmem:s19+$0x186B0]  }
0x3f: {  	v5 =	vld [tilespmem:s19+$0x186C0]  }
0x40: {  	v4 =	vld [tilespmem:s19+$0x186D0]  }
0x41: {  	v3 =	vld [tilespmem:s19+$0x186E0]  }
0x42: {  	v2 =	vld [tilespmem:s19+$0x186F0]  }
0x43: {  	v1 =	vld [tilespmem:s19+$0x18700]  }
0x44: {  	v0 =	vld [tilespmem:s19+$0x18710]  }
0x45: {  	v12 =	vld [tilespmem:s19+$0x1AEA0]  }
0x46: {  	v13 =	vld [tilespmem:s19+$0x1AEB0]  }
0x47: {  	v10 =	vld [tilespmem:s19+$0x1AEC0]  }
0x48: {  	v9 =	vld [tilespmem:s19+$0x1AED0]  }
0x49: {  	v8 =	vld [tilespmem:s19+$0x1AEE0]  }
0x4a: {  	v7 =	vld [tilespmem:s19+$0x1AEF0];
	v12 =	vadd.f32 v12, v6  }
0x4b: {  	s1 =	simm.s32 $0x200;
	v11 =	vadd.f32 v13, v11;
	v6 =	vld [tilespmem:s19+$0x1AF00]  }
.LBB2_3:
0x4c: {  	s20 =	sshra.s32 s1, $0x2;
	p0 =	sne.s32 s1, $0x4E00;
	v12 =	vmax.f32 v12, $0.0e+00;
	v5 =	vadd.f32 v10, v5;
	v10 =	vld [tilespmem:s19+$0x1AF10]  }
0x4d: {  	v13 =	vld [tilespmem:s20+$0x186A0];
	v12 =	vadd.f32 $1.000000010e-07, v12;
	v11 =	vmax.f32 v11, $0.0e+00;
	v4 =	vadd.f32 v9, v4  }
0x4e: {  	v14 =	vld [tilespmem:s20+$0x186B0];
	v9 =	vadd.f32 $1.000000010e-07, v11;
	v11 =	vmax.f32 v5, $0.0e+00;
	v3 =	vadd.f32 v8, v3  }
0x4f: {  	v5 =	vld [tilespmem:s20+$0x186C0];
	[tilespmem:s19+$0x1AEA0] =	vst v12;
	v8 =	vadd.f32 $1.000000010e-07, v11;
	v11 =	vmax.f32 v4, $0.0e+00;
	v2 =	vadd.f32 v7, v2  }
0x50: {  	v4 =	vld [tilespmem:s20+$0x186D0];
	[tilespmem:s19+$0x1AEB0] =	vst v9;
	v7 =	vadd.f32 $1.000000010e-07, v11;
	v9 =	vmax.f32 v3, $0.0e+00;
	v1 =	vadd.f32 v6, v1  }
0x51: {  	v3 =	vld [tilespmem:s20+$0x186E0];
	[tilespmem:s19+$0x1AEC0] =	vst v8;
	v6 =	vadd.f32 $1.000000010e-07, v9;
	v8 =	vmax.f32 v2, $0.0e+00;
	v0 =	vadd.f32 v10, v0  }
0x52: {  	v2 =	vld [tilespmem:s20+$0x186F0];
	[tilespmem:s19+$0x1AED0] =	vst v7;
	v7 =	vadd.f32 $1.000000010e-07, v8;
	v8 =	vmax.f32 v1, $0.0e+00  }
0x53: {  	v1 =	vld [tilespmem:s20+$0x18700];
	[tilespmem:s19+$0x1AEE0] =	vst v6;
	v6 =	vadd.f32 $1.000000010e-07, v8;
	v8 =	vmax.f32 v0, $0.0e+00  }
0x54: {  	v0 =	vld [tilespmem:s20+$0x18710];
	[tilespmem:s19+$0x1AEF0] =	vst v7;
	v7 =	vadd.f32 $1.000000010e-07, v8  }
0x55: {  	v11 =	vld [tilespmem:s20+$0x1AEA0];
	[tilespmem:s19+$0x1AF00] =	vst v6  }
0x56: {  	v6 =	vld [tilespmem:s20+$0x1AEB0];
	[tilespmem:s19+$0x1AF10] =	vst v7;
	s19 =	smov.u32 s20  }
.Ltmp2:
0x57: {  	v10 =	vld [tilespmem:s19+$0x1AEC0];
	(pc) =	sbr.rel @p0 .LBB2_3-.Ltmp2, $4  }
0x58: {  	v9 =	vld [tilespmem:s19+$0x1AED0]  }
0x59: {  	v8 =	vld [tilespmem:s19+$0x1AEE0]  }
0x5a: {  	v12 =	vadd.f32 v11, v13;
	v7 =	vld [tilespmem:s19+$0x1AEF0]  }
0x5b: {  	s1 =	sadd.s32 $0x200, s1;
	v11 =	vadd.f32 v6, v14;
	v6 =	vld [tilespmem:s19+$0x1AF00]  }
0x5c: {  	v12 =	vmax.f32 v12, $0.0e+00;
	v5 =	vadd.f32 v10, v5;
	v10 =	vld [tilespmem:s19+$0x1AF10]  }
0x5d: {  	v12 =	vadd.f32 $1.000000010e-07, v12;
	v11 =	vmax.f32 v11, $0.0e+00;
	v4 =	vadd.f32 v9, v4  }
0x5e: {  	v9 =	vadd.f32 $1.000000010e-07, v11;
	v5 =	vmax.f32 v5, $0.0e+00;
	v3 =	vadd.f32 v8, v3  }
0x5f: {  	[tilespmem:s19+$0x1AEA0] =	vst v12;
	v5 =	vadd.f32 $1.000000010e-07, v5;
	v4 =	vmax.f32 v4, $0.0e+00;
	v2 =	vadd.f32 v7, v2  }
0x60: {  	[tilespmem:s19+$0x1AEB0] =	vst v9;
	v4 =	vadd.f32 $1.000000010e-07, v4;
	v3 =	vmax.f32 v3, $0.0e+00;
	v1 =	vadd.f32 v6, v1  }
0x61: {  	[tilespmem:s19+$0x1AEC0] =	vst v5;
	v3 =	vadd.f32 $1.000000010e-07, v3;
	v2 =	vmax.f32 v2, $0.0e+00;
	v0 =	vadd.f32 v10, v0  }
0x62: {  	[tilespmem:s19+$0x1AED0] =	vst v4;
	v2 =	vadd.f32 $1.000000010e-07, v2;
	v1 =	vmax.f32 v1, $0.0e+00  }
0x63: {  	s1 =	smul.u32 $0x140, s31;
	[tilespmem:s19+$0x1AEE0] =	vst v3;
	v1 =	vadd.f32 $1.000000010e-07, v1;
	v0 =	vmax.f32 v0, $0.0e+00  }
0x64: {  	[tilespmem:s19+$0x1AEF0] =	vst v2;
	v0 =	vadd.f32 $1.000000010e-07, v0  }
0x65: {  	p0 =	seq.s32 s31, $0x7C;
	s1 =	sshra.s32 s1, $0x2;
	[tilespmem:s19+$0x1AF00] =	vst v1  }
0x66: {  	s15 =	sadd.s32 @!p0 $0x2, s15;
	s20 =	sadd.s32 $0x15F90, s1;
	[tilespmem:s19+$0x1AF10] =	vst v0;
	s19 =	simm.s32 @p0 $0x5  }
0x67: {  	[spmem:s2] =	stream.indirect.scatter.add.f32 [tilespmem:s22], [sflag:$0x5], $0x80, s20, s18, $0xb8;
	[tilespmem:$0x1D6A0] =	vst v63  }
0x68: {  	s20 =	smul.u32 @!p0 $0xA0, s15;
	_ =	swait.ge @p0 [sflag:s19], $0x1400  }
0x69: {  	[sflag:s19] =	ssyncset.done @p0 $0x0  }
0x6a: {  	[sflag:s19] =	ssyncadd.s32 @p0 $0xFFFFEC00;
	s19 =	sshra.s32 @!p0 s20, $0x2  }
0x6b: {  	s7 =	simm.s32 @!p0 $0x186A0;
	s20 =	simm.s32 @!p0 $0x28;
	s19 =	sadd.s32 @!p0 $0x13880, s19  }
0x6c: {  	[tilespmem:s7], [sflag:$0x1] =	stream.indirect.gather @!p0 [hbm4b:s4+s20], $0x80, s19, s20, $0xb8;
	[tilespmem:$0x1D6A0] =	vst v63  }
0x6d: {  	s7 =	smul.u32 @!p0 $0x28, s15;
	_ =	sdelay $0x1  }
0x6e: {  	s15 =	simm.s32 @!p0 $0x5;
	s7 =	sadd.s32 @!p0 s5, s7  }
0x6f: {  	_ =	swait.ge @!p0 [sflag:s15], $0x1400;
	s7 =	sshll.u32 @!p0 s7, $0x4  }
0x70: {  	s19 =	simm.s32 @!p0 $0x1AEA0;
	[sflag:s15] =	ssyncset.done @!p0 $0x0;
	s7 =	sand.u32 @!p0 $0x1FFFFF00, s7  }
0x71: {  	[sflag:s15] =	ssyncadd.s32 @!p0 $0xFFFFEC00;
	s15 =	simm.s32 @!p0 $0x0;
	s7 =	sadd.s32 @!p0 s6, s7  }
0x72: {  	[tilespmem:s19], [sflag:$0x3] =	stream.linear.gather @!p0 [hbm4b:s7+s15], $0x1400, $0x38;
	[tilespmem:$0x1D6A0] =	vst v63  }
0x73: {  	_ =	swait.ge [sflag:s26], $0x1400  }
0x74: {  	[sflag:s26] =	ssyncset.done $0x0  }
0x75: {  	[sflag:s26] =	ssyncadd.s32 $0xFFFFEC00  }
0x76: {  	_ =	swait.ge [sflag:s28], $0x1400  }
0x77: {  	[sflag:s28] =	ssyncset.done $0x0  }
0x78: {  	s15 =	simm.s32 $0x0;
	[sflag:s28] =	ssyncadd.s32 $0xFFFFEC00  }
0x79: {  	v6 =	vld [tilespmem:s15+$0x19AA0]  }
0x7a: {  	v11 =	vld [tilespmem:s15+$0x19AB0]  }
0x7b: {  	v5 =	vld [tilespmem:s15+$0x19AC0]  }
0x7c: {  	v4 =	vld [tilespmem:s15+$0x19AD0]  }
0x7d: {  	v3 =	vld [tilespmem:s15+$0x19AE0]  }
0x7e: {  	v2 =	vld [tilespmem:s15+$0x19AF0]  }
0x7f: {  	v1 =	vld [tilespmem:s15+$0x19B00]  }
0x80: {  	v0 =	vld [tilespmem:s15+$0x19B10]  }
0x81: {  	v12 =	vld [tilespmem:s15+$0x1C2A0]  }
0x82: {  	v13 =	vld [tilespmem:s15+$0x1C2B0]  }
0x83: {  	v10 =	vld [tilespmem:s15+$0x1C2C0]  }
0x84: {  	v9 =	vld [tilespmem:s15+$0x1C2D0]  }
0x85: {  	v8 =	vld [tilespmem:s15+$0x1C2E0]  }
0x86: {  	v7 =	vld [tilespmem:s15+$0x1C2F0];
	v12 =	vadd.f32 v12, v6  }
0x87: {  	s19 =	simm.s32 $0x200;
	v11 =	vadd.f32 v13, v11;
	v6 =	vld [tilespmem:s15+$0x1C300]  }
.LBB2_5:
0x88: {  	s7 =	sshra.s32 s19, $0x2;
	p1 =	sne.s32 s19, $0x4E00;
	v12 =	vmax.f32 v12, $0.0e+00;
	v5 =	vadd.f32 v10, v5;
	v10 =	vld [tilespmem:s15+$0x1C310]  }
0x89: {  	v13 =	vld [tilespmem:s7+$0x19AA0];
	v12 =	vadd.f32 $1.000000010e-07, v12;
	v11 =	vmax.f32 v11, $0.0e+00;
	v4 =	vadd.f32 v9, v4  }
0x8a: {  	v14 =	vld [tilespmem:s7+$0x19AB0];
	v9 =	vadd.f32 $1.000000010e-07, v11;
	v11 =	vmax.f32 v5, $0.0e+00;
	v3 =	vadd.f32 v8, v3  }
0x8b: {  	v5 =	vld [tilespmem:s7+$0x19AC0];
	[tilespmem:s15+$0x1C2A0] =	vst v12;
	v8 =	vadd.f32 $1.000000010e-07, v11;
	v11 =	vmax.f32 v4, $0.0e+00;
	v2 =	vadd.f32 v7, v2  }
0x8c: {  	v4 =	vld [tilespmem:s7+$0x19AD0];
	[tilespmem:s15+$0x1C2B0] =	vst v9;
	v7 =	vadd.f32 $1.000000010e-07, v11;
	v9 =	vmax.f32 v3, $0.0e+00;
	v1 =	vadd.f32 v6, v1  }
0x8d: {  	v3 =	vld [tilespmem:s7+$0x19AE0];
	[tilespmem:s15+$0x1C2C0] =	vst v8;
	v6 =	vadd.f32 $1.000000010e-07, v9;
	v8 =	vmax.f32 v2, $0.0e+00;
	v0 =	vadd.f32 v10, v0  }
0x8e: {  	v2 =	vld [tilespmem:s7+$0x19AF0];
	[tilespmem:s15+$0x1C2D0] =	vst v7;
	v7 =	vadd.f32 $1.000000010e-07, v8;
	v8 =	vmax.f32 v1, $0.0e+00  }
0x8f: {  	v1 =	vld [tilespmem:s7+$0x19B00];
	[tilespmem:s15+$0x1C2E0] =	vst v6;
	v6 =	vadd.f32 $1.000000010e-07, v8;
	v8 =	vmax.f32 v0, $0.0e+00  }
0x90: {  	v0 =	vld [tilespmem:s7+$0x19B10];
	[tilespmem:s15+$0x1C2F0] =	vst v7;
	v7 =	vadd.f32 $1.000000010e-07, v8  }
0x91: {  	v11 =	vld [tilespmem:s7+$0x1C2A0];
	[tilespmem:s15+$0x1C300] =	vst v6  }
0x92: {  	v6 =	vld [tilespmem:s7+$0x1C2B0];
	[tilespmem:s15+$0x1C310] =	vst v7;
	s15 =	smov.u32 s7  }
.Ltmp3:
0x93: {  	v10 =	vld [tilespmem:s15+$0x1C2C0];
	(pc) =	sbr.rel @p1 .LBB2_5-.Ltmp3, $4  }
0x94: {  	v9 =	vld [tilespmem:s15+$0x1C2D0]  }
0x95: {  	v8 =	vld [tilespmem:s15+$0x1C2E0]  }
0x96: {  	v12 =	vadd.f32 v11, v13;
	v7 =	vld [tilespmem:s15+$0x1C2F0]  }
0x97: {  	s19 =	sadd.s32 $0x200, s19;
	v11 =	vadd.f32 v6, v14;
	v6 =	vld [tilespmem:s15+$0x1C300]  }
0x98: {  	v12 =	vmax.f32 v12, $0.0e+00;
	v5 =	vadd.f32 v10, v5;
	v62 =	vld [tilespmem:s15+$0x1C310]  }
0x99: {  	v12 =	vadd.f32 $1.000000010e-07, v12;
	v11 =	vmax.f32 v11, $0.0e+00;
	v4 =	vadd.f32 v9, v4  }
0x9a: {  	v63 =	vadd.f32 $1.000000010e-07, v11;
	v5 =	vmax.f32 v5, $0.0e+00;
	v3 =	vadd.f32 v8, v3  }
0x9b: {  	[tilespmem:s15+$0x1C2A0] =	vst v12;
	v5 =	vadd.f32 $1.000000010e-07, v5;
	v4 =	vmax.f32 v4, $0.0e+00;
	v2 =	vadd.f32 v7, v2  }
0x9c: {  	[tilespmem:s15+$0x1C2B0] =	vst v63;
	v4 =	vadd.f32 $1.000000010e-07, v4;
	v3 =	vmax.f32 v3, $0.0e+00;
	v1 =	vadd.f32 v6, v1  }
0x9d: {  	[tilespmem:s15+$0x1C2C0] =	vst v5;
	v3 =	vadd.f32 $1.000000010e-07, v3;
	v2 =	vmax.f32 v2, $0.0e+00;
	v0 =	vadd.f32 v62, v0  }
0x9e: {  	s0 =	smul.u32 $0xA0, s0;
	[tilespmem:s15+$0x1C2D0] =	vst v4;
	v2 =	vadd.f32 $1.000000010e-07, v2;
	v1 =	vmax.f32 v1, $0.0e+00  }
.Ltmp4:
0x9f: {  	[tilespmem:s15+$0x1C2E0] =	vst v3;
	v1 =	vadd.f32 $1.000000010e-07, v1;
	v0 =	vmax.f32 v0, $0.0e+00;
	(pc) =	sbr.rel @p0 .LBB2_8-.Ltmp4, $4  }
0xa0: {  	[tilespmem:s15+$0x1C2F0] =	vst v2;
	v0 =	vadd.f32 $1.000000010e-07, v0  }
0xa1: {  	s0 =	sshra.s32 s0, $0x2;
	[tilespmem:s15+$0x1C300] =	vst v1  }
0xa2: {  	s0 =	sadd.s32 $0x15F90, s0;
	[tilespmem:s15+$0x1C310] =	vst v0  }
0xa3: {  	[spmem:s2] =	stream.indirect.scatter.add.f32 [tilespmem:s23], [sflag:$0x6], $0x80, s0, s18, $0xb8;
	[tilespmem:$0x1D6A0] =	vst v63  }
.Ltmp5:
0xa4: {  	(pc) =	sbr.rel .LBB2_2-.Ltmp5, $3  }
0xa5: {  	_ =	sdelay $0x1  }
0xa6: {  	s0 =	sadd.s32 $0x138F8, s1;
	s31 =	sadd.s32 $0x1, s31  }
0xa7: {  	[tilespmem:s21], [sflag:$0x2] =	stream.indirect.gather [hbm4b:s4+s18], $0x80, s0, s18, $0xb8;
	[tilespmem:$0x1D6A0] =	vst v63  }
.LBB2_9:
0xa8: {  	_ =	sfence.sel $0x180000  }
0xa9: {  	[bflag:$0x0] =	sbarrier.arrive $0xFFFF  }
0xaa: {  	_ =	strace $0x9000004D  }
0xab: {  	s0 =	stileid.u32;
	[bflag:$0x2] =	sbarrier.arrive $0xFFFF  }
0xac: {  	p0 =	sne.s32 s0, $0x0;
	s0 =	rddreg [dreg:$0x2]  }
0xad: {  	s0 =	sadd.s32 @!p0 $0x100000, s0  }
0xae: {  	[sflag:s0] =	ssyncadd.tile.s32 @!p0 $0x1;
	_ =	shalt  }
.Lfunc_end2:
_tile_overlayer_lowered:
.L_overlay_start_2:
0xaf: {  	(tag) =	ssettag $0x2  }
0xb0: {  	s0 =	rddreg [dreg:$0x0];
	s2 =	stileid.u32  }
0xb1: {  	s1 =	rddreg [dreg:$0x1];
	p0 =	sne.s32 s2, $0x0  }
0xb2: {  	s3 =	rddreg [dreg:$0x2];
	[bflag:$0x3] =	sbarrier.arrive $0xFFFF;
	s2 =	simm.s32 @!p0 $0x1C07  }
0xb3: {  	[timem:s3], [sflag:s2] =	dma.local @!p0 [hbm:s0], s1  }
0xb4: {  	s0 =	simm.s32 @!p0 $0x7  }
0xb5: {  	_ =	swait.ge @!p0 [sflag:s0], s1  }
0xb6: {  	s1 =	ssub.s32 @!p0 $0x0, s1;
	[sflag:s0] =	ssyncset.done @!p0 $0x0  }
0xb7: {  	[sflag:s0] =	ssyncadd.s32 @!p0 s1  }
0xb8: {  	[bflag:$0x3] =	sbarrier.arrive $0xFFFF  }
0xb9: {  	_ =	shalt  }

</sc_bundles>
